<compile_context>
chip_gen: v7x
topology: tpu7x:2x2x1
jax: 0.10.2.dev20260603
libtpu: 0.0.44.dev20260713+nightly
codegen_flags: <defaults>
</compile_context>

<pallas_src>
import functools

import jax
import jax.numpy as jnp
from jax import lax
from jax.experimental import pallas as pl
from jax.experimental.pallas import tpu as pltpu
from jax.experimental.pallas import tpu_sc as plsc

_N = 10000
_D = 128
_E = 320000
_G = 64

_NC = 2
_NS = 16
_CHUNK = 128
_TOTCH = 2560
_K0 = 80
_K1 = (_TOTCH // _NS) - _K0
_GRP = 40
_EPAD = _TOTCH * _CHUNK
_RPAD = 10240
_RPT = _RPAD // _NS
_BLK = 512


@functools.lru_cache(maxsize=None)
def _edge_agg_kernel():
    return functools.partial(
        pl.kernel,
        out_type=jax.ShapeDtypeStruct((_NC, _RPAD, _D), jnp.float32),
        mesh=plsc.VectorSubcoreMesh(
            core_axis_name="c", subcore_axis_name="s", num_cores=_NC, num_subcores=_NS
        ),
        scratch_types=[
            pltpu.VMEM((_GRP, _CHUNK), jnp.int32),
            pltpu.VMEM((_GRP, _CHUNK), jnp.int32),
            pltpu.VMEM((_CHUNK, _D), jnp.float32),
            pltpu.VMEM((_CHUNK, _D), jnp.float32),
            pltpu.VMEM_SHARED((_RPAD, _D), jnp.float32),
            pltpu.SemaphoreType.DMA,
            pltpu.SemaphoreType.DMA,
        ],
    )(_edge_agg_body)


def _edge_agg_body(feat, srcs, dsts, out, src_v, dst_v, rows_a, rows_b, acc, sem_a, sem_b):
    cid = lax.axis_index("c")
    sid = lax.axis_index("s")
    base = sid * _RPT

    def zrow(i, carry):
        rows_a[lax.div(i, 8), pl.ds(lax.rem(i, 8) * 16, 16)] = jnp.zeros(
            (16,), jnp.float32)
        return carry

    lax.fori_loop(0, _CHUNK * 8, zrow, 0)
    for r in range(_RPT // _CHUNK):
        pltpu.sync_copy(rows_a, acc.at[pl.ds(base + r * _CHUNK, _CHUNK)])
    plsc.subcore_barrier()

    def run_chunks(tile0, ngrp):
        for g in range(ngrp):
            goff = tile0 + g * _GRP
            pltpu.sync_copy(srcs.at[pl.ds(goff, _GRP)], src_v)
            pltpu.sync_copy(dsts.at[pl.ds(goff, _GRP)], dst_v)
            pltpu.async_copy(feat.at[src_v.at[0]], rows_a, sem_a)

            def chunk(j, carry):
                @pl.when(lax.rem(j, 2) == 0)
                def _():
                    @pl.when(j + 1 < _GRP)
                    def _():
                        pltpu.async_copy(feat.at[src_v.at[j + 1]], rows_b, sem_b)
                    pltpu.make_async_copy(feat.at[src_v.at[j]], rows_a, sem_a).wait()
                    pltpu.sync_copy(rows_a, acc.at[dst_v.at[j]], add=True)

                @pl.when(lax.rem(j, 2) == 1)
                def _():
                    @pl.when(j + 1 < _GRP)
                    def _():
                        pltpu.async_copy(feat.at[src_v.at[j + 1]], rows_a, sem_a)
                    pltpu.make_async_copy(feat.at[src_v.at[j]], rows_b, sem_b).wait()
                    pltpu.sync_copy(rows_b, acc.at[dst_v.at[j]], add=True)

                return carry

            lax.fori_loop(0, _GRP, chunk, 0)

    @pl.when(cid == 0)
    def _():
        run_chunks(sid * _K0, _K0 // _GRP)

    @pl.when(cid == 1)
    def _():
        run_chunks(_NS * _K0 + sid * _K1, _K1 // _GRP)

    plsc.subcore_barrier()
    pltpu.sync_copy(acc.at[pl.ds(base, _RPT)], out.at[cid, pl.ds(base, _RPT)])


def _dot_t(a, w):
    return lax.dot_general(a, w, (((1,), (1,)), ((), ())),
                           preferred_element_type=jnp.float32)


def _conv_body(agg_ref, feat_ref, wl_ref, bl_ref, wr_ref, out_ref):
    a = agg_ref[0] + agg_ref[1]
    h = _dot_t(a, wl_ref[...]) + bl_ref[...] + _dot_t(feat_ref[...], wr_ref[...])
    out_ref[...] = jnp.maximum(h, 0.0)


_conv_tc = pl.pallas_call(
    _conv_body,
    grid=(_RPAD // _BLK,),
    in_specs=[
        pl.BlockSpec((_NC, _BLK, _D), lambda i: (0, i, 0)),
        pl.BlockSpec((_BLK, _D), lambda i: (i, 0)),
        pl.BlockSpec((_D, _D), lambda i: (0, 0)),
        pl.BlockSpec((1, _D), lambda i: (0, 0)),
        pl.BlockSpec((_D, _D), lambda i: (0, 0)),
    ],
    out_specs=pl.BlockSpec((_BLK, _D), lambda i: (i, 0)),
    out_shape=jax.ShapeDtypeStruct((_RPAD, _D), jnp.float32),
)


def _conv_pool_body(agg_ref, feat_ref, batch_ref, wl_ref, bl_ref, wr_ref,
                    w1_ref, b1_ref, w2_ref, b2_ref, w3_ref, b3_ref,
                    out_ref, pooled):
    i = pl.program_id(0)
    a = agg_ref[0] + agg_ref[1]
    h = jnp.maximum(
        _dot_t(a, wl_ref[...]) + bl_ref[...] + _dot_t(feat_ref[...], wr_ref[...]),
        0.0,
    )
    bb = batch_ref[0, 0, :]
    onehot = (bb[None, :] == lax.broadcasted_iota(jnp.int32, (_G, _BLK), 0)
              ).astype(jnp.float32)
    contrib = jnp.dot(onehot, h, preferred_element_type=jnp.float32)

    @pl.when(i == 0)
    def _():
        pooled[...] = contrib

    @pl.when(i > 0)
    def _():
        pooled[...] = pooled[...] + contrib

    @pl.when(i == pl.num_programs(0) - 1)
    def _():
        z = jnp.maximum(_dot_t(pooled[...], w1_ref[...]) + b1_ref[...], 0.0)
        z = jnp.maximum(_dot_t(z, w2_ref[...]) + b2_ref[...], 0.0)
        out_ref[...] = _dot_t(z, w3_ref[...]) + b3_ref[...]


_conv_pool_tc = pl.pallas_call(
    _conv_pool_body,
    grid=(_RPAD // _BLK,),
    in_specs=[
        pl.BlockSpec((_NC, _BLK, _D), lambda i: (0, i, 0)),
        pl.BlockSpec((_BLK, _D), lambda i: (i, 0)),
        pl.BlockSpec((1, 1, _BLK), lambda i: (i, 0, 0)),
        pl.BlockSpec((_D, _D), lambda i: (0, 0)),
        pl.BlockSpec((1, _D), lambda i: (0, 0)),
        pl.BlockSpec((_D, _D), lambda i: (0, 0)),
        pl.BlockSpec((64, _D), lambda i: (0, 0)),
        pl.BlockSpec((1, 64), lambda i: (0, 0)),
        pl.BlockSpec((32, 64), lambda i: (0, 0)),
        pl.BlockSpec((1, 32), lambda i: (0, 0)),
        pl.BlockSpec((10, 32), lambda i: (0, 0)),
        pl.BlockSpec((1, 10), lambda i: (0, 0)),
    ],
    out_specs=pl.BlockSpec((_G, 10), lambda i: (0, 0)),
    out_shape=jax.ShapeDtypeStruct((_G, 10), jnp.float32),
    scratch_shapes=[pltpu.VMEM((_G, _D), jnp.float32)],
)


def kernel(x, edge_index, batch, Wl1, bl1, Wr1, Wl2, bl2, Wr2, W1, b1, W2, b2, W3, b3):
    src = edge_index[0]
    dst = edge_index[1]
    pad_e = _EPAD - _E
    pad_src = jnp.arange(pad_e, dtype=jnp.int32) % _N
    srcs = jnp.concatenate([src, pad_src]).reshape(_TOTCH, _CHUNK)
    pad_dst = _N + (jnp.arange(pad_e, dtype=jnp.int32) % (_RPAD - _N))
    dsts = jnp.concatenate([dst, pad_dst]).reshape(_TOTCH, _CHUNK)
    xp = jnp.pad(x, ((0, _RPAD - _N), (0, 0)))
    batch_r = jnp.pad(batch, (0, _RPAD - _N), constant_values=_G).reshape(
        _RPAD // _BLK, 1, _BLK)

    edge_agg = _edge_agg_kernel()
    agg1 = edge_agg(xp, srcs, dsts)
    h1 = _conv_tc(agg1, xp, Wl1, bl1.reshape(1, -1), Wr1)
    agg2 = edge_agg(h1, srcs, dsts)
    out = _conv_pool_tc(agg2, h1, batch_r, Wl2, bl2.reshape(1, -1), Wr2,
                        W1, b1.reshape(1, -1), W2, b2.reshape(1, -1),
                        W3, b3.reshape(1, -1))
    return out

# --- scband reference (transcript-rebuilt; emitter-appended) ---
"""Pipeline reference for scband-sage-66718021976360 (READ-ONLY COPY).

The authoritative reference and input builder live on the scoring server;
editing this copy changes nothing except your own understanding.
"""

import jax, jax.numpy as jnp
import numpy as np

N = 10000
E = 320000
D = 128
NUM_GRAPHS = 64
C = [128, 128, 64, 32, 10]


def setup_inputs(seed: int = 0) -> dict:
    key = jax.random.key(seed)
    ks = jax.random.split(key, 20)
    x = jax.random.normal(ks[0], (N, D), dtype=jnp.float32)
    edge_index = jax.random.randint(ks[1], (2, E), 0, N, dtype=jnp.int32)
    batch = jnp.sort(jax.random.randint(ks[2], (N,), 0, NUM_GRAPHS, dtype=jnp.int32))
    s = 0.05
    # SAGEConv1: in=D, out=C[0]; lin_l (with bias) applied to aggregated neighbors, lin_r (no bias) to self
    Wl1 = jax.random.normal(ks[3], (C[0], D), dtype=jnp.float32) * s
    bl1 = jnp.zeros((C[0],), dtype=jnp.float32)
    Wr1 = jax.random.normal(ks[4], (C[0], D), dtype=jnp.float32) * s
    # SAGEConv2: in=C[0], out=C[1]
    Wl2 = jax.random.normal(ks[5], (C[1], C[0]), dtype=jnp.float32) * s
    bl2 = jnp.zeros((C[1],), dtype=jnp.float32)
    Wr2 = jax.random.normal(ks[6], (C[1], C[0]), dtype=jnp.float32) * s
    # Linear layers
    W1 = jax.random.normal(ks[7], (C[2], C[1]), dtype=jnp.float32) * s
    b1 = jnp.zeros((C[2],), dtype=jnp.float32)
    W2 = jax.random.normal(ks[8], (C[3], C[2]), dtype=jnp.float32) * s
    b2 = jnp.zeros((C[3],), dtype=jnp.float32)
    W3 = jax.random.normal(ks[9], (C[4], C[3]), dtype=jnp.float32) * s
    b3 = jnp.zeros((C[4],), dtype=jnp.float32)
    return {"x": x, "edge_index": edge_index, "batch": batch,
            "Wl1": Wl1, "bl1": bl1, "Wr1": Wr1,
            "Wl2": Wl2, "bl2": bl2, "Wr2": Wr2,
            "W1": W1, "b1": b1, "W2": W2, "b2": b2, "W3": W3, "b3": b3}


def _sage_conv(h, src, dst, Wl, bl, Wr):
    # PyG SAGEConv with aggr='sum': out = lin_l(sum_{j->i} x_j) + lin_r(x_i)
    msg = h[src]
    agg = jnp.zeros_like(h).at[dst].add(msg)
    return agg @ Wl.T + bl + h @ Wr.T


def reference(x, edge_index, batch, Wl1, bl1, Wr1, Wl2, bl2, Wr2, W1, b1, W2, b2, W3, b3):
    src = edge_index[0]
    dst = edge_index[1]
    h = jax.nn.relu(_sage_conv(x, src, dst, Wl1, bl1, Wr1))
    h = jax.nn.relu(_sage_conv(h, src, dst, Wl2, bl2, Wr2))
    pooled = jax.ops.segment_sum(h, batch, num_segments=NUM_GRAPHS)
    h = jax.nn.relu(pooled @ W1.T + b1)
    h = jax.nn.relu(h @ W2.T + b2)
    out = h @ W3.T + b3
    return out

if __name__ == "__main__":
    import jax
    _d = setup_inputs()
    print(jax.jit(kernel)(*tuple(_d.values())))

</pallas_src>

<mosaic_0001>
#map = affine_map<(d0, d1) -> (0, 0)>
#map1 = affine_map<(d0, d1) -> (0, 0, 0)>
module attributes {stable_mosaic.version = 14 : i64} {
  func.func @_edge_agg_body(%arg0: i32, %arg1: i32, %arg2: memref<10240x128xf32, #tpu.memory_space<hbm>>, %arg3: memref<2560x128xi32, #tpu.memory_space<hbm>>, %arg4: memref<2560x128xi32, #tpu.memory_space<hbm>>, %arg5: memref<2x10240x128xf32, #tpu.memory_space<hbm>>, %arg6: memref<40x128xi32, #tpu.memory_space<vmem>>, %arg7: memref<40x128xi32, #tpu.memory_space<vmem>>, %arg8: memref<128x128xf32, #tpu.memory_space<vmem>>, %arg9: memref<128x128xf32, #tpu.memory_space<vmem>>, %arg10: memref<10240x128xf32, #tpu.memory_space<vmem_shared>>, %arg11: memref<!tpu.dma_semaphore, #tpu.memory_space<semaphore_mem>>, %arg12: memref<!tpu.dma_semaphore, #tpu.memory_space<semaphore_mem>>) attributes {dimension_semantics = [#tpu.dimension_semantics<core_parallel>, #tpu.dimension_semantics<subcore_parallel>], iteration_bounds = array<i64: 2, 16>, scalar_prefetch = 0 : i64, scratch_operands = 7 : i64, tpu.core_type = #tpu.core_type<sc_vector_subcore>, window_params = [{transform_indices = #map}, {transform_indices = #map}, {transform_indices = #map}, {transform_indices = #map1}]} {
    %mul3A = arith.constant 640 : i32
    %mul3A_0 = arith.muli %arg1, %mul3A : i32
    %scan3A = arith.constant 0 : i32
    %scan3A_1 = arith.constant 0 : i32
    %scan3A_2 = arith.constant 1024 : i32
    %scan3A_3 = arith.addi %scan3A_1, %scan3A_2 : i32
    %scan3A_4 = arith.constant 1 : i32
    scf.for %scan3A_23 = %scan3A_1 to %scan3A_3 step %scan3A_4  : i32 {
      %broadcast_in_dim3A = arith.constant 0.000000e+00 : f32
      %broadcast_in_dim3A_24 = vector.broadcast %broadcast_in_dim3A : f32 to vector<16xf32>
      %div3A = arith.constant 8 : i32
      %div3A_25 = arith.divsi %scan3A_23, %div3A : i32
      %rem3A = arith.constant 8 : i32
      %rem3A_26 = arith.remsi %scan3A_23, %rem3A : i32
      %mul3A_27 = arith.constant 16 : i32
      %mul3A_28 = arith.muli %rem3A_26, %mul3A_27 : i32
      %swap3A = arith.index_cast %div3A_25 : i32 to index
      %swap3A_29 = arith.index_cast %mul3A_28 : i32 to index
      %swap3A_30 = tpu.vector_load %arg8[%swap3A, %swap3A_29] {strides = array<i32>} : memref<128x128xf32, #tpu.memory_space<vmem>>, vector<1x16xf32>,
      %swap3A_31 = vector.shape_cast %swap3A_30 : vector<1x16xf32> to vector<16xf32>
      %swap3A_32 = vector.shape_cast %broadcast_in_dim3A_24 : vector<16xf32> to vector<1x16xf32>
      tpu.vector_store %arg8[%swap3A, %swap3A_29], %swap3A_32 {strides = array<i32>} : memref<128x128xf32, #tpu.memory_space<vmem>>, vector<1x16xf32>,
    }
    %scan3A_5 = arith.constant 1024 : i32
    %add3A = arith.constant 0 : i32
    %add3A_6 = arith.addi %mul3A_0, %add3A : i32
    "tpu.region"() ({
      %run_scoped3A = tpu.sem_alloc : memref<!tpu.dma_semaphore, #tpu.memory_space<semaphore_mem>>
      %dma_start3A = arith.constant 0 : i32
      %dma_start3A_23 = tpu.memref_slice %arg10[%add3A_6, %dma_start3A] : memref<10240x128xf32, #tpu.memory_space<vmem_shared>> -> memref<128x128xf32, #tpu.memory_space<vmem_shared>>
      %dma_start3A_24 = arith.constant 0 : i32
      %dma_start3A_25 = tpu.memref_slice %arg10[%add3A_6, %dma_start3A_24] : memref<10240x128xf32, #tpu.memory_space<vmem_shared>> -> memref<128x128xf32, #tpu.memory_space<vmem_shared>>
      tpu.enqueue_dma source(%arg8 : memref<128x128xf32, #tpu.memory_space<vmem>>) target(%dma_start3A_25 : memref<128x128xf32, #tpu.memory_space<vmem_shared>>) target_semaphore(%run_scoped3A : memref<!tpu.dma_semaphore, #tpu.memory_space<semaphore_mem>>)
      %dma_wait3A = arith.constant 0 : i32
      %dma_wait3A_26 = tpu.memref_slice %arg10[%add3A_6, %dma_wait3A] : memref<10240x128xf32, #tpu.memory_space<vmem_shared>> -> memref<128x128xf32, #tpu.memory_space<vmem_shared>>
      %dma_wait3A_27 = arith.constant 0 : i32
      %dma_wait3A_28 = tpu.memref_slice %arg10[%add3A_6, %dma_wait3A_27] : memref<10240x128xf32, #tpu.memory_space<vmem_shared>> -> memref<128x128xf32, #tpu.memory_space<vmem_shared>>
      tpu.wait_dma2 semaphore(%run_scoped3A : memref<!tpu.dma_semaphore, #tpu.memory_space<semaphore_mem>>) src(%arg8 : memref<128x128xf32, #tpu.memory_space<vmem>>) dst(%dma_wait3A_28 : memref<128x128xf32, #tpu.memory_space<vmem_shared>>)
      tpu.yield
    }) : () -> ()
    %add3A_7 = arith.constant 128 : i32
    %add3A_8 = arith.addi %mul3A_0, %add3A_7 : i32
    "tpu.region"() ({
      %run_scoped3A = tpu.sem_alloc : memref<!tpu.dma_semaphore, #tpu.memory_space<semaphore_mem>>
      %dma_start3A = arith.constant 0 : i32
      %dma_start3A_23 = tpu.memref_slice %arg10[%add3A_8, %dma_start3A] : memref<10240x128xf32, #tpu.memory_space<vmem_shared>> -> memref<128x128xf32, #tpu.memory_space<vmem_shared>>
      %dma_start3A_24 = arith.constant 0 : i32
      %dma_start3A_25 = tpu.memref_slice %arg10[%add3A_8, %dma_start3A_24] : memref<10240x128xf32, #tpu.memory_space<vmem_shared>> -> memref<128x128xf32, #tpu.memory_space<vmem_shared>>
      tpu.enqueue_dma source(%arg8 : memref<128x128xf32, #tpu.memory_space<vmem>>) target(%dma_start3A_25 : memref<128x128xf32, #tpu.memory_space<vmem_shared>>) target_semaphore(%run_scoped3A : memref<!tpu.dma_semaphore, #tpu.memory_space<semaphore_mem>>)
      %dma_wait3A = arith.constant 0 : i32
      %dma_wait3A_26 = tpu.memref_slice %arg10[%add3A_8, %dma_wait3A] : memref<10240x128xf32, #tpu.memory_space<vmem_shared>> -> memref<128x128xf32, #tpu.memory_space<vmem_shared>>
      %dma_wait3A_27 = arith.constant 0 : i32
      %dma_wait3A_28 = tpu.memref_slice %arg10[%add3A_8, %dma_wait3A_27] : memref<10240x128xf32, #tpu.memory_space<vmem_shared>> -> memref<128x128xf32, #tpu.memory_space<vmem_shared>>
      tpu.wait_dma2 semaphore(%run_scoped3A : memref<!tpu.dma_semaphore, #tpu.memory_space<semaphore_mem>>) src(%arg8 : memref<128x128xf32, #tpu.memory_space<vmem>>) dst(%dma_wait3A_28 : memref<128x128xf32, #tpu.memory_space<vmem_shared>>)
      tpu.yield
    }) : () -> ()
    %add3A_9 = arith.constant 256 : i32
    %add3A_10 = arith.addi %mul3A_0, %add3A_9 : i32
    "tpu.region"() ({
      %run_scoped3A = tpu.sem_alloc : memref<!tpu.dma_semaphore, #tpu.memory_space<semaphore_mem>>
      %dma_start3A = arith.constant 0 : i32
      %dma_start3A_23 = tpu.memref_slice %arg10[%add3A_10, %dma_start3A] : memref<10240x128xf32, #tpu.memory_space<vmem_shared>> -> memref<128x128xf32, #tpu.memory_space<vmem_shared>>
      %dma_start3A_24 = arith.constant 0 : i32
      %dma_start3A_25 = tpu.memref_slice %arg10[%add3A_10, %dma_start3A_24] : memref<10240x128xf32, #tpu.memory_space<vmem_shared>> -> memref<128x128xf32, #tpu.memory_space<vmem_shared>>
      tpu.enqueue_dma source(%arg8 : memref<128x128xf32, #tpu.memory_space<vmem>>) target(%dma_start3A_25 : memref<128x128xf32, #tpu.memory_space<vmem_shared>>) target_semaphore(%run_scoped3A : memref<!tpu.dma_semaphore, #tpu.memory_space<semaphore_mem>>)
      %dma_wait3A = arith.constant 0 : i32
      %dma_wait3A_26 = tpu.memref_slice %arg10[%add3A_10, %dma_wait3A] : memref<10240x128xf32, #tpu.memory_space<vmem_shared>> -> memref<128x128xf32, #tpu.memory_space<vmem_shared>>
      %dma_wait3A_27 = arith.constant 0 : i32
      %dma_wait3A_28 = tpu.memref_slice %arg10[%add3A_10, %dma_wait3A_27] : memref<10240x128xf32, #tpu.memory_space<vmem_shared>> -> memref<128x128xf32, #tpu.memory_space<vmem_shared>>
      tpu.wait_dma2 semaphore(%run_scoped3A : memref<!tpu.dma_semaphore, #tpu.memory_space<semaphore_mem>>) src(%arg8 : memref<128x128xf32, #tpu.memory_space<vmem>>) dst(%dma_wait3A_28 : memref<128x128xf32, #tpu.memory_space<vmem_shared>>)
      tpu.yield
    }) : () -> ()
    %add3A_11 = arith.constant 384 : i32
    %add3A_12 = arith.addi %mul3A_0, %add3A_11 : i32
    "tpu.region"() ({
      %run_scoped3A = tpu.sem_alloc : memref<!tpu.dma_semaphore, #tpu.memory_space<semaphore_mem>>
      %dma_start3A = arith.constant 0 : i32
      %dma_start3A_23 = tpu.memref_slice %arg10[%add3A_12, %dma_start3A] : memref<10240x128xf32, #tpu.memory_space<vmem_shared>> -> memref<128x128xf32, #tpu.memory_space<vmem_shared>>
      %dma_start3A_24 = arith.constant 0 : i32
      %dma_start3A_25 = tpu.memref_slice %arg10[%add3A_12, %dma_start3A_24] : memref<10240x128xf32, #tpu.memory_space<vmem_shared>> -> memref<128x128xf32, #tpu.memory_space<vmem_shared>>
      tpu.enqueue_dma source(%arg8 : memref<128x128xf32, #tpu.memory_space<vmem>>) target(%dma_start3A_25 : memref<128x128xf32, #tpu.memory_space<vmem_shared>>) target_semaphore(%run_scoped3A : memref<!tpu.dma_semaphore, #tpu.memory_space<semaphore_mem>>)
      %dma_wait3A = arith.constant 0 : i32
      %dma_wait3A_26 = tpu.memref_slice %arg10[%add3A_12, %dma_wait3A] : memref<10240x128xf32, #tpu.memory_space<vmem_shared>> -> memref<128x128xf32, #tpu.memory_space<vmem_shared>>
      %dma_wait3A_27 = arith.constant 0 : i32
      %dma_wait3A_28 = tpu.memref_slice %arg10[%add3A_12, %dma_wait3A_27] : memref<10240x128xf32, #tpu.memory_space<vmem_shared>> -> memref<128x128xf32, #tpu.memory_space<vmem_shared>>
      tpu.wait_dma2 semaphore(%run_scoped3A : memref<!tpu.dma_semaphore, #tpu.memory_space<semaphore_mem>>) src(%arg8 : memref<128x128xf32, #tpu.memory_space<vmem>>) dst(%dma_wait3A_28 : memref<128x128xf32, #tpu.memory_space<vmem_shared>>)
      tpu.yield
    }) : () -> ()
    %add3A_13 = arith.constant 512 : i32
    %add3A_14 = arith.addi %mul3A_0, %add3A_13 : i32
    "tpu.region"() ({
      %run_scoped3A = tpu.sem_alloc : memref<!tpu.dma_semaphore, #tpu.memory_space<semaphore_mem>>
      %dma_start3A = arith.constant 0 : i32
      %dma_start3A_23 = tpu.memref_slice %arg10[%add3A_14, %dma_start3A] : memref<10240x128xf32, #tpu.memory_space<vmem_shared>> -> memref<128x128xf32, #tpu.memory_space<vmem_shared>>
      %dma_start3A_24 = arith.constant 0 : i32
      %dma_start3A_25 = tpu.memref_slice %arg10[%add3A_14, %dma_start3A_24] : memref<10240x128xf32, #tpu.memory_space<vmem_shared>> -> memref<128x128xf32, #tpu.memory_space<vmem_shared>>
      tpu.enqueue_dma source(%arg8 : memref<128x128xf32, #tpu.memory_space<vmem>>) target(%dma_start3A_25 : memref<128x128xf32, #tpu.memory_space<vmem_shared>>) target_semaphore(%run_scoped3A : memref<!tpu.dma_semaphore, #tpu.memory_space<semaphore_mem>>)
      %dma_wait3A = arith.constant 0 : i32
      %dma_wait3A_26 = tpu.memref_slice %arg10[%add3A_14, %dma_wait3A] : memref<10240x128xf32, #tpu.memory_space<vmem_shared>> -> memref<128x128xf32, #tpu.memory_space<vmem_shared>>
      %dma_wait3A_27 = arith.constant 0 : i32
      %dma_wait3A_28 = tpu.memref_slice %arg10[%add3A_14, %dma_wait3A_27] : memref<10240x128xf32, #tpu.memory_space<vmem_shared>> -> memref<128x128xf32, #tpu.memory_space<vmem_shared>>
      tpu.wait_dma2 semaphore(%run_scoped3A : memref<!tpu.dma_semaphore, #tpu.memory_space<semaphore_mem>>) src(%arg8 : memref<128x128xf32, #tpu.memory_space<vmem>>) dst(%dma_wait3A_28 : memref<128x128xf32, #tpu.memory_space<vmem_shared>>)
      tpu.yield
    }) : () -> ()
    %barrier3A = arith.constant 0 : index
    tpu.barrier barrier_id(%barrier3A)
    %eq3A = arith.constant 0 : i32
    %eq3A_15 = arith.cmpi eq, %arg0, %eq3A : i32
    %convert_element_type3A = arith.extui %eq3A_15 : i1 to i32
    %cond3A = arith.constant 0 : i32
    %cond3A_16 = arith.cmpi ne, %convert_element_type3A, %cond3A : i32
    scf.if %cond3A_16 {
      %mul3A_23 = arith.constant 80 : i32
      %mul3A_24 = arith.muli %arg1, %mul3A_23 : i32
      %add3A_25 = arith.constant 0 : i32
      %add3A_26 = arith.addi %mul3A_24, %add3A_25 : i32
      "tpu.region"() ({
        %run_scoped3A = tpu.sem_alloc : memref<!tpu.dma_semaphore, #tpu.memory_space<semaphore_mem>>
        %dma_start3A_54 = arith.constant 0 : i32
        %dma_start3A_55 = tpu.memref_slice %arg3[%add3A_26, %dma_start3A_54] : memref<2560x128xi32, #tpu.memory_space<hbm>> -> memref<40x128xi32, #tpu.memory_space<hbm>>
        %dma_start3A_56 = arith.constant 0 : i32
        %dma_start3A_57 = tpu.memref_slice %arg3[%add3A_26, %dma_start3A_56] : memref<2560x128xi32, #tpu.memory_space<hbm>> -> memref<40x128xi32, #tpu.memory_space<hbm>>
        tpu.enqueue_dma source(%dma_start3A_57 : memref<40x128xi32, #tpu.memory_space<hbm>>) target(%arg6 : memref<40x128xi32, #tpu.memory_space<vmem>>) target_semaphore(%run_scoped3A : memref<!tpu.dma_semaphore, #tpu.memory_space<semaphore_mem>>)
        %dma_wait3A = arith.constant 0 : i32
        %dma_wait3A_58 = tpu.memref_slice %arg3[%add3A_26, %dma_wait3A] : memref<2560x128xi32, #tpu.memory_space<hbm>> -> memref<40x128xi32, #tpu.memory_space<hbm>>
        %dma_wait3A_59 = arith.constant 0 : i32
        %dma_wait3A_60 = tpu.memref_slice %arg3[%add3A_26, %dma_wait3A_59] : memref<2560x128xi32, #tpu.memory_space<hbm>> -> memref<40x128xi32, #tpu.memory_space<hbm>>
        tpu.wait_dma2 semaphore(%run_scoped3A : memref<!tpu.dma_semaphore, #tpu.memory_space<semaphore_mem>>) src(%dma_wait3A_60 : memref<40x128xi32, #tpu.memory_space<hbm>>) dst(%arg6 : memref<40x128xi32, #tpu.memory_space<vmem>>)
        tpu.yield
      }) : () -> ()
      "tpu.region"() ({
        %run_scoped3A = tpu.sem_alloc : memref<!tpu.dma_semaphore, #tpu.memory_space<semaphore_mem>>
        %dma_start3A_54 = arith.constant 0 : i32
        %dma_start3A_55 = tpu.memref_slice %arg4[%add3A_26, %dma_start3A_54] : memref<2560x128xi32, #tpu.memory_space<hbm>> -> memref<40x128xi32, #tpu.memory_space<hbm>>
        %dma_start3A_56 = arith.constant 0 : i32
        %dma_start3A_57 = tpu.memref_slice %arg4[%add3A_26, %dma_start3A_56] : memref<2560x128xi32, #tpu.memory_space<hbm>> -> memref<40x128xi32, #tpu.memory_space<hbm>>
        tpu.enqueue_dma source(%dma_start3A_57 : memref<40x128xi32, #tpu.memory_space<hbm>>) target(%arg7 : memref<40x128xi32, #tpu.memory_space<vmem>>) target_semaphore(%run_scoped3A : memref<!tpu.dma_semaphore, #tpu.memory_space<semaphore_mem>>)
        %dma_wait3A = arith.constant 0 : i32
        %dma_wait3A_58 = tpu.memref_slice %arg4[%add3A_26, %dma_wait3A] : memref<2560x128xi32, #tpu.memory_space<hbm>> -> memref<40x128xi32, #tpu.memory_space<hbm>>
        %dma_wait3A_59 = arith.constant 0 : i32
        %dma_wait3A_60 = tpu.memref_slice %arg4[%add3A_26, %dma_wait3A_59] : memref<2560x128xi32, #tpu.memory_space<hbm>> -> memref<40x128xi32, #tpu.memory_space<hbm>>
        tpu.wait_dma2 semaphore(%run_scoped3A : memref<!tpu.dma_semaphore, #tpu.memory_space<semaphore_mem>>) src(%dma_wait3A_60 : memref<40x128xi32, #tpu.memory_space<hbm>>) dst(%arg7 : memref<40x128xi32, #tpu.memory_space<vmem>>)
        tpu.yield
      }) : () -> ()
      %dma_start3A = arith.constant 0 : i32
      %dma_start3A_27 = arith.constant 0 : i32
      %dma_start3A_28 = tpu.memref_slice %arg6[%dma_start3A, %dma_start3A_27] : memref<40x128xi32, #tpu.memory_space<vmem>> -> memref<1x128xi32, #tpu.memory_space<vmem>>
      %dma_start3A_29 = tpu.memref_squeeze %dma_start3A_28 : memref<1x128xi32, #tpu.memory_space<vmem>> -> memref<128xi32, #tpu.memory_space<vmem>>
      %dma_start3A_30 = arith.constant 0 : i32
      %dma_start3A_31 = arith.constant 0 : i32
      %dma_start3A_32 = tpu.memref_slice %arg2[%dma_start3A_30, %dma_start3A_31] : memref<10240x128xf32, #tpu.memory_space<hbm>> -> memref<10240x128xf32, #tpu.memory_space<hbm>>
      tpu.enqueue_indirect_dma source(%dma_start3A_32 : memref<10240x128xf32, #tpu.memory_space<hbm>>) target(%arg8 : memref<128x128xf32, #tpu.memory_space<vmem>>) offsets(%dma_start3A_29 : memref<128xi32, #tpu.memory_space<vmem>>) semaphore(%arg11 : memref<!tpu.dma_semaphore, #tpu.memory_space<semaphore_mem>>)
      %scan3A_33 = arith.constant 0 : i32
      %scan3A_34 = arith.constant 0 : i32
      %scan3A_35 = arith.constant 40 : i32
      %scan3A_36 = arith.addi %scan3A_34, %scan3A_35 : i32
      %scan3A_37 = arith.constant 1 : i32
      scf.for %scan3A_54 = %scan3A_34 to %scan3A_36 step %scan3A_37  : i32 {
        %rem3A = arith.constant 2 : i32
        %rem3A_55 = arith.remsi %scan3A_54, %rem3A : i32
        %eq3A_56 = arith.constant 0 : i32
        %eq3A_57 = arith.cmpi eq, %rem3A_55, %eq3A_56 : i32
        %convert_element_type3A_58 = arith.extui %eq3A_57 : i1 to i32
        %cond3A_59 = arith.constant 0 : i32
        %cond3A_60 = arith.cmpi ne, %convert_element_type3A_58, %cond3A_59 : i32
        scf.if %cond3A_60 {
          %add3A_68 = arith.constant 1 : i32
          %add3A_69 = arith.addi %scan3A_54, %add3A_68 : i32
          %lt3A = arith.constant 40 : i32
          %lt3A_70 = arith.cmpi slt, %add3A_69, %lt3A : i32
          %convert_element_type3A_71 = arith.extui %lt3A_70 : i1 to i32
          %cond3A_72 = arith.constant 0 : i32
          %cond3A_73 = arith.cmpi ne, %convert_element_type3A_71, %cond3A_72 : i32
          scf.if %cond3A_73 {
            %add3A_79 = arith.constant 1 : i32
            %add3A_80 = arith.addi %scan3A_54, %add3A_79 : i32
            %dma_start3A_81 = arith.constant 0 : i32
            %dma_start3A_82 = tpu.memref_slice %arg6[%add3A_80, %dma_start3A_81] : memref<40x128xi32, #tpu.memory_space<vmem>> -> memref<1x128xi32, #tpu.memory_space<vmem>>
            %dma_start3A_83 = tpu.memref_squeeze %dma_start3A_82 : memref<1x128xi32, #tpu.memory_space<vmem>> -> memref<128xi32, #tpu.memory_space<vmem>>
            %dma_start3A_84 = arith.constant 0 : i32
            %dma_start3A_85 = arith.constant 0 : i32
            %dma_start3A_86 = tpu.memref_slice %arg2[%dma_start3A_84, %dma_start3A_85] : memref<10240x128xf32, #tpu.memory_space<hbm>> -> memref<10240x128xf32, #tpu.memory_space<hbm>>
            tpu.enqueue_indirect_dma source(%dma_start3A_86 : memref<10240x128xf32, #tpu.memory_space<hbm>>) target(%arg9 : memref<128x128xf32, #tpu.memory_space<vmem>>) offsets(%dma_start3A_83 : memref<128xi32, #tpu.memory_space<vmem>>) semaphore(%arg12 : memref<!tpu.dma_semaphore, #tpu.memory_space<semaphore_mem>>)
          } else {
          }
          %dma_wait3A = arith.constant 0 : i32
          %dma_wait3A_74 = tpu.memref_slice %arg6[%scan3A_54, %dma_wait3A] : memref<40x128xi32, #tpu.memory_space<vmem>> -> memref<1x128xi32, #tpu.memory_space<vmem>>
          %dma_wait3A_75 = tpu.memref_squeeze %dma_wait3A_74 : memref<1x128xi32, #tpu.memory_space<vmem>> -> memref<128xi32, #tpu.memory_space<vmem>>
          %dma_wait3A_76 = arith.constant 0 : i32
          %dma_wait3A_77 = arith.constant 0 : i32
          %dma_wait3A_78 = tpu.memref_slice %arg2[%dma_wait3A_76, %dma_wait3A_77] : memref<10240x128xf32, #tpu.memory_space<hbm>> -> memref<10240x128xf32, #tpu.memory_space<hbm>>
          tpu.wait_indirect_dma semaphore(%arg11 : memref<!tpu.dma_semaphore, #tpu.memory_space<semaphore_mem>>) src(%dma_wait3A_78 : memref<10240x128xf32, #tpu.memory_space<hbm>>) dst(%arg8 : memref<128x128xf32, #tpu.memory_space<vmem>>)
          "tpu.region"() ({
            %run_scoped3A = tpu.sem_alloc : memref<!tpu.dma_semaphore, #tpu.memory_space<semaphore_mem>>
            %dma_start3A_79 = arith.constant 0 : i32
            %dma_start3A_80 = tpu.memref_slice %arg7[%scan3A_54, %dma_start3A_79] : memref<40x128xi32, #tpu.memory_space<vmem>> -> memref<1x128xi32, #tpu.memory_space<vmem>>
            %dma_start3A_81 = tpu.memref_squeeze %dma_start3A_80 : memref<1x128xi32, #tpu.memory_space<vmem>> -> memref<128xi32, #tpu.memory_space<vmem>>
            %dma_start3A_82 = arith.constant 0 : i32
            %dma_start3A_83 = arith.constant 0 : i32
            %dma_start3A_84 = tpu.memref_slice %arg10[%dma_start3A_82, %dma_start3A_83] : memref<10240x128xf32, #tpu.memory_space<vmem_shared>> -> memref<10240x128xf32, #tpu.memory_space<vmem_shared>>
            tpu.enqueue_indirect_dma source(%arg8 : memref<128x128xf32, #tpu.memory_space<vmem>>) target(%dma_start3A_84 : memref<10240x128xf32, #tpu.memory_space<vmem_shared>>) offsets(%dma_start3A_81 : memref<128xi32, #tpu.memory_space<vmem>>) semaphore(%run_scoped3A : memref<!tpu.dma_semaphore, #tpu.memory_space<semaphore_mem>>) {add = true}
            %dma_wait3A_85 = arith.constant 0 : i32
            %dma_wait3A_86 = tpu.memref_slice %arg7[%scan3A_54, %dma_wait3A_85] : memref<40x128xi32, #tpu.memory_space<vmem>> -> memref<1x128xi32, #tpu.memory_space<vmem>>
            %dma_wait3A_87 = tpu.memref_squeeze %dma_wait3A_86 : memref<1x128xi32, #tpu.memory_space<vmem>> -> memref<128xi32, #tpu.memory_space<vmem>>
            %dma_wait3A_88 = arith.constant 0 : i32
            %dma_wait3A_89 = arith.constant 0 : i32
            %dma_wait3A_90 = tpu.memref_slice %arg10[%dma_wait3A_88, %dma_wait3A_89] : memref<10240x128xf32, #tpu.memory_space<vmem_shared>> -> memref<10240x128xf32, #tpu.memory_space<vmem_shared>>
            tpu.wait_indirect_dma semaphore(%run_scoped3A : memref<!tpu.dma_semaphore, #tpu.memory_space<semaphore_mem>>) src(%arg8 : memref<128x128xf32, #tpu.memory_space<vmem>>) dst(%dma_wait3A_90 : memref<10240x128xf32, #tpu.memory_space<vmem_shared>>)
            tpu.yield
          }) : () -> ()
        } else {
        }
        %rem3A_61 = arith.constant 2 : i32
        %rem3A_62 = arith.remsi %scan3A_54, %rem3A_61 : i32
        %eq3A_63 = arith.constant 1 : i32
        %eq3A_64 = arith.cmpi eq, %rem3A_62, %eq3A_63 : i32
        %convert_element_type3A_65 = arith.extui %eq3A_64 : i1 to i32
        %cond3A_66 = arith.constant 0 : i32
        %cond3A_67 = arith.cmpi ne, %convert_element_type3A_65, %cond3A_66 : i32
        scf.if %cond3A_67 {
          %add3A_68 = arith.constant 1 : i32
          %add3A_69 = arith.addi %scan3A_54, %add3A_68 : i32
          %lt3A = arith.constant 40 : i32
          %lt3A_70 = arith.cmpi slt, %add3A_69, %lt3A : i32
          %convert_element_type3A_71 = arith.extui %lt3A_70 : i1 to i32
          %cond3A_72 = arith.constant 0 : i32
          %cond3A_73 = arith.cmpi ne, %convert_element_type3A_71, %cond3A_72 : i32
          scf.if %cond3A_73 {
            %add3A_79 = arith.constant 1 : i32
            %add3A_80 = arith.addi %scan3A_54, %add3A_79 : i32
            %dma_start3A_81 = arith.constant 0 : i32
            %dma_start3A_82 = tpu.memref_slice %arg6[%add3A_80, %dma_start3A_81] : memref<40x128xi32, #tpu.memory_space<vmem>> -> memref<1x128xi32, #tpu.memory_space<vmem>>
            %dma_start3A_83 = tpu.memref_squeeze %dma_start3A_82 : memref<1x128xi32, #tpu.memory_space<vmem>> -> memref<128xi32, #tpu.memory_space<vmem>>
            %dma_start3A_84 = arith.constant 0 : i32
            %dma_start3A_85 = arith.constant 0 : i32
            %dma_start3A_86 = tpu.memref_slice %arg2[%dma_start3A_84, %dma_start3A_85] : memref<10240x128xf32, #tpu.memory_space<hbm>> -> memref<10240x128xf32, #tpu.memory_space<hbm>>
            tpu.enqueue_indirect_dma source(%dma_start3A_86 : memref<10240x128xf32, #tpu.memory_space<hbm>>) target(%arg8 : memref<128x128xf32, #tpu.memory_space<vmem>>) offsets(%dma_start3A_83 : memref<128xi32, #tpu.memory_space<vmem>>) semaphore(%arg11 : memref<!tpu.dma_semaphore, #tpu.memory_space<semaphore_mem>>)
          } else {
          }
          %dma_wait3A = arith.constant 0 : i32
          %dma_wait3A_74 = tpu.memref_slice %arg6[%scan3A_54, %dma_wait3A] : memref<40x128xi32, #tpu.memory_space<vmem>> -> memref<1x128xi32, #tpu.memory_space<vmem>>
          %dma_wait3A_75 = tpu.memref_squeeze %dma_wait3A_74 : memref<1x128xi32, #tpu.memory_space<vmem>> -> memref<128xi32, #tpu.memory_space<vmem>>
          %dma_wait3A_76 = arith.constant 0 : i32
          %dma_wait3A_77 = arith.constant 0 : i32
          %dma_wait3A_78 = tpu.memref_slice %arg2[%dma_wait3A_76, %dma_wait3A_77] : memref<10240x128xf32, #tpu.memory_space<hbm>> -> memref<10240x128xf32, #tpu.memory_space<hbm>>
          tpu.wait_indirect_dma semaphore(%arg12 : memref<!tpu.dma_semaphore, #tpu.memory_space<semaphore_mem>>) src(%dma_wait3A_78 : memref<10240x128xf32, #tpu.memory_space<hbm>>) dst(%arg9 : memref<128x128xf32, #tpu.memory_space<vmem>>)
          "tpu.region"() ({
            %run_scoped3A = tpu.sem_alloc : memref<!tpu.dma_semaphore, #tpu.memory_space<semaphore_mem>>
            %dma_start3A_79 = arith.constant 0 : i32
            %dma_start3A_80 = tpu.memref_slice %arg7[%scan3A_54, %dma_start3A_79] : memref<40x128xi32, #tpu.memory_space<vmem>> -> memref<1x128xi32, #tpu.memory_space<vmem>>
            %dma_start3A_81 = tpu.memref_squeeze %dma_start3A_80 : memref<1x128xi32, #tpu.memory_space<vmem>> -> memref<128xi32, #tpu.memory_space<vmem>>
            %dma_start3A_82 = arith.constant 0 : i32
            %dma_start3A_83 = arith.constant 0 : i32
            %dma_start3A_84 = tpu.memref_slice %arg10[%dma_start3A_82, %dma_start3A_83] : memref<10240x128xf32, #tpu.memory_space<vmem_shared>> -> memref<10240x128xf32, #tpu.memory_space<vmem_shared>>
            tpu.enqueue_indirect_dma source(%arg9 : memref<128x128xf32, #tpu.memory_space<vmem>>) target(%dma_start3A_84 : memref<10240x128xf32, #tpu.memory_space<vmem_shared>>) offsets(%dma_start3A_81 : memref<128xi32, #tpu.memory_space<vmem>>) semaphore(%run_scoped3A : memref<!tpu.dma_semaphore, #tpu.memory_space<semaphore_mem>>) {add = true}
            %dma_wait3A_85 = arith.constant 0 : i32
            %dma_wait3A_86 = tpu.memref_slice %arg7[%scan3A_54, %dma_wait3A_85] : memref<40x128xi32, #tpu.memory_space<vmem>> -> memref<1x128xi32, #tpu.memory_space<vmem>>
            %dma_wait3A_87 = tpu.memref_squeeze %dma_wait3A_86 : memref<1x128xi32, #tpu.memory_space<vmem>> -> memref<128xi32, #tpu.memory_space<vmem>>
            %dma_wait3A_88 = arith.constant 0 : i32
            %dma_wait3A_89 = arith.constant 0 : i32
            %dma_wait3A_90 = tpu.memref_slice %arg10[%dma_wait3A_88, %dma_wait3A_89] : memref<10240x128xf32, #tpu.memory_space<vmem_shared>> -> memref<10240x128xf32, #tpu.memory_space<vmem_shared>>
            tpu.wait_indirect_dma semaphore(%run_scoped3A : memref<!tpu.dma_semaphore, #tpu.memory_space<semaphore_mem>>) src(%arg9 : memref<128x128xf32, #tpu.memory_space<vmem>>) dst(%dma_wait3A_90 : memref<10240x128xf32, #tpu.memory_space<vmem_shared>>)
            tpu.yield
          }) : () -> ()
        } else {
        }
      }
      %scan3A_38 = arith.constant 40 : i32
      %add3A_39 = arith.constant 40 : i32
      %add3A_40 = arith.addi %mul3A_24, %add3A_39 : i32
      "tpu.region"() ({
        %run_scoped3A = tpu.sem_alloc : memref<!tpu.dma_semaphore, #tpu.memory_space<semaphore_mem>>
        %dma_start3A_54 = arith.constant 0 : i32
        %dma_start3A_55 = tpu.memref_slice %arg3[%add3A_40, %dma_start3A_54] : memref<2560x128xi32, #tpu.memory_space<hbm>> -> memref<40x128xi32, #tpu.memory_space<hbm>>
        %dma_start3A_56 = arith.constant 0 : i32
        %dma_start3A_57 = tpu.memref_slice %arg3[%add3A_40, %dma_start3A_56] : memref<2560x128xi32, #tpu.memory_space<hbm>> -> memref<40x128xi32, #tpu.memory_space<hbm>>
        tpu.enqueue_dma source(%dma_start3A_57 : memref<40x128xi32, #tpu.memory_space<hbm>>) target(%arg6 : memref<40x128xi32, #tpu.memory_space<vmem>>) target_semaphore(%run_scoped3A : memref<!tpu.dma_semaphore, #tpu.memory_space<semaphore_mem>>)
        %dma_wait3A = arith.constant 0 : i32
        %dma_wait3A_58 = tpu.memref_slice %arg3[%add3A_40, %dma_wait3A] : memref<2560x128xi32, #tpu.memory_space<hbm>> -> memref<40x128xi32, #tpu.memory_space<hbm>>
        %dma_wait3A_59 = arith.constant 0 : i32
        %dma_wait3A_60 = tpu.memref_slice %arg3[%add3A_40, %dma_wait3A_59] : memref<2560x128xi32, #tpu.memory_space<hbm>> -> memref<40x128xi32, #tpu.memory_space<hbm>>
        tpu.wait_dma2 semaphore(%run_scoped3A : memref<!tpu.dma_semaphore, #tpu.memory_space<semaphore_mem>>) src(%dma_wait3A_60 : memref<40x128xi32, #tpu.memory_space<hbm>>) dst(%arg6 : memref<40x128xi32, #tpu.memory_space<vmem>>)
        tpu.yield
      }) : () -> ()
      "tpu.region"() ({
        %run_scoped3A = tpu.sem_alloc : memref<!tpu.dma_semaphore, #tpu.memory_space<semaphore_mem>>
        %dma_start3A_54 = arith.constant 0 : i32
        %dma_start3A_55 = tpu.memref_slice %arg4[%add3A_40, %dma_start3A_54] : memref<2560x128xi32, #tpu.memory_space<hbm>> -> memref<40x128xi32, #tpu.memory_space<hbm>>
        %dma_start3A_56 = arith.constant 0 : i32
        %dma_start3A_57 = tpu.memref_slice %arg4[%add3A_40, %dma_start3A_56] : memref<2560x128xi32, #tpu.memory_space<hbm>> -> memref<40x128xi32, #tpu.memory_space<hbm>>
        tpu.enqueue_dma source(%dma_start3A_57 : memref<40x128xi32, #tpu.memory_space<hbm>>) target(%arg7 : memref<40x128xi32, #tpu.memory_space<vmem>>) target_semaphore(%run_scoped3A : memref<!tpu.dma_semaphore, #tpu.memory_space<semaphore_mem>>)
        %dma_wait3A = arith.constant 0 : i32
        %dma_wait3A_58 = tpu.memref_slice %arg4[%add3A_40, %dma_wait3A] : memref<2560x128xi32, #tpu.memory_space<hbm>> -> memref<40x128xi32, #tpu.memory_space<hbm>>
        %dma_wait3A_59 = arith.constant 0 : i32
        %dma_wait3A_60 = tpu.memref_slice %arg4[%add3A_40, %dma_wait3A_59] : memref<2560x128xi32, #tpu.memory_space<hbm>> -> memref<40x128xi32, #tpu.memory_space<hbm>>
        tpu.wait_dma2 semaphore(%run_scoped3A : memref<!tpu.dma_semaphore, #tpu.memory_space<semaphore_mem>>) src(%dma_wait3A_60 : memref<40x128xi32, #tpu.memory_space<hbm>>) dst(%arg7 : memref<40x128xi32, #tpu.memory_space<vmem>>)
        tpu.yield
      }) : () -> ()
      %dma_start3A_41 = arith.constant 0 : i32
      %dma_start3A_42 = arith.constant 0 : i32
      %dma_start3A_43 = tpu.memref_slice %arg6[%dma_start3A_41, %dma_start3A_42] : memref<40x128xi32, #tpu.memory_space<vmem>> -> memref<1x128xi32, #tpu.memory_space<vmem>>
      %dma_start3A_44 = tpu.memref_squeeze %dma_start3A_43 : memref<1x128xi32, #tpu.memory_space<vmem>> -> memref<128xi32, #tpu.memory_space<vmem>>
      %dma_start3A_45 = arith.constant 0 : i32
      %dma_start3A_46 = arith.constant 0 : i32
      %dma_start3A_47 = tpu.memref_slice %arg2[%dma_start3A_45, %dma_start3A_46] : memref<10240x128xf32, #tpu.memory_space<hbm>> -> memref<10240x128xf32, #tpu.memory_space<hbm>>
      tpu.enqueue_indirect_dma source(%dma_start3A_47 : memref<10240x128xf32, #tpu.memory_space<hbm>>) target(%arg8 : memref<128x128xf32, #tpu.memory_space<vmem>>) offsets(%dma_start3A_44 : memref<128xi32, #tpu.memory_space<vmem>>) semaphore(%arg11 : memref<!tpu.dma_semaphore, #tpu.memory_space<semaphore_mem>>)
      %scan3A_48 = arith.constant 0 : i32
      %scan3A_49 = arith.constant 0 : i32
      %scan3A_50 = arith.constant 40 : i32
      %scan3A_51 = arith.addi %scan3A_49, %scan3A_50 : i32
      %scan3A_52 = arith.constant 1 : i32
      scf.for %scan3A_54 = %scan3A_49 to %scan3A_51 step %scan3A_52  : i32 {
        %rem3A = arith.constant 2 : i32
        %rem3A_55 = arith.remsi %scan3A_54, %rem3A : i32
        %eq3A_56 = arith.constant 0 : i32
        %eq3A_57 = arith.cmpi eq, %rem3A_55, %eq3A_56 : i32
        %convert_element_type3A_58 = arith.extui %eq3A_57 : i1 to i32
        %cond3A_59 = arith.constant 0 : i32
        %cond3A_60 = arith.cmpi ne, %convert_element_type3A_58, %cond3A_59 : i32
        scf.if %cond3A_60 {
          %add3A_68 = arith.constant 1 : i32
          %add3A_69 = arith.addi %scan3A_54, %add3A_68 : i32
          %lt3A = arith.constant 40 : i32
          %lt3A_70 = arith.cmpi slt, %add3A_69, %lt3A : i32
          %convert_element_type3A_71 = arith.extui %lt3A_70 : i1 to i32
          %cond3A_72 = arith.constant 0 : i32
          %cond3A_73 = arith.cmpi ne, %convert_element_type3A_71, %cond3A_72 : i32
          scf.if %cond3A_73 {
            %add3A_79 = arith.constant 1 : i32
            %add3A_80 = arith.addi %scan3A_54, %add3A_79 : i32
            %dma_start3A_81 = arith.constant 0 : i32
            %dma_start3A_82 = tpu.memref_slice %arg6[%add3A_80, %dma_start3A_81] : memref<40x128xi32, #tpu.memory_space<vmem>> -> memref<1x128xi32, #tpu.memory_space<vmem>>
            %dma_start3A_83 = tpu.memref_squeeze %dma_start3A_82 : memref<1x128xi32, #tpu.memory_space<vmem>> -> memref<128xi32, #tpu.memory_space<vmem>>
            %dma_start3A_84 = arith.constant 0 : i32
            %dma_start3A_85 = arith.constant 0 : i32
            %dma_start3A_86 = tpu.memref_slice %arg2[%dma_start3A_84, %dma_start3A_85] : memref<10240x128xf32, #tpu.memory_space<hbm>> -> memref<10240x128xf32, #tpu.memory_space<hbm>>
            tpu.enqueue_indirect_dma source(%dma_start3A_86 : memref<10240x128xf32, #tpu.memory_space<hbm>>) target(%arg9 : memref<128x128xf32, #tpu.memory_space<vmem>>) offsets(%dma_start3A_83 : memref<128xi32, #tpu.memory_space<vmem>>) semaphore(%arg12 : memref<!tpu.dma_semaphore, #tpu.memory_space<semaphore_mem>>)
          } else {
          }
          %dma_wait3A = arith.constant 0 : i32
          %dma_wait3A_74 = tpu.memref_slice %arg6[%scan3A_54, %dma_wait3A] : memref<40x128xi32, #tpu.memory_space<vmem>> -> memref<1x128xi32, #tpu.memory_space<vmem>>
          %dma_wait3A_75 = tpu.memref_squeeze %dma_wait3A_74 : memref<1x128xi32, #tpu.memory_space<vmem>> -> memref<128xi32, #tpu.memory_space<vmem>>
          %dma_wait3A_76 = arith.constant 0 : i32
          %dma_wait3A_77 = arith.constant 0 : i32
          %dma_wait3A_78 = tpu.memref_slice %arg2[%dma_wait3A_76, %dma_wait3A_77] : memref<10240x128xf32, #tpu.memory_space<hbm>> -> memref<10240x128xf32, #tpu.memory_space<hbm>>
          tpu.wait_indirect_dma semaphore(%arg11 : memref<!tpu.dma_semaphore, #tpu.memory_space<semaphore_mem>>) src(%dma_wait3A_78 : memref<10240x128xf32, #tpu.memory_space<hbm>>) dst(%arg8 : memref<128x128xf32, #tpu.memory_space<vmem>>)
          "tpu.region"() ({
            %run_scoped3A = tpu.sem_alloc : memref<!tpu.dma_semaphore, #tpu.memory_space<semaphore_mem>>
            %dma_start3A_79 = arith.constant 0 : i32
            %dma_start3A_80 = tpu.memref_slice %arg7[%scan3A_54, %dma_start3A_79] : memref<40x128xi32, #tpu.memory_space<vmem>> -> memref<1x128xi32, #tpu.memory_space<vmem>>
            %dma_start3A_81 = tpu.memref_squeeze %dma_start3A_80 : memref<1x128xi32, #tpu.memory_space<vmem>> -> memref<128xi32, #tpu.memory_space<vmem>>
            %dma_start3A_82 = arith.constant 0 : i32
            %dma_start3A_83 = arith.constant 0 : i32
            %dma_start3A_84 = tpu.memref_slice %arg10[%dma_start3A_82, %dma_start3A_83] : memref<10240x128xf32, #tpu.memory_space<vmem_shared>> -> memref<10240x128xf32, #tpu.memory_space<vmem_shared>>
            tpu.enqueue_indirect_dma source(%arg8 : memref<128x128xf32, #tpu.memory_space<vmem>>) target(%dma_start3A_84 : memref<10240x128xf32, #tpu.memory_space<vmem_shared>>) offsets(%dma_start3A_81 : memref<128xi32, #tpu.memory_space<vmem>>) semaphore(%run_scoped3A : memref<!tpu.dma_semaphore, #tpu.memory_space<semaphore_mem>>) {add = true}
            %dma_wait3A_85 = arith.constant 0 : i32
            %dma_wait3A_86 = tpu.memref_slice %arg7[%scan3A_54, %dma_wait3A_85] : memref<40x128xi32, #tpu.memory_space<vmem>> -> memref<1x128xi32, #tpu.memory_space<vmem>>
            %dma_wait3A_87 = tpu.memref_squeeze %dma_wait3A_86 : memref<1x128xi32, #tpu.memory_space<vmem>> -> memref<128xi32, #tpu.memory_space<vmem>>
            %dma_wait3A_88 = arith.constant 0 : i32
            %dma_wait3A_89 = arith.constant 0 : i32
            %dma_wait3A_90 = tpu.memref_slice %arg10[%dma_wait3A_88, %dma_wait3A_89] : memref<10240x128xf32, #tpu.memory_space<vmem_shared>> -> memref<10240x128xf32, #tpu.memory_space<vmem_shared>>
            tpu.wait_indirect_dma semaphore(%run_scoped3A : memref<!tpu.dma_semaphore, #tpu.memory_space<semaphore_mem>>) src(%arg8 : memref<128x128xf32, #tpu.memory_space<vmem>>) dst(%dma_wait3A_90 : memref<10240x128xf32, #tpu.memory_space<vmem_shared>>)
            tpu.yield
          }) : () -> ()
        } else {
        }
        %rem3A_61 = arith.constant 2 : i32
        %rem3A_62 = arith.remsi %scan3A_54, %rem3A_61 : i32
        %eq3A_63 = arith.constant 1 : i32
        %eq3A_64 = arith.cmpi eq, %rem3A_62, %eq3A_63 : i32
        %convert_element_type3A_65 = arith.extui %eq3A_64 : i1 to i32
        %cond3A_66 = arith.constant 0 : i32
        %cond3A_67 = arith.cmpi ne, %convert_element_type3A_65, %cond3A_66 : i32
        scf.if %cond3A_67 {
          %add3A_68 = arith.constant 1 : i32
          %add3A_69 = arith.addi %scan3A_54, %add3A_68 : i32
          %lt3A = arith.constant 40 : i32
          %lt3A_70 = arith.cmpi slt, %add3A_69, %lt3A : i32
          %convert_element_type3A_71 = arith.extui %lt3A_70 : i1 to i32
          %cond3A_72 = arith.constant 0 : i32
          %cond3A_73 = arith.cmpi ne, %convert_element_type3A_71, %cond3A_72 : i32
          scf.if %cond3A_73 {
            %add3A_79 = arith.constant 1 : i32
            %add3A_80 = arith.addi %scan3A_54, %add3A_79 : i32
            %dma_start3A_81 = arith.constant 0 : i32
            %dma_start3A_82 = tpu.memref_slice %arg6[%add3A_80, %dma_start3A_81] : memref<40x128xi32, #tpu.memory_space<vmem>> -> memref<1x128xi32, #tpu.memory_space<vmem>>
            %dma_start3A_83 = tpu.memref_squeeze %dma_start3A_82 : memref<1x128xi32, #tpu.memory_space<vmem>> -> memref<128xi32, #tpu.memory_space<vmem>>
            %dma_start3A_84 = arith.constant 0 : i32
            %dma_start3A_85 = arith.constant 0 : i32
            %dma_start3A_86 = tpu.memref_slice %arg2[%dma_start3A_84, %dma_start3A_85] : memref<10240x128xf32, #tpu.memory_space<hbm>> -> memref<10240x128xf32, #tpu.memory_space<hbm>>
            tpu.enqueue_indirect_dma source(%dma_start3A_86 : memref<10240x128xf32, #tpu.memory_space<hbm>>) target(%arg8 : memref<128x128xf32, #tpu.memory_space<vmem>>) offsets(%dma_start3A_83 : memref<128xi32, #tpu.memory_space<vmem>>) semaphore(%arg11 : memref<!tpu.dma_semaphore, #tpu.memory_space<semaphore_mem>>)
          } else {
          }
          %dma_wait3A = arith.constant 0 : i32
          %dma_wait3A_74 = tpu.memref_slice %arg6[%scan3A_54, %dma_wait3A] : memref<40x128xi32, #tpu.memory_space<vmem>> -> memref<1x128xi32, #tpu.memory_space<vmem>>
          %dma_wait3A_75 = tpu.memref_squeeze %dma_wait3A_74 : memref<1x128xi32, #tpu.memory_space<vmem>> -> memref<128xi32, #tpu.memory_space<vmem>>
          %dma_wait3A_76 = arith.constant 0 : i32
          %dma_wait3A_77 = arith.constant 0 : i32
          %dma_wait3A_78 = tpu.memref_slice %arg2[%dma_wait3A_76, %dma_wait3A_77] : memref<10240x128xf32, #tpu.memory_space<hbm>> -> memref<10240x128xf32, #tpu.memory_space<hbm>>
          tpu.wait_indirect_dma semaphore(%arg12 : memref<!tpu.dma_semaphore, #tpu.memory_space<semaphore_mem>>) src(%dma_wait3A_78 : memref<10240x128xf32, #tpu.memory_space<hbm>>) dst(%arg9 : memref<128x128xf32, #tpu.memory_space<vmem>>)
          "tpu.region"() ({
            %run_scoped3A = tpu.sem_alloc : memref<!tpu.dma_semaphore, #tpu.memory_space<semaphore_mem>>
            %dma_start3A_79 = arith.constant 0 : i32
            %dma_start3A_80 = tpu.memref_slice %arg7[%scan3A_54, %dma_start3A_79] : memref<40x128xi32, #tpu.memory_space<vmem>> -> memref<1x128xi32, #tpu.memory_space<vmem>>
            %dma_start3A_81 = tpu.memref_squeeze %dma_start3A_80 : memref<1x128xi32, #tpu.memory_space<vmem>> -> memref<128xi32, #tpu.memory_space<vmem>>
            %dma_start3A_82 = arith.constant 0 : i32
            %dma_start3A_83 = arith.constant 0 : i32
            %dma_start3A_84 = tpu.memref_slice %arg10[%dma_start3A_82, %dma_start3A_83] : memref<10240x128xf32, #tpu.memory_space<vmem_shared>> -> memref<10240x128xf32, #tpu.memory_space<vmem_shared>>
            tpu.enqueue_indirect_dma source(%arg9 : memref<128x128xf32, #tpu.memory_space<vmem>>) target(%dma_start3A_84 : memref<10240x128xf32, #tpu.memory_space<vmem_shared>>) offsets(%dma_start3A_81 : memref<128xi32, #tpu.memory_space<vmem>>) semaphore(%run_scoped3A : memref<!tpu.dma_semaphore, #tpu.memory_space<semaphore_mem>>) {add = true}
            %dma_wait3A_85 = arith.constant 0 : i32
            %dma_wait3A_86 = tpu.memref_slice %arg7[%scan3A_54, %dma_wait3A_85] : memref<40x128xi32, #tpu.memory_space<vmem>> -> memref<1x128xi32, #tpu.memory_space<vmem>>
            %dma_wait3A_87 = tpu.memref_squeeze %dma_wait3A_86 : memref<1x128xi32, #tpu.memory_space<vmem>> -> memref<128xi32, #tpu.memory_space<vmem>>
            %dma_wait3A_88 = arith.constant 0 : i32
            %dma_wait3A_89 = arith.constant 0 : i32
            %dma_wait3A_90 = tpu.memref_slice %arg10[%dma_wait3A_88, %dma_wait3A_89] : memref<10240x128xf32, #tpu.memory_space<vmem_shared>> -> memref<10240x128xf32, #tpu.memory_space<vmem_shared>>
            tpu.wait_indirect_dma semaphore(%run_scoped3A : memref<!tpu.dma_semaphore, #tpu.memory_space<semaphore_mem>>) src(%arg9 : memref<128x128xf32, #tpu.memory_space<vmem>>) dst(%dma_wait3A_90 : memref<10240x128xf32, #tpu.memory_space<vmem_shared>>)
            tpu.yield
          }) : () -> ()
        } else {
        }
      }
      %scan3A_53 = arith.constant 40 : i32
    } else {
    }
    %eq3A_17 = arith.constant 1 : i32
    %eq3A_18 = arith.cmpi eq, %arg0, %eq3A_17 : i32
    %convert_element_type3A_19 = arith.extui %eq3A_18 : i1 to i32
    %cond3A_20 = arith.constant 0 : i32
    %cond3A_21 = arith.cmpi ne, %convert_element_type3A_19, %cond3A_20 : i32
    scf.if %cond3A_21 {
      %mul3A_23 = arith.constant 80 : i32
      %mul3A_24 = arith.muli %arg1, %mul3A_23 : i32
      %add3A_25 = arith.constant 1280 : i32
      %add3A_26 = arith.addi %add3A_25, %mul3A_24 : i32
      %add3A_27 = arith.constant 0 : i32
      %add3A_28 = arith.addi %add3A_26, %add3A_27 : i32
      "tpu.region"() ({
        %run_scoped3A = tpu.sem_alloc : memref<!tpu.dma_semaphore, #tpu.memory_space<semaphore_mem>>
        %dma_start3A_56 = arith.constant 0 : i32
        %dma_start3A_57 = tpu.memref_slice %arg3[%add3A_28, %dma_start3A_56] : memref<2560x128xi32, #tpu.memory_space<hbm>> -> memref<40x128xi32, #tpu.memory_space<hbm>>
        %dma_start3A_58 = arith.constant 0 : i32
        %dma_start3A_59 = tpu.memref_slice %arg3[%add3A_28, %dma_start3A_58] : memref<2560x128xi32, #tpu.memory_space<hbm>> -> memref<40x128xi32, #tpu.memory_space<hbm>>
        tpu.enqueue_dma source(%dma_start3A_59 : memref<40x128xi32, #tpu.memory_space<hbm>>) target(%arg6 : memref<40x128xi32, #tpu.memory_space<vmem>>) target_semaphore(%run_scoped3A : memref<!tpu.dma_semaphore, #tpu.memory_space<semaphore_mem>>)
        %dma_wait3A = arith.constant 0 : i32
        %dma_wait3A_60 = tpu.memref_slice %arg3[%add3A_28, %dma_wait3A] : memref<2560x128xi32, #tpu.memory_space<hbm>> -> memref<40x128xi32, #tpu.memory_space<hbm>>
        %dma_wait3A_61 = arith.constant 0 : i32
        %dma_wait3A_62 = tpu.memref_slice %arg3[%add3A_28, %dma_wait3A_61] : memref<2560x128xi32, #tpu.memory_space<hbm>> -> memref<40x128xi32, #tpu.memory_space<hbm>>
        tpu.wait_dma2 semaphore(%run_scoped3A : memref<!tpu.dma_semaphore, #tpu.memory_space<semaphore_mem>>) src(%dma_wait3A_62 : memref<40x128xi32, #tpu.memory_space<hbm>>) dst(%arg6 : memref<40x128xi32, #tpu.memory_space<vmem>>)
        tpu.yield
      }) : () -> ()
      "tpu.region"() ({
        %run_scoped3A = tpu.sem_alloc : memref<!tpu.dma_semaphore, #tpu.memory_space<semaphore_mem>>
        %dma_start3A_56 = arith.constant 0 : i32
        %dma_start3A_57 = tpu.memref_slice %arg4[%add3A_28, %dma_start3A_56] : memref<2560x128xi32, #tpu.memory_space<hbm>> -> memref<40x128xi32, #tpu.memory_space<hbm>>
        %dma_start3A_58 = arith.constant 0 : i32
        %dma_start3A_59 = tpu.memref_slice %arg4[%add3A_28, %dma_start3A_58] : memref<2560x128xi32, #tpu.memory_space<hbm>> -> memref<40x128xi32, #tpu.memory_space<hbm>>
        tpu.enqueue_dma source(%dma_start3A_59 : memref<40x128xi32, #tpu.memory_space<hbm>>) target(%arg7 : memref<40x128xi32, #tpu.memory_space<vmem>>) target_semaphore(%run_scoped3A : memref<!tpu.dma_semaphore, #tpu.memory_space<semaphore_mem>>)
        %dma_wait3A = arith.constant 0 : i32
        %dma_wait3A_60 = tpu.memref_slice %arg4[%add3A_28, %dma_wait3A] : memref<2560x128xi32, #tpu.memory_space<hbm>> -> memref<40x128xi32, #tpu.memory_space<hbm>>
        %dma_wait3A_61 = arith.constant 0 : i32
        %dma_wait3A_62 = tpu.memref_slice %arg4[%add3A_28, %dma_wait3A_61] : memref<2560x128xi32, #tpu.memory_space<hbm>> -> memref<40x128xi32, #tpu.memory_space<hbm>>
        tpu.wait_dma2 semaphore(%run_scoped3A : memref<!tpu.dma_semaphore, #tpu.memory_space<semaphore_mem>>) src(%dma_wait3A_62 : memref<40x128xi32, #tpu.memory_space<hbm>>) dst(%arg7 : memref<40x128xi32, #tpu.memory_space<vmem>>)
        tpu.yield
      }) : () -> ()
      %dma_start3A = arith.constant 0 : i32
      %dma_start3A_29 = arith.constant 0 : i32
      %dma_start3A_30 = tpu.memref_slice %arg6[%dma_start3A, %dma_start3A_29] : memref<40x128xi32, #tpu.memory_space<vmem>> -> memref<1x128xi32, #tpu.memory_space<vmem>>
      %dma_start3A_31 = tpu.memref_squeeze %dma_start3A_30 : memref<1x128xi32, #tpu.memory_space<vmem>> -> memref<128xi32, #tpu.memory_space<vmem>>
      %dma_start3A_32 = arith.constant 0 : i32
      %dma_start3A_33 = arith.constant 0 : i32
      %dma_start3A_34 = tpu.memref_slice %arg2[%dma_start3A_32, %dma_start3A_33] : memref<10240x128xf32, #tpu.memory_space<hbm>> -> memref<10240x128xf32, #tpu.memory_space<hbm>>
      tpu.enqueue_indirect_dma source(%dma_start3A_34 : memref<10240x128xf32, #tpu.memory_space<hbm>>) target(%arg8 : memref<128x128xf32, #tpu.memory_space<vmem>>) offsets(%dma_start3A_31 : memref<128xi32, #tpu.memory_space<vmem>>) semaphore(%arg11 : memref<!tpu.dma_semaphore, #tpu.memory_space<semaphore_mem>>)
      %scan3A_35 = arith.constant 0 : i32
      %scan3A_36 = arith.constant 0 : i32
      %scan3A_37 = arith.constant 40 : i32
      %scan3A_38 = arith.addi %scan3A_36, %scan3A_37 : i32
      %scan3A_39 = arith.constant 1 : i32
      scf.for %scan3A_56 = %scan3A_36 to %scan3A_38 step %scan3A_39  : i32 {
        %rem3A = arith.constant 2 : i32
        %rem3A_57 = arith.remsi %scan3A_56, %rem3A : i32
        %eq3A_58 = arith.constant 0 : i32
        %eq3A_59 = arith.cmpi eq, %rem3A_57, %eq3A_58 : i32
        %convert_element_type3A_60 = arith.extui %eq3A_59 : i1 to i32
        %cond3A_61 = arith.constant 0 : i32
        %cond3A_62 = arith.cmpi ne, %convert_element_type3A_60, %cond3A_61 : i32
        scf.if %cond3A_62 {
          %add3A_70 = arith.constant 1 : i32
          %add3A_71 = arith.addi %scan3A_56, %add3A_70 : i32
          %lt3A = arith.constant 40 : i32
          %lt3A_72 = arith.cmpi slt, %add3A_71, %lt3A : i32
          %convert_element_type3A_73 = arith.extui %lt3A_72 : i1 to i32
          %cond3A_74 = arith.constant 0 : i32
          %cond3A_75 = arith.cmpi ne, %convert_element_type3A_73, %cond3A_74 : i32
          scf.if %cond3A_75 {
            %add3A_81 = arith.constant 1 : i32
            %add3A_82 = arith.addi %scan3A_56, %add3A_81 : i32
            %dma_start3A_83 = arith.constant 0 : i32
            %dma_start3A_84 = tpu.memref_slice %arg6[%add3A_82, %dma_start3A_83] : memref<40x128xi32, #tpu.memory_space<vmem>> -> memref<1x128xi32, #tpu.memory_space<vmem>>
            %dma_start3A_85 = tpu.memref_squeeze %dma_start3A_84 : memref<1x128xi32, #tpu.memory_space<vmem>> -> memref<128xi32, #tpu.memory_space<vmem>>
            %dma_start3A_86 = arith.constant 0 : i32
            %dma_start3A_87 = arith.constant 0 : i32
            %dma_start3A_88 = tpu.memref_slice %arg2[%dma_start3A_86, %dma_start3A_87] : memref<10240x128xf32, #tpu.memory_space<hbm>> -> memref<10240x128xf32, #tpu.memory_space<hbm>>
            tpu.enqueue_indirect_dma source(%dma_start3A_88 : memref<10240x128xf32, #tpu.memory_space<hbm>>) target(%arg9 : memref<128x128xf32, #tpu.memory_space<vmem>>) offsets(%dma_start3A_85 : memref<128xi32, #tpu.memory_space<vmem>>) semaphore(%arg12 : memref<!tpu.dma_semaphore, #tpu.memory_space<semaphore_mem>>)
          } else {
          }
          %dma_wait3A = arith.constant 0 : i32
          %dma_wait3A_76 = tpu.memref_slice %arg6[%scan3A_56, %dma_wait3A] : memref<40x128xi32, #tpu.memory_space<vmem>> -> memref<1x128xi32, #tpu.memory_space<vmem>>
          %dma_wait3A_77 = tpu.memref_squeeze %dma_wait3A_76 : memref<1x128xi32, #tpu.memory_space<vmem>> -> memref<128xi32, #tpu.memory_space<vmem>>
          %dma_wait3A_78 = arith.constant 0 : i32
          %dma_wait3A_79 = arith.constant 0 : i32
          %dma_wait3A_80 = tpu.memref_slice %arg2[%dma_wait3A_78, %dma_wait3A_79] : memref<10240x128xf32, #tpu.memory_space<hbm>> -> memref<10240x128xf32, #tpu.memory_space<hbm>>
          tpu.wait_indirect_dma semaphore(%arg11 : memref<!tpu.dma_semaphore, #tpu.memory_space<semaphore_mem>>) src(%dma_wait3A_80 : memref<10240x128xf32, #tpu.memory_space<hbm>>) dst(%arg8 : memref<128x128xf32, #tpu.memory_space<vmem>>)
          "tpu.region"() ({
            %run_scoped3A = tpu.sem_alloc : memref<!tpu.dma_semaphore, #tpu.memory_space<semaphore_mem>>
            %dma_start3A_81 = arith.constant 0 : i32
            %dma_start3A_82 = tpu.memref_slice %arg7[%scan3A_56, %dma_start3A_81] : memref<40x128xi32, #tpu.memory_space<vmem>> -> memref<1x128xi32, #tpu.memory_space<vmem>>
            %dma_start3A_83 = tpu.memref_squeeze %dma_start3A_82 : memref<1x128xi32, #tpu.memory_space<vmem>> -> memref<128xi32, #tpu.memory_space<vmem>>
            %dma_start3A_84 = arith.constant 0 : i32
            %dma_start3A_85 = arith.constant 0 : i32
            %dma_start3A_86 = tpu.memref_slice %arg10[%dma_start3A_84, %dma_start3A_85] : memref<10240x128xf32, #tpu.memory_space<vmem_shared>> -> memref<10240x128xf32, #tpu.memory_space<vmem_shared>>
            tpu.enqueue_indirect_dma source(%arg8 : memref<128x128xf32, #tpu.memory_space<vmem>>) target(%dma_start3A_86 : memref<10240x128xf32, #tpu.memory_space<vmem_shared>>) offsets(%dma_start3A_83 : memref<128xi32, #tpu.memory_space<vmem>>) semaphore(%run_scoped3A : memref<!tpu.dma_semaphore, #tpu.memory_space<semaphore_mem>>) {add = true}
            %dma_wait3A_87 = arith.constant 0 : i32
            %dma_wait3A_88 = tpu.memref_slice %arg7[%scan3A_56, %dma_wait3A_87] : memref<40x128xi32, #tpu.memory_space<vmem>> -> memref<1x128xi32, #tpu.memory_space<vmem>>
            %dma_wait3A_89 = tpu.memref_squeeze %dma_wait3A_88 : memref<1x128xi32, #tpu.memory_space<vmem>> -> memref<128xi32, #tpu.memory_space<vmem>>
            %dma_wait3A_90 = arith.constant 0 : i32
            %dma_wait3A_91 = arith.constant 0 : i32
            %dma_wait3A_92 = tpu.memref_slice %arg10[%dma_wait3A_90, %dma_wait3A_91] : memref<10240x128xf32, #tpu.memory_space<vmem_shared>> -> memref<10240x128xf32, #tpu.memory_space<vmem_shared>>
            tpu.wait_indirect_dma semaphore(%run_scoped3A : memref<!tpu.dma_semaphore, #tpu.memory_space<semaphore_mem>>) src(%arg8 : memref<128x128xf32, #tpu.memory_space<vmem>>) dst(%dma_wait3A_92 : memref<10240x128xf32, #tpu.memory_space<vmem_shared>>)
            tpu.yield
          }) : () -> ()
        } else {
        }
        %rem3A_63 = arith.constant 2 : i32
        %rem3A_64 = arith.remsi %scan3A_56, %rem3A_63 : i32
        %eq3A_65 = arith.constant 1 : i32
        %eq3A_66 = arith.cmpi eq, %rem3A_64, %eq3A_65 : i32
        %convert_element_type3A_67 = arith.extui %eq3A_66 : i1 to i32
        %cond3A_68 = arith.constant 0 : i32
        %cond3A_69 = arith.cmpi ne, %convert_element_type3A_67, %cond3A_68 : i32
        scf.if %cond3A_69 {
          %add3A_70 = arith.constant 1 : i32
          %add3A_71 = arith.addi %scan3A_56, %add3A_70 : i32
          %lt3A = arith.constant 40 : i32
          %lt3A_72 = arith.cmpi slt, %add3A_71, %lt3A : i32
          %convert_element_type3A_73 = arith.extui %lt3A_72 : i1 to i32
          %cond3A_74 = arith.constant 0 : i32
          %cond3A_75 = arith.cmpi ne, %convert_element_type3A_73, %cond3A_74 : i32
          scf.if %cond3A_75 {
            %add3A_81 = arith.constant 1 : i32
            %add3A_82 = arith.addi %scan3A_56, %add3A_81 : i32
            %dma_start3A_83 = arith.constant 0 : i32
            %dma_start3A_84 = tpu.memref_slice %arg6[%add3A_82, %dma_start3A_83] : memref<40x128xi32, #tpu.memory_space<vmem>> -> memref<1x128xi32, #tpu.memory_space<vmem>>
            %dma_start3A_85 = tpu.memref_squeeze %dma_start3A_84 : memref<1x128xi32, #tpu.memory_space<vmem>> -> memref<128xi32, #tpu.memory_space<vmem>>
            %dma_start3A_86 = arith.constant 0 : i32
            %dma_start3A_87 = arith.constant 0 : i32
            %dma_start3A_88 = tpu.memref_slice %arg2[%dma_start3A_86, %dma_start3A_87] : memref<10240x128xf32, #tpu.memory_space<hbm>> -> memref<10240x128xf32, #tpu.memory_space<hbm>>
            tpu.enqueue_indirect_dma source(%dma_start3A_88 : memref<10240x128xf32, #tpu.memory_space<hbm>>) target(%arg8 : memref<128x128xf32, #tpu.memory_space<vmem>>) offsets(%dma_start3A_85 : memref<128xi32, #tpu.memory_space<vmem>>) semaphore(%arg11 : memref<!tpu.dma_semaphore, #tpu.memory_space<semaphore_mem>>)
          } else {
          }
          %dma_wait3A = arith.constant 0 : i32
          %dma_wait3A_76 = tpu.memref_slice %arg6[%scan3A_56, %dma_wait3A] : memref<40x128xi32, #tpu.memory_space<vmem>> -> memref<1x128xi32, #tpu.memory_space<vmem>>
          %dma_wait3A_77 = tpu.memref_squeeze %dma_wait3A_76 : memref<1x128xi32, #tpu.memory_space<vmem>> -> memref<128xi32, #tpu.memory_space<vmem>>
          %dma_wait3A_78 = arith.constant 0 : i32
          %dma_wait3A_79 = arith.constant 0 : i32
          %dma_wait3A_80 = tpu.memref_slice %arg2[%dma_wait3A_78, %dma_wait3A_79] : memref<10240x128xf32, #tpu.memory_space<hbm>> -> memref<10240x128xf32, #tpu.memory_space<hbm>>
          tpu.wait_indirect_dma semaphore(%arg12 : memref<!tpu.dma_semaphore, #tpu.memory_space<semaphore_mem>>) src(%dma_wait3A_80 : memref<10240x128xf32, #tpu.memory_space<hbm>>) dst(%arg9 : memref<128x128xf32, #tpu.memory_space<vmem>>)
          "tpu.region"() ({
            %run_scoped3A = tpu.sem_alloc : memref<!tpu.dma_semaphore, #tpu.memory_space<semaphore_mem>>
            %dma_start3A_81 = arith.constant 0 : i32
            %dma_start3A_82 = tpu.memref_slice %arg7[%scan3A_56, %dma_start3A_81] : memref<40x128xi32, #tpu.memory_space<vmem>> -> memref<1x128xi32, #tpu.memory_space<vmem>>
            %dma_start3A_83 = tpu.memref_squeeze %dma_start3A_82 : memref<1x128xi32, #tpu.memory_space<vmem>> -> memref<128xi32, #tpu.memory_space<vmem>>
            %dma_start3A_84 = arith.constant 0 : i32
            %dma_start3A_85 = arith.constant 0 : i32
            %dma_start3A_86 = tpu.memref_slice %arg10[%dma_start3A_84, %dma_start3A_85] : memref<10240x128xf32, #tpu.memory_space<vmem_shared>> -> memref<10240x128xf32, #tpu.memory_space<vmem_shared>>
            tpu.enqueue_indirect_dma source(%arg9 : memref<128x128xf32, #tpu.memory_space<vmem>>) target(%dma_start3A_86 : memref<10240x128xf32, #tpu.memory_space<vmem_shared>>) offsets(%dma_start3A_83 : memref<128xi32, #tpu.memory_space<vmem>>) semaphore(%run_scoped3A : memref<!tpu.dma_semaphore, #tpu.memory_space<semaphore_mem>>) {add = true}
            %dma_wait3A_87 = arith.constant 0 : i32
            %dma_wait3A_88 = tpu.memref_slice %arg7[%scan3A_56, %dma_wait3A_87] : memref<40x128xi32, #tpu.memory_space<vmem>> -> memref<1x128xi32, #tpu.memory_space<vmem>>
            %dma_wait3A_89 = tpu.memref_squeeze %dma_wait3A_88 : memref<1x128xi32, #tpu.memory_space<vmem>> -> memref<128xi32, #tpu.memory_space<vmem>>
            %dma_wait3A_90 = arith.constant 0 : i32
            %dma_wait3A_91 = arith.constant 0 : i32
            %dma_wait3A_92 = tpu.memref_slice %arg10[%dma_wait3A_90, %dma_wait3A_91] : memref<10240x128xf32, #tpu.memory_space<vmem_shared>> -> memref<10240x128xf32, #tpu.memory_space<vmem_shared>>
            tpu.wait_indirect_dma semaphore(%run_scoped3A : memref<!tpu.dma_semaphore, #tpu.memory_space<semaphore_mem>>) src(%arg9 : memref<128x128xf32, #tpu.memory_space<vmem>>) dst(%dma_wait3A_92 : memref<10240x128xf32, #tpu.memory_space<vmem_shared>>)
            tpu.yield
          }) : () -> ()
        } else {
        }
      }
      %scan3A_40 = arith.constant 40 : i32
      %add3A_41 = arith.constant 40 : i32
      %add3A_42 = arith.addi %add3A_26, %add3A_41 : i32
      "tpu.region"() ({
        %run_scoped3A = tpu.sem_alloc : memref<!tpu.dma_semaphore, #tpu.memory_space<semaphore_mem>>
        %dma_start3A_56 = arith.constant 0 : i32
        %dma_start3A_57 = tpu.memref_slice %arg3[%add3A_42, %dma_start3A_56] : memref<2560x128xi32, #tpu.memory_space<hbm>> -> memref<40x128xi32, #tpu.memory_space<hbm>>
        %dma_start3A_58 = arith.constant 0 : i32
        %dma_start3A_59 = tpu.memref_slice %arg3[%add3A_42, %dma_start3A_58] : memref<2560x128xi32, #tpu.memory_space<hbm>> -> memref<40x128xi32, #tpu.memory_space<hbm>>
        tpu.enqueue_dma source(%dma_start3A_59 : memref<40x128xi32, #tpu.memory_space<hbm>>) target(%arg6 : memref<40x128xi32, #tpu.memory_space<vmem>>) target_semaphore(%run_scoped3A : memref<!tpu.dma_semaphore, #tpu.memory_space<semaphore_mem>>)
        %dma_wait3A = arith.constant 0 : i32
        %dma_wait3A_60 = tpu.memref_slice %arg3[%add3A_42, %dma_wait3A] : memref<2560x128xi32, #tpu.memory_space<hbm>> -> memref<40x128xi32, #tpu.memory_space<hbm>>
        %dma_wait3A_61 = arith.constant 0 : i32
        %dma_wait3A_62 = tpu.memref_slice %arg3[%add3A_42, %dma_wait3A_61] : memref<2560x128xi32, #tpu.memory_space<hbm>> -> memref<40x128xi32, #tpu.memory_space<hbm>>
        tpu.wait_dma2 semaphore(%run_scoped3A : memref<!tpu.dma_semaphore, #tpu.memory_space<semaphore_mem>>) src(%dma_wait3A_62 : memref<40x128xi32, #tpu.memory_space<hbm>>) dst(%arg6 : memref<40x128xi32, #tpu.memory_space<vmem>>)
        tpu.yield
      }) : () -> ()
      "tpu.region"() ({
        %run_scoped3A = tpu.sem_alloc : memref<!tpu.dma_semaphore, #tpu.memory_space<semaphore_mem>>
        %dma_start3A_56 = arith.constant 0 : i32
        %dma_start3A_57 = tpu.memref_slice %arg4[%add3A_42, %dma_start3A_56] : memref<2560x128xi32, #tpu.memory_space<hbm>> -> memref<40x128xi32, #tpu.memory_space<hbm>>
        %dma_start3A_58 = arith.constant 0 : i32
        %dma_start3A_59 = tpu.memref_slice %arg4[%add3A_42, %dma_start3A_58] : memref<2560x128xi32, #tpu.memory_space<hbm>> -> memref<40x128xi32, #tpu.memory_space<hbm>>
        tpu.enqueue_dma source(%dma_start3A_59 : memref<40x128xi32, #tpu.memory_space<hbm>>) target(%arg7 : memref<40x128xi32, #tpu.memory_space<vmem>>) target_semaphore(%run_scoped3A : memref<!tpu.dma_semaphore, #tpu.memory_space<semaphore_mem>>)
        %dma_wait3A = arith.constant 0 : i32
        %dma_wait3A_60 = tpu.memref_slice %arg4[%add3A_42, %dma_wait3A] : memref<2560x128xi32, #tpu.memory_space<hbm>> -> memref<40x128xi32, #tpu.memory_space<hbm>>
        %dma_wait3A_61 = arith.constant 0 : i32
        %dma_wait3A_62 = tpu.memref_slice %arg4[%add3A_42, %dma_wait3A_61] : memref<2560x128xi32, #tpu.memory_space<hbm>> -> memref<40x128xi32, #tpu.memory_space<hbm>>
        tpu.wait_dma2 semaphore(%run_scoped3A : memref<!tpu.dma_semaphore, #tpu.memory_space<semaphore_mem>>) src(%dma_wait3A_62 : memref<40x128xi32, #tpu.memory_space<hbm>>) dst(%arg7 : memref<40x128xi32, #tpu.memory_space<vmem>>)
        tpu.yield
      }) : () -> ()
      %dma_start3A_43 = arith.constant 0 : i32
      %dma_start3A_44 = arith.constant 0 : i32
      %dma_start3A_45 = tpu.memref_slice %arg6[%dma_start3A_43, %dma_start3A_44] : memref<40x128xi32, #tpu.memory_space<vmem>> -> memref<1x128xi32, #tpu.memory_space<vmem>>
      %dma_start3A_46 = tpu.memref_squeeze %dma_start3A_45 : memref<1x128xi32, #tpu.memory_space<vmem>> -> memref<128xi32, #tpu.memory_space<vmem>>
      %dma_start3A_47 = arith.constant 0 : i32
      %dma_start3A_48 = arith.constant 0 : i32
      %dma_start3A_49 = tpu.memref_slice %arg2[%dma_start3A_47, %dma_start3A_48] : memref<10240x128xf32, #tpu.memory_space<hbm>> -> memref<10240x128xf32, #tpu.memory_space<hbm>>
      tpu.enqueue_indirect_dma source(%dma_start3A_49 : memref<10240x128xf32, #tpu.memory_space<hbm>>) target(%arg8 : memref<128x128xf32, #tpu.memory_space<vmem>>) offsets(%dma_start3A_46 : memref<128xi32, #tpu.memory_space<vmem>>) semaphore(%arg11 : memref<!tpu.dma_semaphore, #tpu.memory_space<semaphore_mem>>)
      %scan3A_50 = arith.constant 0 : i32
      %scan3A_51 = arith.constant 0 : i32
      %scan3A_52 = arith.constant 40 : i32
      %scan3A_53 = arith.addi %scan3A_51, %scan3A_52 : i32
      %scan3A_54 = arith.constant 1 : i32
      scf.for %scan3A_56 = %scan3A_51 to %scan3A_53 step %scan3A_54  : i32 {
        %rem3A = arith.constant 2 : i32
        %rem3A_57 = arith.remsi %scan3A_56, %rem3A : i32
        %eq3A_58 = arith.constant 0 : i32
        %eq3A_59 = arith.cmpi eq, %rem3A_57, %eq3A_58 : i32
        %convert_element_type3A_60 = arith.extui %eq3A_59 : i1 to i32
        %cond3A_61 = arith.constant 0 : i32
        %cond3A_62 = arith.cmpi ne, %convert_element_type3A_60, %cond3A_61 : i32
        scf.if %cond3A_62 {
          %add3A_70 = arith.constant 1 : i32
          %add3A_71 = arith.addi %scan3A_56, %add3A_70 : i32
          %lt3A = arith.constant 40 : i32
          %lt3A_72 = arith.cmpi slt, %add3A_71, %lt3A : i32
          %convert_element_type3A_73 = arith.extui %lt3A_72 : i1 to i32
          %cond3A_74 = arith.constant 0 : i32
          %cond3A_75 = arith.cmpi ne, %convert_element_type3A_73, %cond3A_74 : i32
          scf.if %cond3A_75 {
            %add3A_81 = arith.constant 1 : i32
            %add3A_82 = arith.addi %scan3A_56, %add3A_81 : i32
            %dma_start3A_83 = arith.constant 0 : i32
            %dma_start3A_84 = tpu.memref_slice %arg6[%add3A_82, %dma_start3A_83] : memref<40x128xi32, #tpu.memory_space<vmem>> -> memref<1x128xi32, #tpu.memory_space<vmem>>
            %dma_start3A_85 = tpu.memref_squeeze %dma_start3A_84 : memref<1x128xi32, #tpu.memory_space<vmem>> -> memref<128xi32, #tpu.memory_space<vmem>>
            %dma_start3A_86 = arith.constant 0 : i32
            %dma_start3A_87 = arith.constant 0 : i32
            %dma_start3A_88 = tpu.memref_slice %arg2[%dma_start3A_86, %dma_start3A_87] : memref<10240x128xf32, #tpu.memory_space<hbm>> -> memref<10240x128xf32, #tpu.memory_space<hbm>>
            tpu.enqueue_indirect_dma source(%dma_start3A_88 : memref<10240x128xf32, #tpu.memory_space<hbm>>) target(%arg9 : memref<128x128xf32, #tpu.memory_space<vmem>>) offsets(%dma_start3A_85 : memref<128xi32, #tpu.memory_space<vmem>>) semaphore(%arg12 : memref<!tpu.dma_semaphore, #tpu.memory_space<semaphore_mem>>)
          } else {
          }
          %dma_wait3A = arith.constant 0 : i32
          %dma_wait3A_76 = tpu.memref_slice %arg6[%scan3A_56, %dma_wait3A] : memref<40x128xi32, #tpu.memory_space<vmem>> -> memref<1x128xi32, #tpu.memory_space<vmem>>
          %dma_wait3A_77 = tpu.memref_squeeze %dma_wait3A_76 : memref<1x128xi32, #tpu.memory_space<vmem>> -> memref<128xi32, #tpu.memory_space<vmem>>
          %dma_wait3A_78 = arith.constant 0 : i32
          %dma_wait3A_79 = arith.constant 0 : i32
          %dma_wait3A_80 = tpu.memref_slice %arg2[%dma_wait3A_78, %dma_wait3A_79] : memref<10240x128xf32, #tpu.memory_space<hbm>> -> memref<10240x128xf32, #tpu.memory_space<hbm>>
          tpu.wait_indirect_dma semaphore(%arg11 : memref<!tpu.dma_semaphore, #tpu.memory_space<semaphore_mem>>) src(%dma_wait3A_80 : memref<10240x128xf32, #tpu.memory_space<hbm>>) dst(%arg8 : memref<128x128xf32, #tpu.memory_space<vmem>>)
          "tpu.region"() ({
            %run_scoped3A = tpu.sem_alloc : memref<!tpu.dma_semaphore, #tpu.memory_space<semaphore_mem>>
            %dma_start3A_81 = arith.constant 0 : i32
            %dma_start3A_82 = tpu.memref_slice %arg7[%scan3A_56, %dma_start3A_81] : memref<40x128xi32, #tpu.memory_space<vmem>> -> memref<1x128xi32, #tpu.memory_space<vmem>>
            %dma_start3A_83 = tpu.memref_squeeze %dma_start3A_82 : memref<1x128xi32, #tpu.memory_space<vmem>> -> memref<128xi32, #tpu.memory_space<vmem>>
            %dma_start3A_84 = arith.constant 0 : i32
            %dma_start3A_85 = arith.constant 0 : i32
            %dma_start3A_86 = tpu.memref_slice %arg10[%dma_start3A_84, %dma_start3A_85] : memref<10240x128xf32, #tpu.memory_space<vmem_shared>> -> memref<10240x128xf32, #tpu.memory_space<vmem_shared>>
            tpu.enqueue_indirect_dma source(%arg8 : memref<128x128xf32, #tpu.memory_space<vmem>>) target(%dma_start3A_86 : memref<10240x128xf32, #tpu.memory_space<vmem_shared>>) offsets(%dma_start3A_83 : memref<128xi32, #tpu.memory_space<vmem>>) semaphore(%run_scoped3A : memref<!tpu.dma_semaphore, #tpu.memory_space<semaphore_mem>>) {add = true}
            %dma_wait3A_87 = arith.constant 0 : i32
            %dma_wait3A_88 = tpu.memref_slice %arg7[%scan3A_56, %dma_wait3A_87] : memref<40x128xi32, #tpu.memory_space<vmem>> -> memref<1x128xi32, #tpu.memory_space<vmem>>
            %dma_wait3A_89 = tpu.memref_squeeze %dma_wait3A_88 : memref<1x128xi32, #tpu.memory_space<vmem>> -> memref<128xi32, #tpu.memory_space<vmem>>
            %dma_wait3A_90 = arith.constant 0 : i32
            %dma_wait3A_91 = arith.constant 0 : i32
            %dma_wait3A_92 = tpu.memref_slice %arg10[%dma_wait3A_90, %dma_wait3A_91] : memref<10240x128xf32, #tpu.memory_space<vmem_shared>> -> memref<10240x128xf32, #tpu.memory_space<vmem_shared>>
            tpu.wait_indirect_dma semaphore(%run_scoped3A : memref<!tpu.dma_semaphore, #tpu.memory_space<semaphore_mem>>) src(%arg8 : memref<128x128xf32, #tpu.memory_space<vmem>>) dst(%dma_wait3A_92 : memref<10240x128xf32, #tpu.memory_space<vmem_shared>>)
            tpu.yield
          }) : () -> ()
        } else {
        }
        %rem3A_63 = arith.constant 2 : i32
        %rem3A_64 = arith.remsi %scan3A_56, %rem3A_63 : i32
        %eq3A_65 = arith.constant 1 : i32
        %eq3A_66 = arith.cmpi eq, %rem3A_64, %eq3A_65 : i32
        %convert_element_type3A_67 = arith.extui %eq3A_66 : i1 to i32
        %cond3A_68 = arith.constant 0 : i32
        %cond3A_69 = arith.cmpi ne, %convert_element_type3A_67, %cond3A_68 : i32
        scf.if %cond3A_69 {
          %add3A_70 = arith.constant 1 : i32
          %add3A_71 = arith.addi %scan3A_56, %add3A_70 : i32
          %lt3A = arith.constant 40 : i32
          %lt3A_72 = arith.cmpi slt, %add3A_71, %lt3A : i32
          %convert_element_type3A_73 = arith.extui %lt3A_72 : i1 to i32
          %cond3A_74 = arith.constant 0 : i32
          %cond3A_75 = arith.cmpi ne, %convert_element_type3A_73, %cond3A_74 : i32
          scf.if %cond3A_75 {
            %add3A_81 = arith.constant 1 : i32
            %add3A_82 = arith.addi %scan3A_56, %add3A_81 : i32
            %dma_start3A_83 = arith.constant 0 : i32
            %dma_start3A_84 = tpu.memref_slice %arg6[%add3A_82, %dma_start3A_83] : memref<40x128xi32, #tpu.memory_space<vmem>> -> memref<1x128xi32, #tpu.memory_space<vmem>>
            %dma_start3A_85 = tpu.memref_squeeze %dma_start3A_84 : memref<1x128xi32, #tpu.memory_space<vmem>> -> memref<128xi32, #tpu.memory_space<vmem>>
            %dma_start3A_86 = arith.constant 0 : i32
            %dma_start3A_87 = arith.constant 0 : i32
            %dma_start3A_88 = tpu.memref_slice %arg2[%dma_start3A_86, %dma_start3A_87] : memref<10240x128xf32, #tpu.memory_space<hbm>> -> memref<10240x128xf32, #tpu.memory_space<hbm>>
            tpu.enqueue_indirect_dma source(%dma_start3A_88 : memref<10240x128xf32, #tpu.memory_space<hbm>>) target(%arg8 : memref<128x128xf32, #tpu.memory_space<vmem>>) offsets(%dma_start3A_85 : memref<128xi32, #tpu.memory_space<vmem>>) semaphore(%arg11 : memref<!tpu.dma_semaphore, #tpu.memory_space<semaphore_mem>>)
          } else {
          }
          %dma_wait3A = arith.constant 0 : i32
          %dma_wait3A_76 = tpu.memref_slice %arg6[%scan3A_56, %dma_wait3A] : memref<40x128xi32, #tpu.memory_space<vmem>> -> memref<1x128xi32, #tpu.memory_space<vmem>>
          %dma_wait3A_77 = tpu.memref_squeeze %dma_wait3A_76 : memref<1x128xi32, #tpu.memory_space<vmem>> -> memref<128xi32, #tpu.memory_space<vmem>>
          %dma_wait3A_78 = arith.constant 0 : i32
          %dma_wait3A_79 = arith.constant 0 : i32
          %dma_wait3A_80 = tpu.memref_slice %arg2[%dma_wait3A_78, %dma_wait3A_79] : memref<10240x128xf32, #tpu.memory_space<hbm>> -> memref<10240x128xf32, #tpu.memory_space<hbm>>
          tpu.wait_indirect_dma semaphore(%arg12 : memref<!tpu.dma_semaphore, #tpu.memory_space<semaphore_mem>>) src(%dma_wait3A_80 : memref<10240x128xf32, #tpu.memory_space<hbm>>) dst(%arg9 : memref<128x128xf32, #tpu.memory_space<vmem>>)
          "tpu.region"() ({
            %run_scoped3A = tpu.sem_alloc : memref<!tpu.dma_semaphore, #tpu.memory_space<semaphore_mem>>
            %dma_start3A_81 = arith.constant 0 : i32
            %dma_start3A_82 = tpu.memref_slice %arg7[%scan3A_56, %dma_start3A_81] : memref<40x128xi32, #tpu.memory_space<vmem>> -> memref<1x128xi32, #tpu.memory_space<vmem>>
            %dma_start3A_83 = tpu.memref_squeeze %dma_start3A_82 : memref<1x128xi32, #tpu.memory_space<vmem>> -> memref<128xi32, #tpu.memory_space<vmem>>
            %dma_start3A_84 = arith.constant 0 : i32
            %dma_start3A_85 = arith.constant 0 : i32
            %dma_start3A_86 = tpu.memref_slice %arg10[%dma_start3A_84, %dma_start3A_85] : memref<10240x128xf32, #tpu.memory_space<vmem_shared>> -> memref<10240x128xf32, #tpu.memory_space<vmem_shared>>
            tpu.enqueue_indirect_dma source(%arg9 : memref<128x128xf32, #tpu.memory_space<vmem>>) target(%dma_start3A_86 : memref<10240x128xf32, #tpu.memory_space<vmem_shared>>) offsets(%dma_start3A_83 : memref<128xi32, #tpu.memory_space<vmem>>) semaphore(%run_scoped3A : memref<!tpu.dma_semaphore, #tpu.memory_space<semaphore_mem>>) {add = true}
            %dma_wait3A_87 = arith.constant 0 : i32
            %dma_wait3A_88 = tpu.memref_slice %arg7[%scan3A_56, %dma_wait3A_87] : memref<40x128xi32, #tpu.memory_space<vmem>> -> memref<1x128xi32, #tpu.memory_space<vmem>>
            %dma_wait3A_89 = tpu.memref_squeeze %dma_wait3A_88 : memref<1x128xi32, #tpu.memory_space<vmem>> -> memref<128xi32, #tpu.memory_space<vmem>>
            %dma_wait3A_90 = arith.constant 0 : i32
            %dma_wait3A_91 = arith.constant 0 : i32
            %dma_wait3A_92 = tpu.memref_slice %arg10[%dma_wait3A_90, %dma_wait3A_91] : memref<10240x128xf32, #tpu.memory_space<vmem_shared>> -> memref<10240x128xf32, #tpu.memory_space<vmem_shared>>
            tpu.wait_indirect_dma semaphore(%run_scoped3A : memref<!tpu.dma_semaphore, #tpu.memory_space<semaphore_mem>>) src(%arg9 : memref<128x128xf32, #tpu.memory_space<vmem>>) dst(%dma_wait3A_92 : memref<10240x128xf32, #tpu.memory_space<vmem_shared>>)
            tpu.yield
          }) : () -> ()
        } else {
        }
      }
      %scan3A_55 = arith.constant 40 : i32
    } else {
    }
    %barrier3A_22 = arith.constant 0 : index
    tpu.barrier barrier_id(%barrier3A_22)
    "tpu.region"() ({
      %run_scoped3A = tpu.sem_alloc : memref<!tpu.dma_semaphore, #tpu.memory_space<semaphore_mem>>
      %dma_start3A = arith.constant 0 : i32
      %dma_start3A_23 = tpu.memref_slice %arg5[%arg0, %mul3A_0, %dma_start3A] : memref<2x10240x128xf32, #tpu.memory_space<hbm>> -> memref<1x640x128xf32, #tpu.memory_space<hbm>>
      %dma_start3A_24 = tpu.memref_squeeze %dma_start3A_23 : memref<1x640x128xf32, #tpu.memory_space<hbm>> -> memref<640x128xf32, #tpu.memory_space<hbm>>
      %dma_start3A_25 = arith.constant 0 : i32
      %dma_start3A_26 = tpu.memref_slice %arg10[%mul3A_0, %dma_start3A_25] : memref<10240x128xf32, #tpu.memory_space<vmem_shared>> -> memref<640x128xf32, #tpu.memory_space<vmem_shared>>
      tpu.enqueue_dma source(%dma_start3A_26 : memref<640x128xf32, #tpu.memory_space<vmem_shared>>) target(%dma_start3A_24 : memref<640x128xf32, #tpu.memory_space<hbm>>) target_semaphore(%run_scoped3A : memref<!tpu.dma_semaphore, #tpu.memory_space<semaphore_mem>>)
      %dma_wait3A = arith.constant 0 : i32
      %dma_wait3A_27 = tpu.memref_slice %arg5[%arg0, %mul3A_0, %dma_wait3A] : memref<2x10240x128xf32, #tpu.memory_space<hbm>> -> memref<1x640x128xf32, #tpu.memory_space<hbm>>
      %dma_wait3A_28 = tpu.memref_squeeze %dma_wait3A_27 : memref<1x640x128xf32, #tpu.memory_space<hbm>> -> memref<640x128xf32, #tpu.memory_space<hbm>>
      %dma_wait3A_29 = arith.constant 0 : i32
      %dma_wait3A_30 = tpu.memref_slice %arg10[%mul3A_0, %dma_wait3A_29] : memref<10240x128xf32, #tpu.memory_space<vmem_shared>> -> memref<640x128xf32, #tpu.memory_space<vmem_shared>>
      tpu.wait_dma2 semaphore(%run_scoped3A : memref<!tpu.dma_semaphore, #tpu.memory_space<semaphore_mem>>) src(%dma_wait3A_30 : memref<640x128xf32, #tpu.memory_space<vmem_shared>>) dst(%dma_wait3A_28 : memref<640x128xf32, #tpu.memory_space<hbm>>)
      tpu.yield
    }) : () -> ()
    return
  }
}

#map = affine_map<(d0, d1) -> (0, 0)>
#map1 = affine_map<(d0, d1) -> (0, 0, 0)>
module attributes {stable_mosaic.version = 14 : i64} {
  func.func @_edge_agg_body(%arg0: i32, %arg1: i32, %arg2: memref<10240x128xf32, #tpu.memory_space<hbm>>, %arg3: memref<2560x128xi32, #tpu.memory_space<hbm>>, %arg4: memref<2560x128xi32, #tpu.memory_space<hbm>>, %arg5: memref<2x10240x128xf32, #tpu.memory_space<hbm>>, %arg6: memref<40x128xi32, #tpu.memory_space<vmem>>, %arg7: memref<40x128xi32, #tpu.memory_space<vmem>>, %arg8: memref<128x128xf32, #tpu.memory_space<vmem>>, %arg9: memref<128x128xf32, #tpu.memory_space<vmem>>, %arg10: memref<10240x128xf32, #tpu.memory_space<vmem_shared>>, %arg11: memref<!tpu.dma_semaphore, #tpu.memory_space<semaphore_mem>>, %arg12: memref<!tpu.dma_semaphore, #tpu.memory_space<semaphore_mem>>) attributes {dimension_semantics = [#tpu.dimension_semantics<core_parallel>, #tpu.dimension_semantics<subcore_parallel>], iteration_bounds = array<i64: 2, 16>, scalar_prefetch = 0 : i64, scratch_operands = 7 : i64, tpu.core_type = #tpu.core_type<sc_vector_subcore>, window_params = [{transform_indices = #map}, {transform_indices = #map}, {transform_indices = #map}, {transform_indices = #map1}]} {
    %mul3A = arith.constant 640 : i32
    %mul3A_0 = arith.muli %arg1, %mul3A : i32
    %scan3A = arith.constant 0 : i32
    %scan3A_1 = arith.constant 0 : i32
    %scan3A_2 = arith.constant 1024 : i32
    %scan3A_3 = arith.addi %scan3A_1, %scan3A_2 : i32
    %scan3A_4 = arith.constant 1 : i32
    scf.for %scan3A_23 = %scan3A_1 to %scan3A_3 step %scan3A_4  : i32 {
      %broadcast_in_dim3A = arith.constant 0.000000e+00 : f32
      %broadcast_in_dim3A_24 = vector.broadcast %broadcast_in_dim3A : f32 to vector<16xf32>
      %div3A = arith.constant 8 : i32
      %div3A_25 = arith.divsi %scan3A_23, %div3A : i32
      %rem3A = arith.constant 8 : i32
      %rem3A_26 = arith.remsi %scan3A_23, %rem3A : i32
      %mul3A_27 = arith.constant 16 : i32
      %mul3A_28 = arith.muli %rem3A_26, %mul3A_27 : i32
      %swap3A = arith.index_cast %div3A_25 : i32 to index
      %swap3A_29 = arith.index_cast %mul3A_28 : i32 to index
      %swap3A_30 = tpu.vector_load %arg8[%swap3A, %swap3A_29] {strides = array<i32>} : memref<128x128xf32, #tpu.memory_space<vmem>>, vector<1x16xf32>,
      %swap3A_31 = vector.shape_cast %swap3A_30 : vector<1x16xf32> to vector<16xf32>
      %swap3A_32 = vector.shape_cast %broadcast_in_dim3A_24 : vector<16xf32> to vector<1x16xf32>
      tpu.vector_store %arg8[%swap3A, %swap3A_29], %swap3A_32 {strides = array<i32>} : memref<128x128xf32, #tpu.memory_space<vmem>>, vector<1x16xf32>,
    }
    %scan3A_5 = arith.constant 1024 : i32
    %add3A = arith.constant 0 : i32
    %add3A_6 = arith.addi %mul3A_0, %add3A : i32
    "tpu.region"() ({
      %run_scoped3A = tpu.sem_alloc : memref<!tpu.dma_semaphore, #tpu.memory_space<semaphore_mem>>
      %dma_start3A = arith.constant 0 : i32
      %dma_start3A_23 = tpu.memref_slice %arg10[%add3A_6, %dma_start3A] : memref<10240x128xf32, #tpu.memory_space<vmem_shared>> -> memref<128x128xf32, #tpu.memory_space<vmem_shared>>
      %dma_start3A_24 = arith.constant 0 : i32
      %dma_start3A_25 = tpu.memref_slice %arg10[%add3A_6, %dma_start3A_24] : memref<10240x128xf32, #tpu.memory_space<vmem_shared>> -> memref<128x128xf32, #tpu.memory_space<vmem_shared>>
      tpu.enqueue_dma source(%arg8 : memref<128x128xf32, #tpu.memory_space<vmem>>) target(%dma_start3A_25 : memref<128x128xf32, #tpu.memory_space<vmem_shared>>) target_semaphore(%run_scoped3A : memref<!tpu.dma_semaphore, #tpu.memory_space<semaphore_mem>>)
      %dma_wait3A = arith.constant 0 : i32
      %dma_wait3A_26 = tpu.memref_slice %arg10[%add3A_6, %dma_wait3A] : memref<10240x128xf32, #tpu.memory_space<vmem_shared>> -> memref<128x128xf32, #tpu.memory_space<vmem_shared>>
      %dma_wait3A_27 = arith.constant 0 : i32
      %dma_wait3A_28 = tpu.memref_slice %arg10[%add3A_6, %dma_wait3A_27] : memref<10240x128xf32, #tpu.memory_space<vmem_shared>> -> memref<128x128xf32, #tpu.memory_space<vmem_shared>>
      tpu.wait_dma2 semaphore(%run_scoped3A : memref<!tpu.dma_semaphore, #tpu.memory_space<semaphore_mem>>) src(%arg8 : memref<128x128xf32, #tpu.memory_space<vmem>>) dst(%dma_wait3A_28 : memref<128x128xf32, #tpu.memory_space<vmem_shared>>)
      tpu.yield
    }) : () -> ()
    %add3A_7 = arith.constant 128 : i32
    %add3A_8 = arith.addi %mul3A_0, %add3A_7 : i32
    "tpu.region"() ({
      %run_scoped3A = tpu.sem_alloc : memref<!tpu.dma_semaphore, #tpu.memory_space<semaphore_mem>>
      %dma_start3A = arith.constant 0 : i32
      %dma_start3A_23 = tpu.memref_slice %arg10[%add3A_8, %dma_start3A] : memref<10240x128xf32, #tpu.memory_space<vmem_shared>> -> memref<128x128xf32, #tpu.memory_space<vmem_shared>>
      %dma_start3A_24 = arith.constant 0 : i32
      %dma_start3A_25 = tpu.memref_slice %arg10[%add3A_8, %dma_start3A_24] : memref<10240x128xf32, #tpu.memory_space<vmem_shared>> -> memref<128x128xf32, #tpu.memory_space<vmem_shared>>
      tpu.enqueue_dma source(%arg8 : memref<128x128xf32, #tpu.memory_space<vmem>>) target(%dma_start3A_25 : memref<128x128xf32, #tpu.memory_space<vmem_shared>>) target_semaphore(%run_scoped3A : memref<!tpu.dma_semaphore, #tpu.memory_space<semaphore_mem>>)
      %dma_wait3A = arith.constant 0 : i32
      %dma_wait3A_26 = tpu.memref_slice %arg10[%add3A_8, %dma_wait3A] : memref<10240x128xf32, #tpu.memory_space<vmem_shared>> -> memref<128x128xf32, #tpu.memory_space<vmem_shared>>
      %dma_wait3A_27 = arith.constant 0 : i32
      %dma_wait3A_28 = tpu.memref_slice %arg10[%add3A_8, %dma_wait3A_27] : memref<10240x128xf32, #tpu.memory_space<vmem_shared>> -> memref<128x128xf32, #tpu.memory_space<vmem_shared>>
      tpu.wait_dma2 semaphore(%run_scoped3A : memref<!tpu.dma_semaphore, #tpu.memory_space<semaphore_mem>>) src(%arg8 : memref<128x128xf32, #tpu.memory_space<vmem>>) dst(%dma_wait3A_28 : memref<128x128xf32, #tpu.memory_space<vmem_shared>>)
      tpu.yield
    }) : () -> ()
    %add3A_9 = arith.constant 256 : i32
    %add3A_10 = arith.addi %mul3A_0, %add3A_9 : i32
    "tpu.region"() ({
      %run_scoped3A = tpu.sem_alloc : memref<!tpu.dma_semaphore, #tpu.memory_space<semaphore_mem>>
      %dma_start3A = arith.constant 0 : i32
      %dma_start3A_23 = tpu.memref_slice %arg10[%add3A_10, %dma_start3A] : memref<10240x128xf32, #tpu.memory_space<vmem_shared>> -> memref<128x128xf32, #tpu.memory_space<vmem_shared>>
      %dma_start3A_24 = arith.constant 0 : i32
      %dma_start3A_25 = tpu.memref_slice %arg10[%add3A_10, %dma_start3A_24] : memref<10240x128xf32, #tpu.memory_space<vmem_shared>> -> memref<128x128xf32, #tpu.memory_space<vmem_shared>>
      tpu.enqueue_dma source(%arg8 : memref<128x128xf32, #tpu.memory_space<vmem>>) target(%dma_start3A_25 : memref<128x128xf32, #tpu.memory_space<vmem_shared>>) target_semaphore(%run_scoped3A : memref<!tpu.dma_semaphore, #tpu.memory_space<semaphore_mem>>)
      %dma_wait3A = arith.constant 0 : i32
      %dma_wait3A_26 = tpu.memref_slice %arg10[%add3A_10, %dma_wait3A] : memref<10240x128xf32, #tpu.memory_space<vmem_shared>> -> memref<128x128xf32, #tpu.memory_space<vmem_shared>>
      %dma_wait3A_27 = arith.constant 0 : i32
      %dma_wait3A_28 = tpu.memref_slice %arg10[%add3A_10, %dma_wait3A_27] : memref<10240x128xf32, #tpu.memory_space<vmem_shared>> -> memref<128x128xf32, #tpu.memory_space<vmem_shared>>
      tpu.wait_dma2 semaphore(%run_scoped3A : memref<!tpu.dma_semaphore, #tpu.memory_space<semaphore_mem>>) src(%arg8 : memref<128x128xf32, #tpu.memory_space<vmem>>) dst(%dma_wait3A_28 : memref<128x128xf32, #tpu.memory_space<vmem_shared>>)
      tpu.yield
    }) : () -> ()
    %add3A_11 = arith.constant 384 : i32
    %add3A_12 = arith.addi %mul3A_0, %add3A_11 : i32
    "tpu.region"() ({
      %run_scoped3A = tpu.sem_alloc : memref<!tpu.dma_semaphore, #tpu.memory_space<semaphore_mem>>
      %dma_start3A = arith.constant 0 : i32
      %dma_start3A_23 = tpu.memref_slice %arg10[%add3A_12, %dma_start3A] : memref<10240x128xf32, #tpu.memory_space<vmem_shared>> -> memref<128x128xf32, #tpu.memory_space<vmem_shared>>
      %dma_start3A_24 = arith.constant 0 : i32
      %dma_start3A_25 = tpu.memref_slice %arg10[%add3A_12, %dma_start3A_24] : memref<10240x128xf32, #tpu.memory_space<vmem_shared>> -> memref<128x128xf32, #tpu.memory_space<vmem_shared>>
      tpu.enqueue_dma source(%arg8 : memref<128x128xf32, #tpu.memory_space<vmem>>) target(%dma_start3A_25 : memref<128x128xf32, #tpu.memory_space<vmem_shared>>) target_semaphore(%run_scoped3A : memref<!tpu.dma_semaphore, #tpu.memory_space<semaphore_mem>>)
      %dma_wait3A = arith.constant 0 : i32
      %dma_wait3A_26 = tpu.memref_slice %arg10[%add3A_12, %dma_wait3A] : memref<10240x128xf32, #tpu.memory_space<vmem_shared>> -> memref<128x128xf32, #tpu.memory_space<vmem_shared>>
      %dma_wait3A_27 = arith.constant 0 : i32
      %dma_wait3A_28 = tpu.memref_slice %arg10[%add3A_12, %dma_wait3A_27] : memref<10240x128xf32, #tpu.memory_space<vmem_shared>> -> memref<128x128xf32, #tpu.memory_space<vmem_shared>>
      tpu.wait_dma2 semaphore(%run_scoped3A : memref<!tpu.dma_semaphore, #tpu.memory_space<semaphore_mem>>) src(%arg8 : memref<128x128xf32, #tpu.memory_space<vmem>>) dst(%dma_wait3A_28 : memref<128x128xf32, #tpu.memory_space<vmem_shared>>)
      tpu.yield
    }) : () -> ()
    %add3A_13 = arith.constant 512 : i32
    %add3A_14 = arith.addi %mul3A_0, %add3A_13 : i32
    "tpu.region"() ({
      %run_scoped3A = tpu.sem_alloc : memref<!tpu.dma_semaphore, #tpu.memory_space<semaphore_mem>>
      %dma_start3A = arith.constant 0 : i32
      %dma_start3A_23 = tpu.memref_slice %arg10[%add3A_14, %dma_start3A] : memref<10240x128xf32, #tpu.memory_space<vmem_shared>> -> memref<128x128xf32, #tpu.memory_space<vmem_shared>>
      %dma_start3A_24 = arith.constant 0 : i32
      %dma_start3A_25 = tpu.memref_slice %arg10[%add3A_14, %dma_start3A_24] : memref<10240x128xf32, #tpu.memory_space<vmem_shared>> -> memref<128x128xf32, #tpu.memory_space<vmem_shared>>
      tpu.enqueue_dma source(%arg8 : memref<128x128xf32, #tpu.memory_space<vmem>>) target(%dma_start3A_25 : memref<128x128xf32, #tpu.memory_space<vmem_shared>>) target_semaphore(%run_scoped3A : memref<!tpu.dma_semaphore, #tpu.memory_space<semaphore_mem>>)
      %dma_wait3A = arith.constant 0 : i32
      %dma_wait3A_26 = tpu.memref_slice %arg10[%add3A_14, %dma_wait3A] : memref<10240x128xf32, #tpu.memory_space<vmem_shared>> -> memref<128x128xf32, #tpu.memory_space<vmem_shared>>
      %dma_wait3A_27 = arith.constant 0 : i32
      %dma_wait3A_28 = tpu.memref_slice %arg10[%add3A_14, %dma_wait3A_27] : memref<10240x128xf32, #tpu.memory_space<vmem_shared>> -> memref<128x128xf32, #tpu.memory_space<vmem_shared>>
      tpu.wait_dma2 semaphore(%run_scoped3A : memref<!tpu.dma_semaphore, #tpu.memory_space<semaphore_mem>>) src(%arg8 : memref<128x128xf32, #tpu.memory_space<vmem>>) dst(%dma_wait3A_28 : memref<128x128xf32, #tpu.memory_space<vmem_shared>>)
      tpu.yield
    }) : () -> ()
    %barrier3A = arith.constant 0 : index
    tpu.barrier barrier_id(%barrier3A)
    %eq3A = arith.constant 0 : i32
    %eq3A_15 = arith.cmpi eq, %arg0, %eq3A : i32
    %convert_element_type3A = arith.extui %eq3A_15 : i1 to i32
    %cond3A = arith.constant 0 : i32
    %cond3A_16 = arith.cmpi ne, %convert_element_type3A, %cond3A : i32
    scf.if %cond3A_16 {
      %mul3A_23 = arith.constant 80 : i32
      %mul3A_24 = arith.muli %arg1, %mul3A_23 : i32
      %add3A_25 = arith.constant 0 : i32
      %add3A_26 = arith.addi %mul3A_24, %add3A_25 : i32
      "tpu.region"() ({
        %run_scoped3A = tpu.sem_alloc : memref<!tpu.dma_semaphore, #tpu.memory_space<semaphore_mem>>
        %dma_start3A_54 = arith.constant 0 : i32
        %dma_start3A_55 = tpu.memref_slice %arg3[%add3A_26, %dma_start3A_54] : memref<2560x128xi32, #tpu.memory_space<hbm>> -> memref<40x128xi32, #tpu.memory_space<hbm>>
        %dma_start3A_56 = arith.constant 0 : i32
        %dma_start3A_57 = tpu.memref_slice %arg3[%add3A_26, %dma_start3A_56] : memref<2560x128xi32, #tpu.memory_space<hbm>> -> memref<40x128xi32, #tpu.memory_space<hbm>>
        tpu.enqueue_dma source(%dma_start3A_57 : memref<40x128xi32, #tpu.memory_space<hbm>>) target(%arg6 : memref<40x128xi32, #tpu.memory_space<vmem>>) target_semaphore(%run_scoped3A : memref<!tpu.dma_semaphore, #tpu.memory_space<semaphore_mem>>)
        %dma_wait3A = arith.constant 0 : i32
        %dma_wait3A_58 = tpu.memref_slice %arg3[%add3A_26, %dma_wait3A] : memref<2560x128xi32, #tpu.memory_space<hbm>> -> memref<40x128xi32, #tpu.memory_space<hbm>>
        %dma_wait3A_59 = arith.constant 0 : i32
        %dma_wait3A_60 = tpu.memref_slice %arg3[%add3A_26, %dma_wait3A_59] : memref<2560x128xi32, #tpu.memory_space<hbm>> -> memref<40x128xi32, #tpu.memory_space<hbm>>
        tpu.wait_dma2 semaphore(%run_scoped3A : memref<!tpu.dma_semaphore, #tpu.memory_space<semaphore_mem>>) src(%dma_wait3A_60 : memref<40x128xi32, #tpu.memory_space<hbm>>) dst(%arg6 : memref<40x128xi32, #tpu.memory_space<vmem>>)
        tpu.yield
      }) : () -> ()
      "tpu.region"() ({
        %run_scoped3A = tpu.sem_alloc : memref<!tpu.dma_semaphore, #tpu.memory_space<semaphore_mem>>
        %dma_start3A_54 = arith.constant 0 : i32
        %dma_start3A_55 = tpu.memref_slice %arg4[%add3A_26, %dma_start3A_54] : memref<2560x128xi32, #tpu.memory_space<hbm>> -> memref<40x128xi32, #tpu.memory_space<hbm>>
        %dma_start3A_56 = arith.constant 0 : i32
        %dma_start3A_57 = tpu.memref_slice %arg4[%add3A_26, %dma_start3A_56] : memref<2560x128xi32, #tpu.memory_space<hbm>> -> memref<40x128xi32, #tpu.memory_space<hbm>>
        tpu.enqueue_dma source(%dma_start3A_57 : memref<40x128xi32, #tpu.memory_space<hbm>>) target(%arg7 : memref<40x128xi32, #tpu.memory_space<vmem>>) target_semaphore(%run_scoped3A : memref<!tpu.dma_semaphore, #tpu.memory_space<semaphore_mem>>)
        %dma_wait3A = arith.constant 0 : i32
        %dma_wait3A_58 = tpu.memref_slice %arg4[%add3A_26, %dma_wait3A] : memref<2560x128xi32, #tpu.memory_space<hbm>> -> memref<40x128xi32, #tpu.memory_space<hbm>>
        %dma_wait3A_59 = arith.constant 0 : i32
        %dma_wait3A_60 = tpu.memref_slice %arg4[%add3A_26, %dma_wait3A_59] : memref<2560x128xi32, #tpu.memory_space<hbm>> -> memref<40x128xi32, #tpu.memory_space<hbm>>
        tpu.wait_dma2 semaphore(%run_scoped3A : memref<!tpu.dma_semaphore, #tpu.memory_space<semaphore_mem>>) src(%dma_wait3A_60 : memref<40x128xi32, #tpu.memory_space<hbm>>) dst(%arg7 : memref<40x128xi32, #tpu.memory_space<vmem>>)
        tpu.yield
      }) : () -> ()
      %dma_start3A = arith.constant 0 : i32
      %dma_start3A_27 = arith.constant 0 : i32
      %dma_start3A_28 = tpu.memref_slice %arg6[%dma_start3A, %dma_start3A_27] : memref<40x128xi32, #tpu.memory_space<vmem>> -> memref<1x128xi32, #tpu.memory_space<vmem>>
      %dma_start3A_29 = tpu.memref_squeeze %dma_start3A_28 : memref<1x128xi32, #tpu.memory_space<vmem>> -> memref<128xi32, #tpu.memory_space<vmem>>
      %dma_start3A_30 = arith.constant 0 : i32
      %dma_start3A_31 = arith.constant 0 : i32
      %dma_start3A_32 = tpu.memref_slice %arg2[%dma_start3A_30, %dma_start3A_31] : memref<10240x128xf32, #tpu.memory_space<hbm>> -> memref<10240x128xf32, #tpu.memory_space<hbm>>
      tpu.enqueue_indirect_dma source(%dma_start3A_32 : memref<10240x128xf32, #tpu.memory_space<hbm>>) target(%arg8 : memref<128x128xf32, #tpu.memory_space<vmem>>) offsets(%dma_start3A_29 : memref<128xi32, #tpu.memory_space<vmem>>) semaphore(%arg11 : memref<!tpu.dma_semaphore, #tpu.memory_space<semaphore_mem>>)
      %scan3A_33 = arith.constant 0 : i32
      %scan3A_34 = arith.constant 0 : i32
      %scan3A_35 = arith.constant 40 : i32
      %scan3A_36 = arith.addi %scan3A_34, %scan3A_35 : i32
      %scan3A_37 = arith.constant 1 : i32
      scf.for %scan3A_54 = %scan3A_34 to %scan3A_36 step %scan3A_37  : i32 {
        %rem3A = arith.constant 2 : i32
        %rem3A_55 = arith.remsi %scan3A_54, %rem3A : i32
        %eq3A_56 = arith.constant 0 : i32
        %eq3A_57 = arith.cmpi eq, %rem3A_55, %eq3A_56 : i32
        %convert_element_type3A_58 = arith.extui %eq3A_57 : i1 to i32
        %cond3A_59 = arith.constant 0 : i32
        %cond3A_60 = arith.cmpi ne, %convert_element_type3A_58, %cond3A_59 : i32
        scf.if %cond3A_60 {
          %add3A_68 = arith.constant 1 : i32
          %add3A_69 = arith.addi %scan3A_54, %add3A_68 : i32
          %lt3A = arith.constant 40 : i32
          %lt3A_70 = arith.cmpi slt, %add3A_69, %lt3A : i32
          %convert_element_type3A_71 = arith.extui %lt3A_70 : i1 to i32
          %cond3A_72 = arith.constant 0 : i32
          %cond3A_73 = arith.cmpi ne, %convert_element_type3A_71, %cond3A_72 : i32
          scf.if %cond3A_73 {
            %add3A_79 = arith.constant 1 : i32
            %add3A_80 = arith.addi %scan3A_54, %add3A_79 : i32
            %dma_start3A_81 = arith.constant 0 : i32
            %dma_start3A_82 = tpu.memref_slice %arg6[%add3A_80, %dma_start3A_81] : memref<40x128xi32, #tpu.memory_space<vmem>> -> memref<1x128xi32, #tpu.memory_space<vmem>>
            %dma_start3A_83 = tpu.memref_squeeze %dma_start3A_82 : memref<1x128xi32, #tpu.memory_space<vmem>> -> memref<128xi32, #tpu.memory_space<vmem>>
            %dma_start3A_84 = arith.constant 0 : i32
            %dma_start3A_85 = arith.constant 0 : i32
            %dma_start3A_86 = tpu.memref_slice %arg2[%dma_start3A_84, %dma_start3A_85] : memref<10240x128xf32, #tpu.memory_space<hbm>> -> memref<10240x128xf32, #tpu.memory_space<hbm>>
            tpu.enqueue_indirect_dma source(%dma_start3A_86 : memref<10240x128xf32, #tpu.memory_space<hbm>>) target(%arg9 : memref<128x128xf32, #tpu.memory_space<vmem>>) offsets(%dma_start3A_83 : memref<128xi32, #tpu.memory_space<vmem>>) semaphore(%arg12 : memref<!tpu.dma_semaphore, #tpu.memory_space<semaphore_mem>>)
          } else {
          }
          %dma_wait3A = arith.constant 0 : i32
          %dma_wait3A_74 = tpu.memref_slice %arg6[%scan3A_54, %dma_wait3A] : memref<40x128xi32, #tpu.memory_space<vmem>> -> memref<1x128xi32, #tpu.memory_space<vmem>>
          %dma_wait3A_75 = tpu.memref_squeeze %dma_wait3A_74 : memref<1x128xi32, #tpu.memory_space<vmem>> -> memref<128xi32, #tpu.memory_space<vmem>>
          %dma_wait3A_76 = arith.constant 0 : i32
          %dma_wait3A_77 = arith.constant 0 : i32
          %dma_wait3A_78 = tpu.memref_slice %arg2[%dma_wait3A_76, %dma_wait3A_77] : memref<10240x128xf32, #tpu.memory_space<hbm>> -> memref<10240x128xf32, #tpu.memory_space<hbm>>
          tpu.wait_indirect_dma semaphore(%arg11 : memref<!tpu.dma_semaphore, #tpu.memory_space<semaphore_mem>>) src(%dma_wait3A_78 : memref<10240x128xf32, #tpu.memory_space<hbm>>) dst(%arg8 : memref<128x128xf32, #tpu.memory_space<vmem>>)
          "tpu.region"() ({
            %run_scoped3A = tpu.sem_alloc : memref<!tpu.dma_semaphore, #tpu.memory_space<semaphore_mem>>
            %dma_start3A_79 = arith.constant 0 : i32
            %dma_start3A_80 = tpu.memref_slice %arg7[%scan3A_54, %dma_start3A_79] : memref<40x128xi32, #tpu.memory_space<vmem>> -> memref<1x128xi32, #tpu.memory_space<vmem>>
            %dma_start3A_81 = tpu.memref_squeeze %dma_start3A_80 : memref<1x128xi32, #tpu.memory_space<vmem>> -> memref<128xi32, #tpu.memory_space<vmem>>
            %dma_start3A_82 = arith.constant 0 : i32
            %dma_start3A_83 = arith.constant 0 : i32
            %dma_start3A_84 = tpu.memref_slice %arg10[%dma_start3A_82, %dma_start3A_83] : memref<10240x128xf32, #tpu.memory_space<vmem_shared>> -> memref<10240x128xf32, #tpu.memory_space<vmem_shared>>
            tpu.enqueue_indirect_dma source(%arg8 : memref<128x128xf32, #tpu.memory_space<vmem>>) target(%dma_start3A_84 : memref<10240x128xf32, #tpu.memory_space<vmem_shared>>) offsets(%dma_start3A_81 : memref<128xi32, #tpu.memory_space<vmem>>) semaphore(%run_scoped3A : memref<!tpu.dma_semaphore, #tpu.memory_space<semaphore_mem>>) {add = true}
            %dma_wait3A_85 = arith.constant 0 : i32
            %dma_wait3A_86 = tpu.memref_slice %arg7[%scan3A_54, %dma_wait3A_85] : memref<40x128xi32, #tpu.memory_space<vmem>> -> memref<1x128xi32, #tpu.memory_space<vmem>>
            %dma_wait3A_87 = tpu.memref_squeeze %dma_wait3A_86 : memref<1x128xi32, #tpu.memory_space<vmem>> -> memref<128xi32, #tpu.memory_space<vmem>>
            %dma_wait3A_88 = arith.constant 0 : i32
            %dma_wait3A_89 = arith.constant 0 : i32
            %dma_wait3A_90 = tpu.memref_slice %arg10[%dma_wait3A_88, %dma_wait3A_89] : memref<10240x128xf32, #tpu.memory_space<vmem_shared>> -> memref<10240x128xf32, #tpu.memory_space<vmem_shared>>
            tpu.wait_indirect_dma semaphore(%run_scoped3A : memref<!tpu.dma_semaphore, #tpu.memory_space<semaphore_mem>>) src(%arg8 : memref<128x128xf32, #tpu.memory_space<vmem>>) dst(%dma_wait3A_90 : memref<10240x128xf32, #tpu.memory_space<vmem_shared>>)
            tpu.yield
          }) : () -> ()
        } else {
        }
        %rem3A_61 = arith.constant 2 : i32
        %rem3A_62 = arith.remsi %scan3A_54, %rem3A_61 : i32
        %eq3A_63 = arith.constant 1 : i32
        %eq3A_64 = arith.cmpi eq, %rem3A_62, %eq3A_63 : i32
        %convert_element_type3A_65 = arith.extui %eq3A_64 : i1 to i32
        %cond3A_66 = arith.constant 0 : i32
        %cond3A_67 = arith.cmpi ne, %convert_element_type3A_65, %cond3A_66 : i32
        scf.if %cond3A_67 {
          %add3A_68 = arith.constant 1 : i32
          %add3A_69 = arith.addi %scan3A_54, %add3A_68 : i32
          %lt3A = arith.constant 40 : i32
          %lt3A_70 = arith.cmpi slt, %add3A_69, %lt3A : i32
          %convert_element_type3A_71 = arith.extui %lt3A_70 : i1 to i32
          %cond3A_72 = arith.constant 0 : i32
          %cond3A_73 = arith.cmpi ne, %convert_element_type3A_71, %cond3A_72 : i32
          scf.if %cond3A_73 {
            %add3A_79 = arith.constant 1 : i32
            %add3A_80 = arith.addi %scan3A_54, %add3A_79 : i32
            %dma_start3A_81 = arith.constant 0 : i32
            %dma_start3A_82 = tpu.memref_slice %arg6[%add3A_80, %dma_start3A_81] : memref<40x128xi32, #tpu.memory_space<vmem>> -> memref<1x128xi32, #tpu.memory_space<vmem>>
            %dma_start3A_83 = tpu.memref_squeeze %dma_start3A_82 : memref<1x128xi32, #tpu.memory_space<vmem>> -> memref<128xi32, #tpu.memory_space<vmem>>
            %dma_start3A_84 = arith.constant 0 : i32
            %dma_start3A_85 = arith.constant 0 : i32
            %dma_start3A_86 = tpu.memref_slice %arg2[%dma_start3A_84, %dma_start3A_85] : memref<10240x128xf32, #tpu.memory_space<hbm>> -> memref<10240x128xf32, #tpu.memory_space<hbm>>
            tpu.enqueue_indirect_dma source(%dma_start3A_86 : memref<10240x128xf32, #tpu.memory_space<hbm>>) target(%arg8 : memref<128x128xf32, #tpu.memory_space<vmem>>) offsets(%dma_start3A_83 : memref<128xi32, #tpu.memory_space<vmem>>) semaphore(%arg11 : memref<!tpu.dma_semaphore, #tpu.memory_space<semaphore_mem>>)
          } else {
          }
          %dma_wait3A = arith.constant 0 : i32
          %dma_wait3A_74 = tpu.memref_slice %arg6[%scan3A_54, %dma_wait3A] : memref<40x128xi32, #tpu.memory_space<vmem>> -> memref<1x128xi32, #tpu.memory_space<vmem>>
          %dma_wait3A_75 = tpu.memref_squeeze %dma_wait3A_74 : memref<1x128xi32, #tpu.memory_space<vmem>> -> memref<128xi32, #tpu.memory_space<vmem>>
          %dma_wait3A_76 = arith.constant 0 : i32
          %dma_wait3A_77 = arith.constant 0 : i32
          %dma_wait3A_78 = tpu.memref_slice %arg2[%dma_wait3A_76, %dma_wait3A_77] : memref<10240x128xf32, #tpu.memory_space<hbm>> -> memref<10240x128xf32, #tpu.memory_space<hbm>>
          tpu.wait_indirect_dma semaphore(%arg12 : memref<!tpu.dma_semaphore, #tpu.memory_space<semaphore_mem>>) src(%dma_wait3A_78 : memref<10240x128xf32, #tpu.memory_space<hbm>>) dst(%arg9 : memref<128x128xf32, #tpu.memory_space<vmem>>)
          "tpu.region"() ({
            %run_scoped3A = tpu.sem_alloc : memref<!tpu.dma_semaphore, #tpu.memory_space<semaphore_mem>>
            %dma_start3A_79 = arith.constant 0 : i32
            %dma_start3A_80 = tpu.memref_slice %arg7[%scan3A_54, %dma_start3A_79] : memref<40x128xi32, #tpu.memory_space<vmem>> -> memref<1x128xi32, #tpu.memory_space<vmem>>
            %dma_start3A_81 = tpu.memref_squeeze %dma_start3A_80 : memref<1x128xi32, #tpu.memory_space<vmem>> -> memref<128xi32, #tpu.memory_space<vmem>>
            %dma_start3A_82 = arith.constant 0 : i32
            %dma_start3A_83 = arith.constant 0 : i32
            %dma_start3A_84 = tpu.memref_slice %arg10[%dma_start3A_82, %dma_start3A_83] : memref<10240x128xf32, #tpu.memory_space<vmem_shared>> -> memref<10240x128xf32, #tpu.memory_space<vmem_shared>>
            tpu.enqueue_indirect_dma source(%arg9 : memref<128x128xf32, #tpu.memory_space<vmem>>) target(%dma_start3A_84 : memref<10240x128xf32, #tpu.memory_space<vmem_shared>>) offsets(%dma_start3A_81 : memref<128xi32, #tpu.memory_space<vmem>>) semaphore(%run_scoped3A : memref<!tpu.dma_semaphore, #tpu.memory_space<semaphore_mem>>) {add = true}
            %dma_wait3A_85 = arith.constant 0 : i32
            %dma_wait3A_86 = tpu.memref_slice %arg7[%scan3A_54, %dma_wait3A_85] : memref<40x128xi32, #tpu.memory_space<vmem>> -> memref<1x128xi32, #tpu.memory_space<vmem>>
            %dma_wait3A_87 = tpu.memref_squeeze %dma_wait3A_86 : memref<1x128xi32, #tpu.memory_space<vmem>> -> memref<128xi32, #tpu.memory_space<vmem>>
            %dma_wait3A_88 = arith.constant 0 : i32
            %dma_wait3A_89 = arith.constant 0 : i32
            %dma_wait3A_90 = tpu.memref_slice %arg10[%dma_wait3A_88, %dma_wait3A_89] : memref<10240x128xf32, #tpu.memory_space<vmem_shared>> -> memref<10240x128xf32, #tpu.memory_space<vmem_shared>>
            tpu.wait_indirect_dma semaphore(%run_scoped3A : memref<!tpu.dma_semaphore, #tpu.memory_space<semaphore_mem>>) src(%arg9 : memref<128x128xf32, #tpu.memory_space<vmem>>) dst(%dma_wait3A_90 : memref<10240x128xf32, #tpu.memory_space<vmem_shared>>)
            tpu.yield
          }) : () -> ()
        } else {
        }
      }
      %scan3A_38 = arith.constant 40 : i32
      %add3A_39 = arith.constant 40 : i32
      %add3A_40 = arith.addi %mul3A_24, %add3A_39 : i32
      "tpu.region"() ({
        %run_scoped3A = tpu.sem_alloc : memref<!tpu.dma_semaphore, #tpu.memory_space<semaphore_mem>>
        %dma_start3A_54 = arith.constant 0 : i32
        %dma_start3A_55 = tpu.memref_slice %arg3[%add3A_40, %dma_start3A_54] : memref<2560x128xi32, #tpu.memory_space<hbm>> -> memref<40x128xi32, #tpu.memory_space<hbm>>
        %dma_start3A_56 = arith.constant 0 : i32
        %dma_start3A_57 = tpu.memref_slice %arg3[%add3A_40, %dma_start3A_56] : memref<2560x128xi32, #tpu.memory_space<hbm>> -> memref<40x128xi32, #tpu.memory_space<hbm>>
        tpu.enqueue_dma source(%dma_start3A_57 : memref<40x128xi32, #tpu.memory_space<hbm>>) target(%arg6 : memref<40x128xi32, #tpu.memory_space<vmem>>) target_semaphore(%run_scoped3A : memref<!tpu.dma_semaphore, #tpu.memory_space<semaphore_mem>>)
        %dma_wait3A = arith.constant 0 : i32
        %dma_wait3A_58 = tpu.memref_slice %arg3[%add3A_40, %dma_wait3A] : memref<2560x128xi32, #tpu.memory_space<hbm>> -> memref<40x128xi32, #tpu.memory_space<hbm>>
        %dma_wait3A_59 = arith.constant 0 : i32
        %dma_wait3A_60 = tpu.memref_slice %arg3[%add3A_40, %dma_wait3A_59] : memref<2560x128xi32, #tpu.memory_space<hbm>> -> memref<40x128xi32, #tpu.memory_space<hbm>>
        tpu.wait_dma2 semaphore(%run_scoped3A : memref<!tpu.dma_semaphore, #tpu.memory_space<semaphore_mem>>) src(%dma_wait3A_60 : memref<40x128xi32, #tpu.memory_space<hbm>>) dst(%arg6 : memref<40x128xi32, #tpu.memory_space<vmem>>)
        tpu.yield
      }) : () -> ()
      "tpu.region"() ({
        %run_scoped3A = tpu.sem_alloc : memref<!tpu.dma_semaphore, #tpu.memory_space<semaphore_mem>>
        %dma_start3A_54 = arith.constant 0 : i32
        %dma_start3A_55 = tpu.memref_slice %arg4[%add3A_40, %dma_start3A_54] : memref<2560x128xi32, #tpu.memory_space<hbm>> -> memref<40x128xi32, #tpu.memory_space<hbm>>
        %dma_start3A_56 = arith.constant 0 : i32
        %dma_start3A_57 = tpu.memref_slice %arg4[%add3A_40, %dma_start3A_56] : memref<2560x128xi32, #tpu.memory_space<hbm>> -> memref<40x128xi32, #tpu.memory_space<hbm>>
        tpu.enqueue_dma source(%dma_start3A_57 : memref<40x128xi32, #tpu.memory_space<hbm>>) target(%arg7 : memref<40x128xi32, #tpu.memory_space<vmem>>) target_semaphore(%run_scoped3A : memref<!tpu.dma_semaphore, #tpu.memory_space<semaphore_mem>>)
        %dma_wait3A = arith.constant 0 : i32
        %dma_wait3A_58 = tpu.memref_slice %arg4[%add3A_40, %dma_wait3A] : memref<2560x128xi32, #tpu.memory_space<hbm>> -> memref<40x128xi32, #tpu.memory_space<hbm>>
        %dma_wait3A_59 = arith.constant 0 : i32
        %dma_wait3A_60 = tpu.memref_slice %arg4[%add3A_40, %dma_wait3A_59] : memref<2560x128xi32, #tpu.memory_space<hbm>> -> memref<40x128xi32, #tpu.memory_space<hbm>>
        tpu.wait_dma2 semaphore(%run_scoped3A : memref<!tpu.dma_semaphore, #tpu.memory_space<semaphore_mem>>) src(%dma_wait3A_60 : memref<40x128xi32, #tpu.memory_space<hbm>>) dst(%arg7 : memref<40x128xi32, #tpu.memory_space<vmem>>)
        tpu.yield
      }) : () -> ()
      %dma_start3A_41 = arith.constant 0 : i32
      %dma_start3A_42 = arith.constant 0 : i32
      %dma_start3A_43 = tpu.memref_slice %arg6[%dma_start3A_41, %dma_start3A_42] : memref<40x128xi32, #tpu.memory_space<vmem>> -> memref<1x128xi32, #tpu.memory_space<vmem>>
      %dma_start3A_44 = tpu.memref_squeeze %dma_start3A_43 : memref<1x128xi32, #tpu.memory_space<vmem>> -> memref<128xi32, #tpu.memory_space<vmem>>
      %dma_start3A_45 = arith.constant 0 : i32
      %dma_start3A_46 = arith.constant 0 : i32
      %dma_start3A_47 = tpu.memref_slice %arg2[%dma_start3A_45, %dma_start3A_46] : memref<10240x128xf32, #tpu.memory_space<hbm>> -> memref<10240x128xf32, #tpu.memory_space<hbm>>
      tpu.enqueue_indirect_dma source(%dma_start3A_47 : memref<10240x128xf32, #tpu.memory_space<hbm>>) target(%arg8 : memref<128x128xf32, #tpu.memory_space<vmem>>) offsets(%dma_start3A_44 : memref<128xi32, #tpu.memory_space<vmem>>) semaphore(%arg11 : memref<!tpu.dma_semaphore, #tpu.memory_space<semaphore_mem>>)
      %scan3A_48 = arith.constant 0 : i32
      %scan3A_49 = arith.constant 0 : i32
      %scan3A_50 = arith.constant 40 : i32
      %scan3A_51 = arith.addi %scan3A_49, %scan3A_50 : i32
      %scan3A_52 = arith.constant 1 : i32
      scf.for %scan3A_54 = %scan3A_49 to %scan3A_51 step %scan3A_52  : i32 {
        %rem3A = arith.constant 2 : i32
        %rem3A_55 = arith.remsi %scan3A_54, %rem3A : i32
        %eq3A_56 = arith.constant 0 : i32
        %eq3A_57 = arith.cmpi eq, %rem3A_55, %eq3A_56 : i32
        %convert_element_type3A_58 = arith.extui %eq3A_57 : i1 to i32
        %cond3A_59 = arith.constant 0 : i32
        %cond3A_60 = arith.cmpi ne, %convert_element_type3A_58, %cond3A_59 : i32
        scf.if %cond3A_60 {
          %add3A_68 = arith.constant 1 : i32
          %add3A_69 = arith.addi %scan3A_54, %add3A_68 : i32
          %lt3A = arith.constant 40 : i32
          %lt3A_70 = arith.cmpi slt, %add3A_69, %lt3A : i32
          %convert_element_type3A_71 = arith.extui %lt3A_70 : i1 to i32
          %cond3A_72 = arith.constant 0 : i32
          %cond3A_73 = arith.cmpi ne, %convert_element_type3A_71, %cond3A_72 : i32
          scf.if %cond3A_73 {
            %add3A_79 = arith.constant 1 : i32
            %add3A_80 = arith.addi %scan3A_54, %add3A_79 : i32
            %dma_start3A_81 = arith.constant 0 : i32
            %dma_start3A_82 = tpu.memref_slice %arg6[%add3A_80, %dma_start3A_81] : memref<40x128xi32, #tpu.memory_space<vmem>> -> memref<1x128xi32, #tpu.memory_space<vmem>>
            %dma_start3A_83 = tpu.memref_squeeze %dma_start3A_82 : memref<1x128xi32, #tpu.memory_space<vmem>> -> memref<128xi32, #tpu.memory_space<vmem>>
            %dma_start3A_84 = arith.constant 0 : i32
            %dma_start3A_85 = arith.constant 0 : i32
            %dma_start3A_86 = tpu.memref_slice %arg2[%dma_start3A_84, %dma_start3A_85] : memref<10240x128xf32, #tpu.memory_space<hbm>> -> memref<10240x128xf32, #tpu.memory_space<hbm>>
            tpu.enqueue_indirect_dma source(%dma_start3A_86 : memref<10240x128xf32, #tpu.memory_space<hbm>>) target(%arg9 : memref<128x128xf32, #tpu.memory_space<vmem>>) offsets(%dma_start3A_83 : memref<128xi32, #tpu.memory_space<vmem>>) semaphore(%arg12 : memref<!tpu.dma_semaphore, #tpu.memory_space<semaphore_mem>>)
          } else {
          }
          %dma_wait3A = arith.constant 0 : i32
          %dma_wait3A_74 = tpu.memref_slice %arg6[%scan3A_54, %dma_wait3A] : memref<40x128xi32, #tpu.memory_space<vmem>> -> memref<1x128xi32, #tpu.memory_space<vmem>>
          %dma_wait3A_75 = tpu.memref_squeeze %dma_wait3A_74 : memref<1x128xi32, #tpu.memory_space<vmem>> -> memref<128xi32, #tpu.memory_space<vmem>>
          %dma_wait3A_76 = arith.constant 0 : i32
          %dma_wait3A_77 = arith.constant 0 : i32
          %dma_wait3A_78 = tpu.memref_slice %arg2[%dma_wait3A_76, %dma_wait3A_77] : memref<10240x128xf32, #tpu.memory_space<hbm>> -> memref<10240x128xf32, #tpu.memory_space<hbm>>
          tpu.wait_indirect_dma semaphore(%arg11 : memref<!tpu.dma_semaphore, #tpu.memory_space<semaphore_mem>>) src(%dma_wait3A_78 : memref<10240x128xf32, #tpu.memory_space<hbm>>) dst(%arg8 : memref<128x128xf32, #tpu.memory_space<vmem>>)
          "tpu.region"() ({
            %run_scoped3A = tpu.sem_alloc : memref<!tpu.dma_semaphore, #tpu.memory_space<semaphore_mem>>
            %dma_start3A_79 = arith.constant 0 : i32
            %dma_start3A_80 = tpu.memref_slice %arg7[%scan3A_54, %dma_start3A_79] : memref<40x128xi32, #tpu.memory_space<vmem>> -> memref<1x128xi32, #tpu.memory_space<vmem>>
            %dma_start3A_81 = tpu.memref_squeeze %dma_start3A_80 : memref<1x128xi32, #tpu.memory_space<vmem>> -> memref<128xi32, #tpu.memory_space<vmem>>
            %dma_start3A_82 = arith.constant 0 : i32
            %dma_start3A_83 = arith.constant 0 : i32
            %dma_start3A_84 = tpu.memref_slice %arg10[%dma_start3A_82, %dma_start3A_83] : memref<10240x128xf32, #tpu.memory_space<vmem_shared>> -> memref<10240x128xf32, #tpu.memory_space<vmem_shared>>
            tpu.enqueue_indirect_dma source(%arg8 : memref<128x128xf32, #tpu.memory_space<vmem>>) target(%dma_start3A_84 : memref<10240x128xf32, #tpu.memory_space<vmem_shared>>) offsets(%dma_start3A_81 : memref<128xi32, #tpu.memory_space<vmem>>) semaphore(%run_scoped3A : memref<!tpu.dma_semaphore, #tpu.memory_space<semaphore_mem>>) {add = true}
            %dma_wait3A_85 = arith.constant 0 : i32
            %dma_wait3A_86 = tpu.memref_slice %arg7[%scan3A_54, %dma_wait3A_85] : memref<40x128xi32, #tpu.memory_space<vmem>> -> memref<1x128xi32, #tpu.memory_space<vmem>>
            %dma_wait3A_87 = tpu.memref_squeeze %dma_wait3A_86 : memref<1x128xi32, #tpu.memory_space<vmem>> -> memref<128xi32, #tpu.memory_space<vmem>>
            %dma_wait3A_88 = arith.constant 0 : i32
            %dma_wait3A_89 = arith.constant 0 : i32
            %dma_wait3A_90 = tpu.memref_slice %arg10[%dma_wait3A_88, %dma_wait3A_89] : memref<10240x128xf32, #tpu.memory_space<vmem_shared>> -> memref<10240x128xf32, #tpu.memory_space<vmem_shared>>
            tpu.wait_indirect_dma semaphore(%run_scoped3A : memref<!tpu.dma_semaphore, #tpu.memory_space<semaphore_mem>>) src(%arg8 : memref<128x128xf32, #tpu.memory_space<vmem>>) dst(%dma_wait3A_90 : memref<10240x128xf32, #tpu.memory_space<vmem_shared>>)
            tpu.yield
          }) : () -> ()
        } else {
        }
        %rem3A_61 = arith.constant 2 : i32
        %rem3A_62 = arith.remsi %scan3A_54, %rem3A_61 : i32
        %eq3A_63 = arith.constant 1 : i32
        %eq3A_64 = arith.cmpi eq, %rem3A_62, %eq3A_63 : i32
        %convert_element_type3A_65 = arith.extui %eq3A_64 : i1 to i32
        %cond3A_66 = arith.constant 0 : i32
        %cond3A_67 = arith.cmpi ne, %convert_element_type3A_65, %cond3A_66 : i32
        scf.if %cond3A_67 {
          %add3A_68 = arith.constant 1 : i32
          %add3A_69 = arith.addi %scan3A_54, %add3A_68 : i32
          %lt3A = arith.constant 40 : i32
          %lt3A_70 = arith.cmpi slt, %add3A_69, %lt3A : i32
          %convert_element_type3A_71 = arith.extui %lt3A_70 : i1 to i32
          %cond3A_72 = arith.constant 0 : i32
          %cond3A_73 = arith.cmpi ne, %convert_element_type3A_71, %cond3A_72 : i32
          scf.if %cond3A_73 {
            %add3A_79 = arith.constant 1 : i32
            %add3A_80 = arith.addi %scan3A_54, %add3A_79 : i32
            %dma_start3A_81 = arith.constant 0 : i32
            %dma_start3A_82 = tpu.memref_slice %arg6[%add3A_80, %dma_start3A_81] : memref<40x128xi32, #tpu.memory_space<vmem>> -> memref<1x128xi32, #tpu.memory_space<vmem>>
            %dma_start3A_83 = tpu.memref_squeeze %dma_start3A_82 : memref<1x128xi32, #tpu.memory_space<vmem>> -> memref<128xi32, #tpu.memory_space<vmem>>
            %dma_start3A_84 = arith.constant 0 : i32
            %dma_start3A_85 = arith.constant 0 : i32
            %dma_start3A_86 = tpu.memref_slice %arg2[%dma_start3A_84, %dma_start3A_85] : memref<10240x128xf32, #tpu.memory_space<hbm>> -> memref<10240x128xf32, #tpu.memory_space<hbm>>
            tpu.enqueue_indirect_dma source(%dma_start3A_86 : memref<10240x128xf32, #tpu.memory_space<hbm>>) target(%arg8 : memref<128x128xf32, #tpu.memory_space<vmem>>) offsets(%dma_start3A_83 : memref<128xi32, #tpu.memory_space<vmem>>) semaphore(%arg11 : memref<!tpu.dma_semaphore, #tpu.memory_space<semaphore_mem>>)
          } else {
          }
          %dma_wait3A = arith.constant 0 : i32
          %dma_wait3A_74 = tpu.memref_slice %arg6[%scan3A_54, %dma_wait3A] : memref<40x128xi32, #tpu.memory_space<vmem>> -> memref<1x128xi32, #tpu.memory_space<vmem>>
          %dma_wait3A_75 = tpu.memref_squeeze %dma_wait3A_74 : memref<1x128xi32, #tpu.memory_space<vmem>> -> memref<128xi32, #tpu.memory_space<vmem>>
          %dma_wait3A_76 = arith.constant 0 : i32
          %dma_wait3A_77 = arith.constant 0 : i32
          %dma_wait3A_78 = tpu.memref_slice %arg2[%dma_wait3A_76, %dma_wait3A_77] : memref<10240x128xf32, #tpu.memory_space<hbm>> -> memref<10240x128xf32, #tpu.memory_space<hbm>>
          tpu.wait_indirect_dma semaphore(%arg12 : memref<!tpu.dma_semaphore, #tpu.memory_space<semaphore_mem>>) src(%dma_wait3A_78 : memref<10240x128xf32, #tpu.memory_space<hbm>>) dst(%arg9 : memref<128x128xf32, #tpu.memory_space<vmem>>)
          "tpu.region"() ({
            %run_scoped3A = tpu.sem_alloc : memref<!tpu.dma_semaphore, #tpu.memory_space<semaphore_mem>>
            %dma_start3A_79 = arith.constant 0 : i32
            %dma_start3A_80 = tpu.memref_slice %arg7[%scan3A_54, %dma_start3A_79] : memref<40x128xi32, #tpu.memory_space<vmem>> -> memref<1x128xi32, #tpu.memory_space<vmem>>
            %dma_start3A_81 = tpu.memref_squeeze %dma_start3A_80 : memref<1x128xi32, #tpu.memory_space<vmem>> -> memref<128xi32, #tpu.memory_space<vmem>>
            %dma_start3A_82 = arith.constant 0 : i32
            %dma_start3A_83 = arith.constant 0 : i32
            %dma_start3A_84 = tpu.memref_slice %arg10[%dma_start3A_82, %dma_start3A_83] : memref<10240x128xf32, #tpu.memory_space<vmem_shared>> -> memref<10240x128xf32, #tpu.memory_space<vmem_shared>>
            tpu.enqueue_indirect_dma source(%arg9 : memref<128x128xf32, #tpu.memory_space<vmem>>) target(%dma_start3A_84 : memref<10240x128xf32, #tpu.memory_space<vmem_shared>>) offsets(%dma_start3A_81 : memref<128xi32, #tpu.memory_space<vmem>>) semaphore(%run_scoped3A : memref<!tpu.dma_semaphore, #tpu.memory_space<semaphore_mem>>) {add = true}
            %dma_wait3A_85 = arith.constant 0 : i32
            %dma_wait3A_86 = tpu.memref_slice %arg7[%scan3A_54, %dma_wait3A_85] : memref<40x128xi32, #tpu.memory_space<vmem>> -> memref<1x128xi32, #tpu.memory_space<vmem>>
            %dma_wait3A_87 = tpu.memref_squeeze %dma_wait3A_86 : memref<1x128xi32, #tpu.memory_space<vmem>> -> memref<128xi32, #tpu.memory_space<vmem>>
            %dma_wait3A_88 = arith.constant 0 : i32
            %dma_wait3A_89 = arith.constant 0 : i32
            %dma_wait3A_90 = tpu.memref_slice %arg10[%dma_wait3A_88, %dma_wait3A_89] : memref<10240x128xf32, #tpu.memory_space<vmem_shared>> -> memref<10240x128xf32, #tpu.memory_space<vmem_shared>>
            tpu.wait_indirect_dma semaphore(%run_scoped3A : memref<!tpu.dma_semaphore, #tpu.memory_space<semaphore_mem>>) src(%arg9 : memref<128x128xf32, #tpu.memory_space<vmem>>) dst(%dma_wait3A_90 : memref<10240x128xf32, #tpu.memory_space<vmem_shared>>)
            tpu.yield
          }) : () -> ()
        } else {
        }
      }
      %scan3A_53 = arith.constant 40 : i32
    } else {
    }
    %eq3A_17 = arith.constant 1 : i32
    %eq3A_18 = arith.cmpi eq, %arg0, %eq3A_17 : i32
    %convert_element_type3A_19 = arith.extui %eq3A_18 : i1 to i32
    %cond3A_20 = arith.constant 0 : i32
    %cond3A_21 = arith.cmpi ne, %convert_element_type3A_19, %cond3A_20 : i32
    scf.if %cond3A_21 {
      %mul3A_23 = arith.constant 80 : i32
      %mul3A_24 = arith.muli %arg1, %mul3A_23 : i32
      %add3A_25 = arith.constant 1280 : i32
      %add3A_26 = arith.addi %add3A_25, %mul3A_24 : i32
      %add3A_27 = arith.constant 0 : i32
      %add3A_28 = arith.addi %add3A_26, %add3A_27 : i32
      "tpu.region"() ({
        %run_scoped3A = tpu.sem_alloc : memref<!tpu.dma_semaphore, #tpu.memory_space<semaphore_mem>>
        %dma_start3A_56 = arith.constant 0 : i32
        %dma_start3A_57 = tpu.memref_slice %arg3[%add3A_28, %dma_start3A_56] : memref<2560x128xi32, #tpu.memory_space<hbm>> -> memref<40x128xi32, #tpu.memory_space<hbm>>
        %dma_start3A_58 = arith.constant 0 : i32
        %dma_start3A_59 = tpu.memref_slice %arg3[%add3A_28, %dma_start3A_58] : memref<2560x128xi32, #tpu.memory_space<hbm>> -> memref<40x128xi32, #tpu.memory_space<hbm>>
        tpu.enqueue_dma source(%dma_start3A_59 : memref<40x128xi32, #tpu.memory_space<hbm>>) target(%arg6 : memref<40x128xi32, #tpu.memory_space<vmem>>) target_semaphore(%run_scoped3A : memref<!tpu.dma_semaphore, #tpu.memory_space<semaphore_mem>>)
        %dma_wait3A = arith.constant 0 : i32
        %dma_wait3A_60 = tpu.memref_slice %arg3[%add3A_28, %dma_wait3A] : memref<2560x128xi32, #tpu.memory_space<hbm>> -> memref<40x128xi32, #tpu.memory_space<hbm>>
        %dma_wait3A_61 = arith.constant 0 : i32
        %dma_wait3A_62 = tpu.memref_slice %arg3[%add3A_28, %dma_wait3A_61] : memref<2560x128xi32, #tpu.memory_space<hbm>> -> memref<40x128xi32, #tpu.memory_space<hbm>>
        tpu.wait_dma2 semaphore(%run_scoped3A : memref<!tpu.dma_semaphore, #tpu.memory_space<semaphore_mem>>) src(%dma_wait3A_62 : memref<40x128xi32, #tpu.memory_space<hbm>>) dst(%arg6 : memref<40x128xi32, #tpu.memory_space<vmem>>)
        tpu.yield
      }) : () -> ()
      "tpu.region"() ({
        %run_scoped3A = tpu.sem_alloc : memref<!tpu.dma_semaphore, #tpu.memory_space<semaphore_mem>>
        %dma_start3A_56 = arith.constant 0 : i32
        %dma_start3A_57 = tpu.memref_slice %arg4[%add3A_28, %dma_start3A_56] : memref<2560x128xi32, #tpu.memory_space<hbm>> -> memref<40x128xi32, #tpu.memory_space<hbm>>
        %dma_start3A_58 = arith.constant 0 : i32
        %dma_start3A_59 = tpu.memref_slice %arg4[%add3A_28, %dma_start3A_58] : memref<2560x128xi32, #tpu.memory_space<hbm>> -> memref<40x128xi32, #tpu.memory_space<hbm>>
        tpu.enqueue_dma source(%dma_start3A_59 : memref<40x128xi32, #tpu.memory_space<hbm>>) target(%arg7 : memref<40x128xi32, #tpu.memory_space<vmem>>) target_semaphore(%run_scoped3A : memref<!tpu.dma_semaphore, #tpu.memory_space<semaphore_mem>>)
        %dma_wait3A = arith.constant 0 : i32
        %dma_wait3A_60 = tpu.memref_slice %arg4[%add3A_28, %dma_wait3A] : memref<2560x128xi32, #tpu.memory_space<hbm>> -> memref<40x128xi32, #tpu.memory_space<hbm>>
        %dma_wait3A_61 = arith.constant 0 : i32
        %dma_wait3A_62 = tpu.memref_slice %arg4[%add3A_28, %dma_wait3A_61] : memref<2560x128xi32, #tpu.memory_space<hbm>> -> memref<40x128xi32, #tpu.memory_space<hbm>>
        tpu.wait_dma2 semaphore(%run_scoped3A : memref<!tpu.dma_semaphore, #tpu.memory_space<semaphore_mem>>) src(%dma_wait3A_62 : memref<40x128xi32, #tpu.memory_space<hbm>>) dst(%arg7 : memref<40x128xi32, #tpu.memory_space<vmem>>)
        tpu.yield
      }) : () -> ()
      %dma_start3A = arith.constant 0 : i32
      %dma_start3A_29 = arith.constant 0 : i32
      %dma_start3A_30 = tpu.memref_slice %arg6[%dma_start3A, %dma_start3A_29] : memref<40x128xi32, #tpu.memory_space<vmem>> -> memref<1x128xi32, #tpu.memory_space<vmem>>
      %dma_start3A_31 = tpu.memref_squeeze %dma_start3A_30 : memref<1x128xi32, #tpu.memory_space<vmem>> -> memref<128xi32, #tpu.memory_space<vmem>>
      %dma_start3A_32 = arith.constant 0 : i32
      %dma_start3A_33 = arith.constant 0 : i32
      %dma_start3A_34 = tpu.memref_slice %arg2[%dma_start3A_32, %dma_start3A_33] : memref<10240x128xf32, #tpu.memory_space<hbm>> -> memref<10240x128xf32, #tpu.memory_space<hbm>>
      tpu.enqueue_indirect_dma source(%dma_start3A_34 : memref<10240x128xf32, #tpu.memory_space<hbm>>) target(%arg8 : memref<128x128xf32, #tpu.memory_space<vmem>>) offsets(%dma_start3A_31 : memref<128xi32, #tpu.memory_space<vmem>>) semaphore(%arg11 : memref<!tpu.dma_semaphore, #tpu.memory_space<semaphore_mem>>)
      %scan3A_35 = arith.constant 0 : i32
      %scan3A_36 = arith.constant 0 : i32
      %scan3A_37 = arith.constant 40 : i32
      %scan3A_38 = arith.addi %scan3A_36, %scan3A_37 : i32
      %scan3A_39 = arith.constant 1 : i32
      scf.for %scan3A_56 = %scan3A_36 to %scan3A_38 step %scan3A_39  : i32 {
        %rem3A = arith.constant 2 : i32
        %rem3A_57 = arith.remsi %scan3A_56, %rem3A : i32
        %eq3A_58 = arith.constant 0 : i32
        %eq3A_59 = arith.cmpi eq, %rem3A_57, %eq3A_58 : i32
        %convert_element_type3A_60 = arith.extui %eq3A_59 : i1 to i32
        %cond3A_61 = arith.constant 0 : i32
        %cond3A_62 = arith.cmpi ne, %convert_element_type3A_60, %cond3A_61 : i32
        scf.if %cond3A_62 {
          %add3A_70 = arith.constant 1 : i32
          %add3A_71 = arith.addi %scan3A_56, %add3A_70 : i32
          %lt3A = arith.constant 40 : i32
          %lt3A_72 = arith.cmpi slt, %add3A_71, %lt3A : i32
          %convert_element_type3A_73 = arith.extui %lt3A_72 : i1 to i32
          %cond3A_74 = arith.constant 0 : i32
          %cond3A_75 = arith.cmpi ne, %convert_element_type3A_73, %cond3A_74 : i32
          scf.if %cond3A_75 {
            %add3A_81 = arith.constant 1 : i32
            %add3A_82 = arith.addi %scan3A_56, %add3A_81 : i32
            %dma_start3A_83 = arith.constant 0 : i32
            %dma_start3A_84 = tpu.memref_slice %arg6[%add3A_82, %dma_start3A_83] : memref<40x128xi32, #tpu.memory_space<vmem>> -> memref<1x128xi32, #tpu.memory_space<vmem>>
            %dma_start3A_85 = tpu.memref_squeeze %dma_start3A_84 : memref<1x128xi32, #tpu.memory_space<vmem>> -> memref<128xi32, #tpu.memory_space<vmem>>
            %dma_start3A_86 = arith.constant 0 : i32
            %dma_start3A_87 = arith.constant 0 : i32
            %dma_start3A_88 = tpu.memref_slice %arg2[%dma_start3A_86, %dma_start3A_87] : memref<10240x128xf32, #tpu.memory_space<hbm>> -> memref<10240x128xf32, #tpu.memory_space<hbm>>
            tpu.enqueue_indirect_dma source(%dma_start3A_88 : memref<10240x128xf32, #tpu.memory_space<hbm>>) target(%arg9 : memref<128x128xf32, #tpu.memory_space<vmem>>) offsets(%dma_start3A_85 : memref<128xi32, #tpu.memory_space<vmem>>) semaphore(%arg12 : memref<!tpu.dma_semaphore, #tpu.memory_space<semaphore_mem>>)
          } else {
          }
          %dma_wait3A = arith.constant 0 : i32
          %dma_wait3A_76 = tpu.memref_slice %arg6[%scan3A_56, %dma_wait3A] : memref<40x128xi32, #tpu.memory_space<vmem>> -> memref<1x128xi32, #tpu.memory_space<vmem>>
          %dma_wait3A_77 = tpu.memref_squeeze %dma_wait3A_76 : memref<1x128xi32, #tpu.memory_space<vmem>> -> memref<128xi32, #tpu.memory_space<vmem>>
          %dma_wait3A_78 = arith.constant 0 : i32
          %dma_wait3A_79 = arith.constant 0 : i32
          %dma_wait3A_80 = tpu.memref_slice %arg2[%dma_wait3A_78, %dma_wait3A_79] : memref<10240x128xf32, #tpu.memory_space<hbm>> -> memref<10240x128xf32, #tpu.memory_space<hbm>>
          tpu.wait_indirect_dma semaphore(%arg11 : memref<!tpu.dma_semaphore, #tpu.memory_space<semaphore_mem>>) src(%dma_wait3A_80 : memref<10240x128xf32, #tpu.memory_space<hbm>>) dst(%arg8 : memref<128x128xf32, #tpu.memory_space<vmem>>)
          "tpu.region"() ({
            %run_scoped3A = tpu.sem_alloc : memref<!tpu.dma_semaphore, #tpu.memory_space<semaphore_mem>>
            %dma_start3A_81 = arith.constant 0 : i32
            %dma_start3A_82 = tpu.memref_slice %arg7[%scan3A_56, %dma_start3A_81] : memref<40x128xi32, #tpu.memory_space<vmem>> -> memref<1x128xi32, #tpu.memory_space<vmem>>
            %dma_start3A_83 = tpu.memref_squeeze %dma_start3A_82 : memref<1x128xi32, #tpu.memory_space<vmem>> -> memref<128xi32, #tpu.memory_space<vmem>>
            %dma_start3A_84 = arith.constant 0 : i32
            %dma_start3A_85 = arith.constant 0 : i32
            %dma_start3A_86 = tpu.memref_slice %arg10[%dma_start3A_84, %dma_start3A_85] : memref<10240x128xf32, #tpu.memory_space<vmem_shared>> -> memref<10240x128xf32, #tpu.memory_space<vmem_shared>>
            tpu.enqueue_indirect_dma source(%arg8 : memref<128x128xf32, #tpu.memory_space<vmem>>) target(%dma_start3A_86 : memref<10240x128xf32, #tpu.memory_space<vmem_shared>>) offsets(%dma_start3A_83 : memref<128xi32, #tpu.memory_space<vmem>>) semaphore(%run_scoped3A : memref<!tpu.dma_semaphore, #tpu.memory_space<semaphore_mem>>) {add = true}
            %dma_wait3A_87 = arith.constant 0 : i32
            %dma_wait3A_88 = tpu.memref_slice %arg7[%scan3A_56, %dma_wait3A_87] : memref<40x128xi32, #tpu.memory_space<vmem>> -> memref<1x128xi32, #tpu.memory_space<vmem>>
            %dma_wait3A_89 = tpu.memref_squeeze %dma_wait3A_88 : memref<1x128xi32, #tpu.memory_space<vmem>> -> memref<128xi32, #tpu.memory_space<vmem>>
            %dma_wait3A_90 = arith.constant 0 : i32
            %dma_wait3A_91 = arith.constant 0 : i32
            %dma_wait3A_92 = tpu.memref_slice %arg10[%dma_wait3A_90, %dma_wait3A_91] : memref<10240x128xf32, #tpu.memory_space<vmem_shared>> -> memref<10240x128xf32, #tpu.memory_space<vmem_shared>>
            tpu.wait_indirect_dma semaphore(%run_scoped3A : memref<!tpu.dma_semaphore, #tpu.memory_space<semaphore_mem>>) src(%arg8 : memref<128x128xf32, #tpu.memory_space<vmem>>) dst(%dma_wait3A_92 : memref<10240x128xf32, #tpu.memory_space<vmem_shared>>)
            tpu.yield
          }) : () -> ()
        } else {
        }
        %rem3A_63 = arith.constant 2 : i32
        %rem3A_64 = arith.remsi %scan3A_56, %rem3A_63 : i32
        %eq3A_65 = arith.constant 1 : i32
        %eq3A_66 = arith.cmpi eq, %rem3A_64, %eq3A_65 : i32
        %convert_element_type3A_67 = arith.extui %eq3A_66 : i1 to i32
        %cond3A_68 = arith.constant 0 : i32
        %cond3A_69 = arith.cmpi ne, %convert_element_type3A_67, %cond3A_68 : i32
        scf.if %cond3A_69 {
          %add3A_70 = arith.constant 1 : i32
          %add3A_71 = arith.addi %scan3A_56, %add3A_70 : i32
          %lt3A = arith.constant 40 : i32
          %lt3A_72 = arith.cmpi slt, %add3A_71, %lt3A : i32
          %convert_element_type3A_73 = arith.extui %lt3A_72 : i1 to i32
          %cond3A_74 = arith.constant 0 : i32
          %cond3A_75 = arith.cmpi ne, %convert_element_type3A_73, %cond3A_74 : i32
          scf.if %cond3A_75 {
            %add3A_81 = arith.constant 1 : i32
            %add3A_82 = arith.addi %scan3A_56, %add3A_81 : i32
            %dma_start3A_83 = arith.constant 0 : i32
            %dma_start3A_84 = tpu.memref_slice %arg6[%add3A_82, %dma_start3A_83] : memref<40x128xi32, #tpu.memory_space<vmem>> -> memref<1x128xi32, #tpu.memory_space<vmem>>
            %dma_start3A_85 = tpu.memref_squeeze %dma_start3A_84 : memref<1x128xi32, #tpu.memory_space<vmem>> -> memref<128xi32, #tpu.memory_space<vmem>>
            %dma_start3A_86 = arith.constant 0 : i32
            %dma_start3A_87 = arith.constant 0 : i32
            %dma_start3A_88 = tpu.memref_slice %arg2[%dma_start3A_86, %dma_start3A_87] : memref<10240x128xf32, #tpu.memory_space<hbm>> -> memref<10240x128xf32, #tpu.memory_space<hbm>>
            tpu.enqueue_indirect_dma source(%dma_start3A_88 : memref<10240x128xf32, #tpu.memory_space<hbm>>) target(%arg8 : memref<128x128xf32, #tpu.memory_space<vmem>>) offsets(%dma_start3A_85 : memref<128xi32, #tpu.memory_space<vmem>>) semaphore(%arg11 : memref<!tpu.dma_semaphore, #tpu.memory_space<semaphore_mem>>)
          } else {
          }
          %dma_wait3A = arith.constant 0 : i32
          %dma_wait3A_76 = tpu.memref_slice %arg6[%scan3A_56, %dma_wait3A] : memref<40x128xi32, #tpu.memory_space<vmem>> -> memref<1x128xi32, #tpu.memory_space<vmem>>
          %dma_wait3A_77 = tpu.memref_squeeze %dma_wait3A_76 : memref<1x128xi32, #tpu.memory_space<vmem>> -> memref<128xi32, #tpu.memory_space<vmem>>
          %dma_wait3A_78 = arith.constant 0 : i32
          %dma_wait3A_79 = arith.constant 0 : i32
          %dma_wait3A_80 = tpu.memref_slice %arg2[%dma_wait3A_78, %dma_wait3A_79] : memref<10240x128xf32, #tpu.memory_space<hbm>> -> memref<10240x128xf32, #tpu.memory_space<hbm>>
          tpu.wait_indirect_dma semaphore(%arg12 : memref<!tpu.dma_semaphore, #tpu.memory_space<semaphore_mem>>) src(%dma_wait3A_80 : memref<10240x128xf32, #tpu.memory_space<hbm>>) dst(%arg9 : memref<128x128xf32, #tpu.memory_space<vmem>>)
          "tpu.region"() ({
            %run_scoped3A = tpu.sem_alloc : memref<!tpu.dma_semaphore, #tpu.memory_space<semaphore_mem>>
            %dma_start3A_81 = arith.constant 0 : i32
            %dma_start3A_82 = tpu.memref_slice %arg7[%scan3A_56, %dma_start3A_81] : memref<40x128xi32, #tpu.memory_space<vmem>> -> memref<1x128xi32, #tpu.memory_space<vmem>>
            %dma_start3A_83 = tpu.memref_squeeze %dma_start3A_82 : memref<1x128xi32, #tpu.memory_space<vmem>> -> memref<128xi32, #tpu.memory_space<vmem>>
            %dma_start3A_84 = arith.constant 0 : i32
            %dma_start3A_85 = arith.constant 0 : i32
            %dma_start3A_86 = tpu.memref_slice %arg10[%dma_start3A_84, %dma_start3A_85] : memref<10240x128xf32, #tpu.memory_space<vmem_shared>> -> memref<10240x128xf32, #tpu.memory_space<vmem_shared>>
            tpu.enqueue_indirect_dma source(%arg9 : memref<128x128xf32, #tpu.memory_space<vmem>>) target(%dma_start3A_86 : memref<10240x128xf32, #tpu.memory_space<vmem_shared>>) offsets(%dma_start3A_83 : memref<128xi32, #tpu.memory_space<vmem>>) semaphore(%run_scoped3A : memref<!tpu.dma_semaphore, #tpu.memory_space<semaphore_mem>>) {add = true}
            %dma_wait3A_87 = arith.constant 0 : i32
            %dma_wait3A_88 = tpu.memref_slice %arg7[%scan3A_56, %dma_wait3A_87] : memref<40x128xi32, #tpu.memory_space<vmem>> -> memref<1x128xi32, #tpu.memory_space<vmem>>
            %dma_wait3A_89 = tpu.memref_squeeze %dma_wait3A_88 : memref<1x128xi32, #tpu.memory_space<vmem>> -> memref<128xi32, #tpu.memory_space<vmem>>
            %dma_wait3A_90 = arith.constant 0 : i32
            %dma_wait3A_91 = arith.constant 0 : i32
            %dma_wait3A_92 = tpu.memref_slice %arg10[%dma_wait3A_90, %dma_wait3A_91] : memref<10240x128xf32, #tpu.memory_space<vmem_shared>> -> memref<10240x128xf32, #tpu.memory_space<vmem_shared>>
            tpu.wait_indirect_dma semaphore(%run_scoped3A : memref<!tpu.dma_semaphore, #tpu.memory_space<semaphore_mem>>) src(%arg9 : memref<128x128xf32, #tpu.memory_space<vmem>>) dst(%dma_wait3A_92 : memref<10240x128xf32, #tpu.memory_space<vmem_shared>>)
            tpu.yield
          }) : () -> ()
        } else {
        }
      }
      %scan3A_40 = arith.constant 40 : i32
      %add3A_41 = arith.constant 40 : i32
      %add3A_42 = arith.addi %add3A_26, %add3A_41 : i32
      "tpu.region"() ({
        %run_scoped3A = tpu.sem_alloc : memref<!tpu.dma_semaphore, #tpu.memory_space<semaphore_mem>>
        %dma_start3A_56 = arith.constant 0 : i32
        %dma_start3A_57 = tpu.memref_slice %arg3[%add3A_42, %dma_start3A_56] : memref<2560x128xi32, #tpu.memory_space<hbm>> -> memref<40x128xi32, #tpu.memory_space<hbm>>
        %dma_start3A_58 = arith.constant 0 : i32
        %dma_start3A_59 = tpu.memref_slice %arg3[%add3A_42, %dma_start3A_58] : memref<2560x128xi32, #tpu.memory_space<hbm>> -> memref<40x128xi32, #tpu.memory_space<hbm>>
        tpu.enqueue_dma source(%dma_start3A_59 : memref<40x128xi32, #tpu.memory_space<hbm>>) target(%arg6 : memref<40x128xi32, #tpu.memory_space<vmem>>) target_semaphore(%run_scoped3A : memref<!tpu.dma_semaphore, #tpu.memory_space<semaphore_mem>>)
        %dma_wait3A = arith.constant 0 : i32
        %dma_wait3A_60 = tpu.memref_slice %arg3[%add3A_42, %dma_wait3A] : memref<2560x128xi32, #tpu.memory_space<hbm>> -> memref<40x128xi32, #tpu.memory_space<hbm>>
        %dma_wait3A_61 = arith.constant 0 : i32
        %dma_wait3A_62 = tpu.memref_slice %arg3[%add3A_42, %dma_wait3A_61] : memref<2560x128xi32, #tpu.memory_space<hbm>> -> memref<40x128xi32, #tpu.memory_space<hbm>>
        tpu.wait_dma2 semaphore(%run_scoped3A : memref<!tpu.dma_semaphore, #tpu.memory_space<semaphore_mem>>) src(%dma_wait3A_62 : memref<40x128xi32, #tpu.memory_space<hbm>>) dst(%arg6 : memref<40x128xi32, #tpu.memory_space<vmem>>)
        tpu.yield
      }) : () -> ()
      "tpu.region"() ({
        %run_scoped3A = tpu.sem_alloc : memref<!tpu.dma_semaphore, #tpu.memory_space<semaphore_mem>>
        %dma_start3A_56 = arith.constant 0 : i32
        %dma_start3A_57 = tpu.memref_slice %arg4[%add3A_42, %dma_start3A_56] : memref<2560x128xi32, #tpu.memory_space<hbm>> -> memref<40x128xi32, #tpu.memory_space<hbm>>
        %dma_start3A_58 = arith.constant 0 : i32
        %dma_start3A_59 = tpu.memref_slice %arg4[%add3A_42, %dma_start3A_58] : memref<2560x128xi32, #tpu.memory_space<hbm>> -> memref<40x128xi32, #tpu.memory_space<hbm>>
        tpu.enqueue_dma source(%dma_start3A_59 : memref<40x128xi32, #tpu.memory_space<hbm>>) target(%arg7 : memref<40x128xi32, #tpu.memory_space<vmem>>) target_semaphore(%run_scoped3A : memref<!tpu.dma_semaphore, #tpu.memory_space<semaphore_mem>>)
        %dma_wait3A = arith.constant 0 : i32
        %dma_wait3A_60 = tpu.memref_slice %arg4[%add3A_42, %dma_wait3A] : memref<2560x128xi32, #tpu.memory_space<hbm>> -> memref<40x128xi32, #tpu.memory_space<hbm>>
        %dma_wait3A_61 = arith.constant 0 : i32
        %dma_wait3A_62 = tpu.memref_slice %arg4[%add3A_42, %dma_wait3A_61] : memref<2560x128xi32, #tpu.memory_space<hbm>> -> memref<40x128xi32, #tpu.memory_space<hbm>>
        tpu.wait_dma2 semaphore(%run_scoped3A : memref<!tpu.dma_semaphore, #tpu.memory_space<semaphore_mem>>) src(%dma_wait3A_62 : memref<40x128xi32, #tpu.memory_space<hbm>>) dst(%arg7 : memref<40x128xi32, #tpu.memory_space<vmem>>)
        tpu.yield
      }) : () -> ()
      %dma_start3A_43 = arith.constant 0 : i32
      %dma_start3A_44 = arith.constant 0 : i32
      %dma_start3A_45 = tpu.memref_slice %arg6[%dma_start3A_43, %dma_start3A_44] : memref<40x128xi32, #tpu.memory_space<vmem>> -> memref<1x128xi32, #tpu.memory_space<vmem>>
      %dma_start3A_46 = tpu.memref_squeeze %dma_start3A_45 : memref<1x128xi32, #tpu.memory_space<vmem>> -> memref<128xi32, #tpu.memory_space<vmem>>
      %dma_start3A_47 = arith.constant 0 : i32
      %dma_start3A_48 = arith.constant 0 : i32
      %dma_start3A_49 = tpu.memref_slice %arg2[%dma_start3A_47, %dma_start3A_48] : memref<10240x128xf32, #tpu.memory_space<hbm>> -> memref<10240x128xf32, #tpu.memory_space<hbm>>
      tpu.enqueue_indirect_dma source(%dma_start3A_49 : memref<10240x128xf32, #tpu.memory_space<hbm>>) target(%arg8 : memref<128x128xf32, #tpu.memory_space<vmem>>) offsets(%dma_start3A_46 : memref<128xi32, #tpu.memory_space<vmem>>) semaphore(%arg11 : memref<!tpu.dma_semaphore, #tpu.memory_space<semaphore_mem>>)
      %scan3A_50 = arith.constant 0 : i32
      %scan3A_51 = arith.constant 0 : i32
      %scan3A_52 = arith.constant 40 : i32
      %scan3A_53 = arith.addi %scan3A_51, %scan3A_52 : i32
      %scan3A_54 = arith.constant 1 : i32
      scf.for %scan3A_56 = %scan3A_51 to %scan3A_53 step %scan3A_54  : i32 {
        %rem3A = arith.constant 2 : i32
        %rem3A_57 = arith.remsi %scan3A_56, %rem3A : i32
        %eq3A_58 = arith.constant 0 : i32
        %eq3A_59 = arith.cmpi eq, %rem3A_57, %eq3A_58 : i32
        %convert_element_type3A_60 = arith.extui %eq3A_59 : i1 to i32
        %cond3A_61 = arith.constant 0 : i32
        %cond3A_62 = arith.cmpi ne, %convert_element_type3A_60, %cond3A_61 : i32
        scf.if %cond3A_62 {
          %add3A_70 = arith.constant 1 : i32
          %add3A_71 = arith.addi %scan3A_56, %add3A_70 : i32
          %lt3A = arith.constant 40 : i32
          %lt3A_72 = arith.cmpi slt, %add3A_71, %lt3A : i32
          %convert_element_type3A_73 = arith.extui %lt3A_72 : i1 to i32
          %cond3A_74 = arith.constant 0 : i32
          %cond3A_75 = arith.cmpi ne, %convert_element_type3A_73, %cond3A_74 : i32
          scf.if %cond3A_75 {
            %add3A_81 = arith.constant 1 : i32
            %add3A_82 = arith.addi %scan3A_56, %add3A_81 : i32
            %dma_start3A_83 = arith.constant 0 : i32
            %dma_start3A_84 = tpu.memref_slice %arg6[%add3A_82, %dma_start3A_83] : memref<40x128xi32, #tpu.memory_space<vmem>> -> memref<1x128xi32, #tpu.memory_space<vmem>>
            %dma_start3A_85 = tpu.memref_squeeze %dma_start3A_84 : memref<1x128xi32, #tpu.memory_space<vmem>> -> memref<128xi32, #tpu.memory_space<vmem>>
            %dma_start3A_86 = arith.constant 0 : i32
            %dma_start3A_87 = arith.constant 0 : i32
            %dma_start3A_88 = tpu.memref_slice %arg2[%dma_start3A_86, %dma_start3A_87] : memref<10240x128xf32, #tpu.memory_space<hbm>> -> memref<10240x128xf32, #tpu.memory_space<hbm>>
            tpu.enqueue_indirect_dma source(%dma_start3A_88 : memref<10240x128xf32, #tpu.memory_space<hbm>>) target(%arg9 : memref<128x128xf32, #tpu.memory_space<vmem>>) offsets(%dma_start3A_85 : memref<128xi32, #tpu.memory_space<vmem>>) semaphore(%arg12 : memref<!tpu.dma_semaphore, #tpu.memory_space<semaphore_mem>>)
          } else {
          }
          %dma_wait3A = arith.constant 0 : i32
          %dma_wait3A_76 = tpu.memref_slice %arg6[%scan3A_56, %dma_wait3A] : memref<40x128xi32, #tpu.memory_space<vmem>> -> memref<1x128xi32, #tpu.memory_space<vmem>>
          %dma_wait3A_77 = tpu.memref_squeeze %dma_wait3A_76 : memref<1x128xi32, #tpu.memory_space<vmem>> -> memref<128xi32, #tpu.memory_space<vmem>>
          %dma_wait3A_78 = arith.constant 0 : i32
          %dma_wait3A_79 = arith.constant 0 : i32
          %dma_wait3A_80 = tpu.memref_slice %arg2[%dma_wait3A_78, %dma_wait3A_79] : memref<10240x128xf32, #tpu.memory_space<hbm>> -> memref<10240x128xf32, #tpu.memory_space<hbm>>
          tpu.wait_indirect_dma semaphore(%arg11 : memref<!tpu.dma_semaphore, #tpu.memory_space<semaphore_mem>>) src(%dma_wait3A_80 : memref<10240x128xf32, #tpu.memory_space<hbm>>) dst(%arg8 : memref<128x128xf32, #tpu.memory_space<vmem>>)
          "tpu.region"() ({
            %run_scoped3A = tpu.sem_alloc : memref<!tpu.dma_semaphore, #tpu.memory_space<semaphore_mem>>
            %dma_start3A_81 = arith.constant 0 : i32
            %dma_start3A_82 = tpu.memref_slice %arg7[%scan3A_56, %dma_start3A_81] : memref<40x128xi32, #tpu.memory_space<vmem>> -> memref<1x128xi32, #tpu.memory_space<vmem>>
            %dma_start3A_83 = tpu.memref_squeeze %dma_start3A_82 : memref<1x128xi32, #tpu.memory_space<vmem>> -> memref<128xi32, #tpu.memory_space<vmem>>
            %dma_start3A_84 = arith.constant 0 : i32
            %dma_start3A_85 = arith.constant 0 : i32
            %dma_start3A_86 = tpu.memref_slice %arg10[%dma_start3A_84, %dma_start3A_85] : memref<10240x128xf32, #tpu.memory_space<vmem_shared>> -> memref<10240x128xf32, #tpu.memory_space<vmem_shared>>
            tpu.enqueue_indirect_dma source(%arg8 : memref<128x128xf32, #tpu.memory_space<vmem>>) target(%dma_start3A_86 : memref<10240x128xf32, #tpu.memory_space<vmem_shared>>) offsets(%dma_start3A_83 : memref<128xi32, #tpu.memory_space<vmem>>) semaphore(%run_scoped3A : memref<!tpu.dma_semaphore, #tpu.memory_space<semaphore_mem>>) {add = true}
            %dma_wait3A_87 = arith.constant 0 : i32
            %dma_wait3A_88 = tpu.memref_slice %arg7[%scan3A_56, %dma_wait3A_87] : memref<40x128xi32, #tpu.memory_space<vmem>> -> memref<1x128xi32, #tpu.memory_space<vmem>>
            %dma_wait3A_89 = tpu.memref_squeeze %dma_wait3A_88 : memref<1x128xi32, #tpu.memory_space<vmem>> -> memref<128xi32, #tpu.memory_space<vmem>>
            %dma_wait3A_90 = arith.constant 0 : i32
            %dma_wait3A_91 = arith.constant 0 : i32
            %dma_wait3A_92 = tpu.memref_slice %arg10[%dma_wait3A_90, %dma_wait3A_91] : memref<10240x128xf32, #tpu.memory_space<vmem_shared>> -> memref<10240x128xf32, #tpu.memory_space<vmem_shared>>
            tpu.wait_indirect_dma semaphore(%run_scoped3A : memref<!tpu.dma_semaphore, #tpu.memory_space<semaphore_mem>>) src(%arg8 : memref<128x128xf32, #tpu.memory_space<vmem>>) dst(%dma_wait3A_92 : memref<10240x128xf32, #tpu.memory_space<vmem_shared>>)
            tpu.yield
          }) : () -> ()
        } else {
        }
        %rem3A_63 = arith.constant 2 : i32
        %rem3A_64 = arith.remsi %scan3A_56, %rem3A_63 : i32
        %eq3A_65 = arith.constant 1 : i32
        %eq3A_66 = arith.cmpi eq, %rem3A_64, %eq3A_65 : i32
        %convert_element_type3A_67 = arith.extui %eq3A_66 : i1 to i32
        %cond3A_68 = arith.constant 0 : i32
        %cond3A_69 = arith.cmpi ne, %convert_element_type3A_67, %cond3A_68 : i32
        scf.if %cond3A_69 {
          %add3A_70 = arith.constant 1 : i32
          %add3A_71 = arith.addi %scan3A_56, %add3A_70 : i32
          %lt3A = arith.constant 40 : i32
          %lt3A_72 = arith.cmpi slt, %add3A_71, %lt3A : i32
          %convert_element_type3A_73 = arith.extui %lt3A_72 : i1 to i32
          %cond3A_74 = arith.constant 0 : i32
          %cond3A_75 = arith.cmpi ne, %convert_element_type3A_73, %cond3A_74 : i32
          scf.if %cond3A_75 {
            %add3A_81 = arith.constant 1 : i32
            %add3A_82 = arith.addi %scan3A_56, %add3A_81 : i32
            %dma_start3A_83 = arith.constant 0 : i32
            %dma_start3A_84 = tpu.memref_slice %arg6[%add3A_82, %dma_start3A_83] : memref<40x128xi32, #tpu.memory_space<vmem>> -> memref<1x128xi32, #tpu.memory_space<vmem>>
            %dma_start3A_85 = tpu.memref_squeeze %dma_start3A_84 : memref<1x128xi32, #tpu.memory_space<vmem>> -> memref<128xi32, #tpu.memory_space<vmem>>
            %dma_start3A_86 = arith.constant 0 : i32
            %dma_start3A_87 = arith.constant 0 : i32
            %dma_start3A_88 = tpu.memref_slice %arg2[%dma_start3A_86, %dma_start3A_87] : memref<10240x128xf32, #tpu.memory_space<hbm>> -> memref<10240x128xf32, #tpu.memory_space<hbm>>
            tpu.enqueue_indirect_dma source(%dma_start3A_88 : memref<10240x128xf32, #tpu.memory_space<hbm>>) target(%arg8 : memref<128x128xf32, #tpu.memory_space<vmem>>) offsets(%dma_start3A_85 : memref<128xi32, #tpu.memory_space<vmem>>) semaphore(%arg11 : memref<!tpu.dma_semaphore, #tpu.memory_space<semaphore_mem>>)
          } else {
          }
          %dma_wait3A = arith.constant 0 : i32
          %dma_wait3A_76 = tpu.memref_slice %arg6[%scan3A_56, %dma_wait3A] : memref<40x128xi32, #tpu.memory_space<vmem>> -> memref<1x128xi32, #tpu.memory_space<vmem>>
          %dma_wait3A_77 = tpu.memref_squeeze %dma_wait3A_76 : memref<1x128xi32, #tpu.memory_space<vmem>> -> memref<128xi32, #tpu.memory_space<vmem>>
          %dma_wait3A_78 = arith.constant 0 : i32
          %dma_wait3A_79 = arith.constant 0 : i32
          %dma_wait3A_80 = tpu.memref_slice %arg2[%dma_wait3A_78, %dma_wait3A_79] : memref<10240x128xf32, #tpu.memory_space<hbm>> -> memref<10240x128xf32, #tpu.memory_space<hbm>>
          tpu.wait_indirect_dma semaphore(%arg12 : memref<!tpu.dma_semaphore, #tpu.memory_space<semaphore_mem>>) src(%dma_wait3A_80 : memref<10240x128xf32, #tpu.memory_space<hbm>>) dst(%arg9 : memref<128x128xf32, #tpu.memory_space<vmem>>)
          "tpu.region"() ({
            %run_scoped3A = tpu.sem_alloc : memref<!tpu.dma_semaphore, #tpu.memory_space<semaphore_mem>>
            %dma_start3A_81 = arith.constant 0 : i32
            %dma_start3A_82 = tpu.memref_slice %arg7[%scan3A_56, %dma_start3A_81] : memref<40x128xi32, #tpu.memory_space<vmem>> -> memref<1x128xi32, #tpu.memory_space<vmem>>
            %dma_start3A_83 = tpu.memref_squeeze %dma_start3A_82 : memref<1x128xi32, #tpu.memory_space<vmem>> -> memref<128xi32, #tpu.memory_space<vmem>>
            %dma_start3A_84 = arith.constant 0 : i32
            %dma_start3A_85 = arith.constant 0 : i32
            %dma_start3A_86 = tpu.memref_slice %arg10[%dma_start3A_84, %dma_start3A_85] : memref<10240x128xf32, #tpu.memory_space<vmem_shared>> -> memref<10240x128xf32, #tpu.memory_space<vmem_shared>>
            tpu.enqueue_indirect_dma source(%arg9 : memref<128x128xf32, #tpu.memory_space<vmem>>) target(%dma_start3A_86 : memref<10240x128xf32, #tpu.memory_space<vmem_shared>>) offsets(%dma_start3A_83 : memref<128xi32, #tpu.memory_space<vmem>>) semaphore(%run_scoped3A : memref<!tpu.dma_semaphore, #tpu.memory_space<semaphore_mem>>) {add = true}
            %dma_wait3A_87 = arith.constant 0 : i32
            %dma_wait3A_88 = tpu.memref_slice %arg7[%scan3A_56, %dma_wait3A_87] : memref<40x128xi32, #tpu.memory_space<vmem>> -> memref<1x128xi32, #tpu.memory_space<vmem>>
            %dma_wait3A_89 = tpu.memref_squeeze %dma_wait3A_88 : memref<1x128xi32, #tpu.memory_space<vmem>> -> memref<128xi32, #tpu.memory_space<vmem>>
            %dma_wait3A_90 = arith.constant 0 : i32
            %dma_wait3A_91 = arith.constant 0 : i32
            %dma_wait3A_92 = tpu.memref_slice %arg10[%dma_wait3A_90, %dma_wait3A_91] : memref<10240x128xf32, #tpu.memory_space<vmem_shared>> -> memref<10240x128xf32, #tpu.memory_space<vmem_shared>>
            tpu.wait_indirect_dma semaphore(%run_scoped3A : memref<!tpu.dma_semaphore, #tpu.memory_space<semaphore_mem>>) src(%arg9 : memref<128x128xf32, #tpu.memory_space<vmem>>) dst(%dma_wait3A_92 : memref<10240x128xf32, #tpu.memory_space<vmem_shared>>)
            tpu.yield
          }) : () -> ()
        } else {
        }
      }
      %scan3A_55 = arith.constant 40 : i32
    } else {
    }
    %barrier3A_22 = arith.constant 0 : index
    tpu.barrier barrier_id(%barrier3A_22)
    "tpu.region"() ({
      %run_scoped3A = tpu.sem_alloc : memref<!tpu.dma_semaphore, #tpu.memory_space<semaphore_mem>>
      %dma_start3A = arith.constant 0 : i32
      %dma_start3A_23 = tpu.memref_slice %arg5[%arg0, %mul3A_0, %dma_start3A] : memref<2x10240x128xf32, #tpu.memory_space<hbm>> -> memref<1x640x128xf32, #tpu.memory_space<hbm>>
      %dma_start3A_24 = tpu.memref_squeeze %dma_start3A_23 : memref<1x640x128xf32, #tpu.memory_space<hbm>> -> memref<640x128xf32, #tpu.memory_space<hbm>>
      %dma_start3A_25 = arith.constant 0 : i32
      %dma_start3A_26 = tpu.memref_slice %arg10[%mul3A_0, %dma_start3A_25] : memref<10240x128xf32, #tpu.memory_space<vmem_shared>> -> memref<640x128xf32, #tpu.memory_space<vmem_shared>>
      tpu.enqueue_dma source(%dma_start3A_26 : memref<640x128xf32, #tpu.memory_space<vmem_shared>>) target(%dma_start3A_24 : memref<640x128xf32, #tpu.memory_space<hbm>>) target_semaphore(%run_scoped3A : memref<!tpu.dma_semaphore, #tpu.memory_space<semaphore_mem>>)
      %dma_wait3A = arith.constant 0 : i32
      %dma_wait3A_27 = tpu.memref_slice %arg5[%arg0, %mul3A_0, %dma_wait3A] : memref<2x10240x128xf32, #tpu.memory_space<hbm>> -> memref<1x640x128xf32, #tpu.memory_space<hbm>>
      %dma_wait3A_28 = tpu.memref_squeeze %dma_wait3A_27 : memref<1x640x128xf32, #tpu.memory_space<hbm>> -> memref<640x128xf32, #tpu.memory_space<hbm>>
      %dma_wait3A_29 = arith.constant 0 : i32
      %dma_wait3A_30 = tpu.memref_slice %arg10[%mul3A_0, %dma_wait3A_29] : memref<10240x128xf32, #tpu.memory_space<vmem_shared>> -> memref<640x128xf32, #tpu.memory_space<vmem_shared>>
      tpu.wait_dma2 semaphore(%run_scoped3A : memref<!tpu.dma_semaphore, #tpu.memory_space<semaphore_mem>>) src(%dma_wait3A_30 : memref<640x128xf32, #tpu.memory_space<vmem_shared>>) dst(%dma_wait3A_28 : memref<640x128xf32, #tpu.memory_space<hbm>>)
      tpu.yield
    }) : () -> ()
    return
  }
}

module attributes {stable_mosaic.version = 14 : i64} {
  func.func @_conv_body(%arg0: i32, %arg1: memref<2x512x128xf32, #tpu.memory_space<vmem>>, %arg2: memref<512x128xf32, #tpu.memory_space<vmem>>, %arg3: memref<128x128xf32, #tpu.memory_space<vmem>>, %arg4: memref<1x128xf32, #tpu.memory_space<vmem>>, %arg5: memref<128x128xf32, #tpu.memory_space<vmem>>, %arg6: memref<512x128xf32, #tpu.memory_space<vmem>>) attributes {dimension_semantics = [#tpu.dimension_semantics<arbitrary>], iteration_bounds = array<i64: 20>, scalar_prefetch = 0 : i64, scratch_operands = 0 : i64, tpu.core_type = #tpu.core_type<tc>, window_params = [{transform_indices = @transform_0, window_bounds = array<i64: 2, 512, 128>}, {transform_indices = @transform_1, window_bounds = array<i64: 512, 128>}, {pipeline_mode = #tpu.pipeline_mode<synchronous>, transform_indices = @transform_2, window_bounds = array<i64: 128, 128>}, {pipeline_mode = #tpu.pipeline_mode<synchronous>, transform_indices = @transform_3, window_bounds = array<i64: 1, 128>}, {pipeline_mode = #tpu.pipeline_mode<synchronous>, transform_indices = @transform_4, window_bounds = array<i64: 128, 128>}, {transform_indices = @transform_5, window_bounds = array<i64: 512, 128>}]} {
    %get3A = arith.constant 0 : index
    %get3A_0 = arith.constant 0 : index
    %get3A_1 = arith.constant 0 : index
    %get3A_2 = vector.load %arg1[%get3A, %get3A_0, %get3A_1] : memref<2x512x128xf32, #tpu.memory_space<vmem>>, vector<1x512x128xf32>
    %get3A_3 = vector.shape_cast %get3A_2 : vector<1x512x128xf32> to vector<512x128xf32>
    %get3A_4 = arith.constant 1 : index
    %get3A_5 = arith.constant 0 : index
    %get3A_6 = arith.constant 0 : index
    %get3A_7 = vector.load %arg1[%get3A_4, %get3A_5, %get3A_6] : memref<2x512x128xf32, #tpu.memory_space<vmem>>, vector<1x512x128xf32>
    %get3A_8 = vector.shape_cast %get3A_7 : vector<1x512x128xf32> to vector<512x128xf32>
    %add3A = arith.addf %get3A_3, %get3A_8 : vector<512x128xf32>
    %get3A_9 = arith.constant 0 : index
    %get3A_10 = arith.constant 0 : index
    %get3A_11 = vector.load %arg3[%get3A_9, %get3A_10] : memref<128x128xf32, #tpu.memory_space<vmem>>, vector<128x128xf32>
    %dot_general3A = arith.constant dense<0.000000e+00> : vector<512x128xf32>
    %dot_general3A_12 = tpu.matmul %add3A, %get3A_11, %dot_general3A {dimension_numbers = #tpu.dot_dimension_numbers<[1], [1], [0], [0], [0, 0, 1, 0], [], []>, transpose_lhs_hint = false} : vector<512x128xf32>, vector<128x128xf32>, vector<512x128xf32> -> vector<512x128xf32>
    %get3A_13 = arith.constant 0 : index
    %get3A_14 = arith.constant 0 : index
    %get3A_15 = vector.load %arg4[%get3A_13, %get3A_14] : memref<1x128xf32, #tpu.memory_space<vmem>>, vector<1x128xf32>
    %add3A_16 = vector.broadcast %get3A_15 : vector<1x128xf32> to vector<512x128xf32>
    %add3A_17 = arith.addf %dot_general3A_12, %add3A_16 : vector<512x128xf32>
    %get3A_18 = arith.constant 0 : index
    %get3A_19 = arith.constant 0 : index
    %get3A_20 = vector.load %arg2[%get3A_18, %get3A_19] : memref<512x128xf32, #tpu.memory_space<vmem>>, vector<512x128xf32>
    %get3A_21 = arith.constant 0 : index
    %get3A_22 = arith.constant 0 : index
    %get3A_23 = vector.load %arg5[%get3A_21, %get3A_22] : memref<128x128xf32, #tpu.memory_space<vmem>>, vector<128x128xf32>
    %dot_general3A_24 = arith.constant dense<0.000000e+00> : vector<512x128xf32>
    %dot_general3A_25 = tpu.matmul %get3A_20, %get3A_23, %dot_general3A_24 {dimension_numbers = #tpu.dot_dimension_numbers<[1], [1], [0], [0], [0, 0, 1, 0], [], []>, transpose_lhs_hint = false} : vector<512x128xf32>, vector<128x128xf32>, vector<512x128xf32> -> vector<512x128xf32>
    %add3A_26 = arith.addf %add3A_17, %dot_general3A_25 : vector<512x128xf32>
    %max3A = arith.constant 0.000000e+00 : f32
    %max3A_27 = vector.broadcast %max3A : f32 to vector<512x128xf32>
    %max3A_28 = arith.maximumf %add3A_26, %max3A_27 : vector<512x128xf32>
    %swap3A = arith.constant 0 : index
    %swap3A_29 = arith.constant 0 : index
    %swap3A_30 = vector.load %arg6[%swap3A, %swap3A_29] : memref<512x128xf32, #tpu.memory_space<vmem>>, vector<512x128xf32>
    tpu.vector_store %arg6[%swap3A, %swap3A_29], %max3A_28 {strides = array<i32>} : memref<512x128xf32, #tpu.memory_space<vmem>>, vector<512x128xf32>,
    return
  }
  func.func @transform_0(%arg0: i32) -> (i32, i32, i32) {
    %c0_i32 = arith.constant 0 : i32
    %c0_i32_0 = arith.constant 0 : i32
    %c0_i32_1 = arith.constant 0 : i32
    return %c0_i32, %arg0, %c0_i32_0 : i32, i32, i32
  }
  func.func @transform_1(%arg0: i32) -> (i32, i32) {
    %c0_i32 = arith.constant 0 : i32
    %c0_i32_0 = arith.constant 0 : i32
    return %arg0, %c0_i32 : i32, i32
  }
  func.func @transform_2(%arg0: i32) -> (i32, i32) {
    %c0_i32 = arith.constant 0 : i32
    %c0_i32_0 = arith.constant 0 : i32
    %c0_i32_1 = arith.constant 0 : i32
    return %c0_i32, %c0_i32_0 : i32, i32
  }
  func.func @transform_3(%arg0: i32) -> (i32, i32) {
    %c0_i32 = arith.constant 0 : i32
    %c0_i32_0 = arith.constant 0 : i32
    %c0_i32_1 = arith.constant 0 : i32
    return %c0_i32, %c0_i32_0 : i32, i32
  }
  func.func @transform_4(%arg0: i32) -> (i32, i32) {
    %c0_i32 = arith.constant 0 : i32
    %c0_i32_0 = arith.constant 0 : i32
    %c0_i32_1 = arith.constant 0 : i32
    return %c0_i32, %c0_i32_0 : i32, i32
  }
  func.func @transform_5(%arg0: i32) -> (i32, i32) {
    %c0_i32 = arith.constant 0 : i32
    %c0_i32_0 = arith.constant 0 : i32
    return %arg0, %c0_i32 : i32, i32
  }
}

module attributes {stable_mosaic.version = 14 : i64} {
  func.func @_conv_pool_body(%arg0: i32, %arg1: memref<2x512x128xf32, #tpu.memory_space<vmem>>, %arg2: memref<512x128xf32, #tpu.memory_space<vmem>>, %arg3: memref<1x1x512xi32, #tpu.memory_space<vmem>>, %arg4: memref<128x128xf32, #tpu.memory_space<vmem>>, %arg5: memref<1x128xf32, #tpu.memory_space<vmem>>, %arg6: memref<128x128xf32, #tpu.memory_space<vmem>>, %arg7: memref<64x128xf32, #tpu.memory_space<vmem>>, %arg8: memref<1x64xf32, #tpu.memory_space<vmem>>, %arg9: memref<32x64xf32, #tpu.memory_space<vmem>>, %arg10: memref<1x32xf32, #tpu.memory_space<vmem>>, %arg11: memref<10x32xf32, #tpu.memory_space<vmem>>, %arg12: memref<1x10xf32, #tpu.memory_space<vmem>>, %arg13: memref<64x10xf32, #tpu.memory_space<vmem>>, %arg14: memref<64x128xf32, #tpu.memory_space<vmem>>) attributes {dimension_semantics = [#tpu.dimension_semantics<arbitrary>], iteration_bounds = array<i64: 20>, scalar_prefetch = 0 : i64, scratch_operands = 1 : i64, tpu.core_type = #tpu.core_type<tc>, window_params = [{transform_indices = @transform_0, window_bounds = array<i64: 2, 512, 128>}, {transform_indices = @transform_1, window_bounds = array<i64: 512, 128>}, {transform_indices = @transform_2, window_bounds = array<i64: 1, 1, 512>}, {pipeline_mode = #tpu.pipeline_mode<synchronous>, transform_indices = @transform_3, window_bounds = array<i64: 128, 128>}, {pipeline_mode = #tpu.pipeline_mode<synchronous>, transform_indices = @transform_4, window_bounds = array<i64: 1, 128>}, {pipeline_mode = #tpu.pipeline_mode<synchronous>, transform_indices = @transform_5, window_bounds = array<i64: 128, 128>}, {pipeline_mode = #tpu.pipeline_mode<synchronous>, transform_indices = @transform_6, window_bounds = array<i64: 64, 128>}, {pipeline_mode = #tpu.pipeline_mode<synchronous>, transform_indices = @transform_7, window_bounds = array<i64: 1, 64>}, {pipeline_mode = #tpu.pipeline_mode<synchronous>, transform_indices = @transform_8, window_bounds = array<i64: 32, 64>}, {pipeline_mode = #tpu.pipeline_mode<synchronous>, transform_indices = @transform_9, window_bounds = array<i64: 1, 32>}, {pipeline_mode = #tpu.pipeline_mode<synchronous>, transform_indices = @transform_10, window_bounds = array<i64: 10, 32>}, {pipeline_mode = #tpu.pipeline_mode<synchronous>, transform_indices = @transform_11, window_bounds = array<i64: 1, 10>}, {pipeline_mode = #tpu.pipeline_mode<synchronous>, transform_indices = @transform_12, window_bounds = array<i64: 64, 10>}]} {
    %get3A = arith.constant 0 : index
    %get3A_0 = arith.constant 0 : index
    %get3A_1 = arith.constant 0 : index
    %get3A_2 = vector.load %arg1[%get3A, %get3A_0, %get3A_1] : memref<2x512x128xf32, #tpu.memory_space<vmem>>, vector<1x512x128xf32>
    %get3A_3 = vector.shape_cast %get3A_2 : vector<1x512x128xf32> to vector<512x128xf32>
    %get3A_4 = arith.constant 1 : index
    %get3A_5 = arith.constant 0 : index
    %get3A_6 = arith.constant 0 : index
    %get3A_7 = vector.load %arg1[%get3A_4, %get3A_5, %get3A_6] : memref<2x512x128xf32, #tpu.memory_space<vmem>>, vector<1x512x128xf32>
    %get3A_8 = vector.shape_cast %get3A_7 : vector<1x512x128xf32> to vector<512x128xf32>
    %add3A = arith.addf %get3A_3, %get3A_8 : vector<512x128xf32>
    %get3A_9 = arith.constant 0 : index
    %get3A_10 = arith.constant 0 : index
    %get3A_11 = vector.load %arg4[%get3A_9, %get3A_10] : memref<128x128xf32, #tpu.memory_space<vmem>>, vector<128x128xf32>
    %dot_general3A = arith.constant dense<0.000000e+00> : vector<512x128xf32>
    %dot_general3A_12 = tpu.matmul %add3A, %get3A_11, %dot_general3A {dimension_numbers = #tpu.dot_dimension_numbers<[1], [1], [0], [0], [0, 0, 1, 0], [], []>, transpose_lhs_hint = false} : vector<512x128xf32>, vector<128x128xf32>, vector<512x128xf32> -> vector<512x128xf32>
    %get3A_13 = arith.constant 0 : index
    %get3A_14 = arith.constant 0 : index
    %get3A_15 = vector.load %arg5[%get3A_13, %get3A_14] : memref<1x128xf32, #tpu.memory_space<vmem>>, vector<1x128xf32>
    %add3A_16 = vector.broadcast %get3A_15 : vector<1x128xf32> to vector<512x128xf32>
    %add3A_17 = arith.addf %dot_general3A_12, %add3A_16 : vector<512x128xf32>
    %get3A_18 = arith.constant 0 : index
    %get3A_19 = arith.constant 0 : index
    %get3A_20 = vector.load %arg2[%get3A_18, %get3A_19] : memref<512x128xf32, #tpu.memory_space<vmem>>, vector<512x128xf32>
    %get3A_21 = arith.constant 0 : index
    %get3A_22 = arith.constant 0 : index
    %get3A_23 = vector.load %arg6[%get3A_21, %get3A_22] : memref<128x128xf32, #tpu.memory_space<vmem>>, vector<128x128xf32>
    %dot_general3A_24 = arith.constant dense<0.000000e+00> : vector<512x128xf32>
    %dot_general3A_25 = tpu.matmul %get3A_20, %get3A_23, %dot_general3A_24 {dimension_numbers = #tpu.dot_dimension_numbers<[1], [1], [0], [0], [0, 0, 1, 0], [], []>, transpose_lhs_hint = false} : vector<512x128xf32>, vector<128x128xf32>, vector<512x128xf32> -> vector<512x128xf32>
    %add3A_26 = arith.addf %add3A_17, %dot_general3A_25 : vector<512x128xf32>
    %max3A = arith.constant 0.000000e+00 : f32
    %max3A_27 = vector.broadcast %max3A : f32 to vector<512x128xf32>
    %max3A_28 = arith.maximumf %add3A_26, %max3A_27 : vector<512x128xf32>
    %get3A_29 = arith.constant 0 : index
    %get3A_30 = arith.constant 0 : index
    %get3A_31 = arith.constant 0 : index
    %get3A_32 = vector.load %arg3[%get3A_29, %get3A_30, %get3A_31] : memref<1x1x512xi32, #tpu.memory_space<vmem>>, vector<1x1x512xi32>
    %get3A_33 = vector.shape_cast %get3A_32 : vector<1x1x512xi32> to vector<512xi32>
    %broadcast_in_dim3A = vector.shape_cast %get3A_33 : vector<512xi32> to vector<1x512xi32>
    %iota3A = tpu.iota {dimensions = array<i32: 0>} : vector<64x512xi32>
    %eq3A = vector.broadcast %broadcast_in_dim3A : vector<1x512xi32> to vector<64x512xi32>
    %eq3A_34 = arith.cmpi eq, %eq3A, %iota3A : vector<64x512xi32>
    %convert_element_type3A = arith.extui %eq3A_34 : vector<64x512xi1> to vector<64x512xi32>
    %convert_element_type3A_35 = arith.sitofp %convert_element_type3A : vector<64x512xi32> to vector<64x512xf32>
    %dot_general3A_36 = arith.constant dense<0.000000e+00> : vector<64x128xf32>
    %dot_general3A_37 = tpu.matmul %convert_element_type3A_35, %max3A_28, %dot_general3A_36 {dimension_numbers = #tpu.dot_dimension_numbers<[1], [0], [0], [1], [0, 0, 1, 1], [], []>, transpose_lhs_hint = false} : vector<64x512xf32>, vector<512x128xf32>, vector<64x128xf32> -> vector<64x128xf32>
    %eq3A_38 = arith.constant 0 : i32
    %eq3A_39 = arith.cmpi eq, %arg0, %eq3A_38 : i32
    %convert_element_type3A_40 = arith.extui %eq3A_39 : i1 to i32
    %cond3A = arith.constant 0 : i32
    %cond3A_41 = arith.cmpi ne, %convert_element_type3A_40, %cond3A : i32
    scf.if %cond3A_41 {
      %swap3A = arith.constant 0 : index
      %swap3A_51 = arith.constant 0 : index
      %swap3A_52 = vector.load %arg14[%swap3A, %swap3A_51] : memref<64x128xf32, #tpu.memory_space<vmem>>, vector<64x128xf32>
      tpu.vector_store %arg14[%swap3A, %swap3A_51], %dot_general3A_37 {strides = array<i32>} : memref<64x128xf32, #tpu.memory_space<vmem>>, vector<64x128xf32>,
    } else {
    }
    %gt3A = arith.constant 0 : i32
    %gt3A_42 = arith.cmpi sgt, %arg0, %gt3A : i32
    %convert_element_type3A_43 = arith.extui %gt3A_42 : i1 to i32
    %cond3A_44 = arith.constant 0 : i32
    %cond3A_45 = arith.cmpi ne, %convert_element_type3A_43, %cond3A_44 : i32
    scf.if %cond3A_45 {
      %get3A_51 = arith.constant 0 : index
      %get3A_52 = arith.constant 0 : index
      %get3A_53 = vector.load %arg14[%get3A_51, %get3A_52] : memref<64x128xf32, #tpu.memory_space<vmem>>, vector<64x128xf32>
      %add3A_54 = arith.addf %get3A_53, %dot_general3A_37 : vector<64x128xf32>
      %swap3A = arith.constant 0 : index
      %swap3A_55 = arith.constant 0 : index
      %swap3A_56 = vector.load %arg14[%swap3A, %swap3A_55] : memref<64x128xf32, #tpu.memory_space<vmem>>, vector<64x128xf32>
      tpu.vector_store %arg14[%swap3A, %swap3A_55], %add3A_54 {strides = array<i32>} : memref<64x128xf32, #tpu.memory_space<vmem>>, vector<64x128xf32>,
    } else {
    }
    %eq3A_46 = arith.constant 19 : i32
    %eq3A_47 = arith.cmpi eq, %arg0, %eq3A_46 : i32
    %convert_element_type3A_48 = arith.extui %eq3A_47 : i1 to i32
    %cond3A_49 = arith.constant 0 : i32
    %cond3A_50 = arith.cmpi ne, %convert_element_type3A_48, %cond3A_49 : i32
    scf.if %cond3A_50 {
      %get3A_51 = arith.constant 0 : index
      %get3A_52 = arith.constant 0 : index
      %get3A_53 = vector.load %arg14[%get3A_51, %get3A_52] : memref<64x128xf32, #tpu.memory_space<vmem>>, vector<64x128xf32>
      %get3A_54 = arith.constant 0 : index
      %get3A_55 = arith.constant 0 : index
      %get3A_56 = vector.load %arg7[%get3A_54, %get3A_55] : memref<64x128xf32, #tpu.memory_space<vmem>>, vector<64x128xf32>
      %dot_general3A_57 = arith.constant dense<0.000000e+00> : vector<64x64xf32>
      %dot_general3A_58 = tpu.matmul %get3A_53, %get3A_56, %dot_general3A_57 {dimension_numbers = #tpu.dot_dimension_numbers<[1], [1], [0], [0], [0, 0, 1, 0], [], []>, transpose_lhs_hint = false} : vector<64x128xf32>, vector<64x128xf32>, vector<64x64xf32> -> vector<64x64xf32>
      %get3A_59 = arith.constant 0 : index
      %get3A_60 = arith.constant 0 : index
      %get3A_61 = vector.load %arg8[%get3A_59, %get3A_60] : memref<1x64xf32, #tpu.memory_space<vmem>>, vector<1x64xf32>
      %add3A_62 = vector.broadcast %get3A_61 : vector<1x64xf32> to vector<64x64xf32>
      %add3A_63 = arith.addf %dot_general3A_58, %add3A_62 : vector<64x64xf32>
      %max3A_64 = arith.constant 0.000000e+00 : f32
      %max3A_65 = vector.broadcast %max3A_64 : f32 to vector<64x64xf32>
      %max3A_66 = arith.maximumf %add3A_63, %max3A_65 : vector<64x64xf32>
      %get3A_67 = arith.constant 0 : index
      %get3A_68 = arith.constant 0 : index
      %get3A_69 = vector.load %arg9[%get3A_67, %get3A_68] : memref<32x64xf32, #tpu.memory_space<vmem>>, vector<32x64xf32>
      %dot_general3A_70 = arith.constant dense<0.000000e+00> : vector<64x32xf32>
      %dot_general3A_71 = tpu.matmul %max3A_66, %get3A_69, %dot_general3A_70 {dimension_numbers = #tpu.dot_dimension_numbers<[1], [1], [0], [0], [0, 0, 1, 0], [], []>, transpose_lhs_hint = false} : vector<64x64xf32>, vector<32x64xf32>, vector<64x32xf32> -> vector<64x32xf32>
      %get3A_72 = arith.constant 0 : index
      %get3A_73 = arith.constant 0 : index
      %get3A_74 = vector.load %arg10[%get3A_72, %get3A_73] : memref<1x32xf32, #tpu.memory_space<vmem>>, vector<1x32xf32>
      %add3A_75 = vector.broadcast %get3A_74 : vector<1x32xf32> to vector<64x32xf32>
      %add3A_76 = arith.addf %dot_general3A_71, %add3A_75 : vector<64x32xf32>
      %max3A_77 = arith.constant 0.000000e+00 : f32
      %max3A_78 = vector.broadcast %max3A_77 : f32 to vector<64x32xf32>
      %max3A_79 = arith.maximumf %add3A_76, %max3A_78 : vector<64x32xf32>
      %get3A_80 = arith.constant 0 : index
      %get3A_81 = arith.constant 0 : index
      %get3A_82 = vector.load %arg11[%get3A_80, %get3A_81] : memref<10x32xf32, #tpu.memory_space<vmem>>, vector<10x32xf32>
      %dot_general3A_83 = arith.constant dense<0.000000e+00> : vector<64x10xf32>
      %dot_general3A_84 = tpu.matmul %max3A_79, %get3A_82, %dot_general3A_83 {dimension_numbers = #tpu.dot_dimension_numbers<[1], [1], [0], [0], [0, 0, 1, 0], [], []>, transpose_lhs_hint = false} : vector<64x32xf32>, vector<10x32xf32>, vector<64x10xf32> -> vector<64x10xf32>
      %get3A_85 = arith.constant 0 : index
      %get3A_86 = arith.constant 0 : index
      %get3A_87 = vector.load %arg12[%get3A_85, %get3A_86] : memref<1x10xf32, #tpu.memory_space<vmem>>, vector<1x10xf32>
      %add3A_88 = vector.broadcast %get3A_87 : vector<1x10xf32> to vector<64x10xf32>
      %add3A_89 = arith.addf %dot_general3A_84, %add3A_88 : vector<64x10xf32>
      %swap3A = arith.constant 0 : index
      %swap3A_90 = arith.constant 0 : index
      %swap3A_91 = vector.load %arg13[%swap3A, %swap3A_90] : memref<64x10xf32, #tpu.memory_space<vmem>>, vector<64x10xf32>
      tpu.vector_store %arg13[%swap3A, %swap3A_90], %add3A_89 {strides = array<i32>} : memref<64x10xf32, #tpu.memory_space<vmem>>, vector<64x10xf32>,
    } else {
    }
    return
  }
  func.func @transform_0(%arg0: i32) -> (i32, i32, i32) {
    %c0_i32 = arith.constant 0 : i32
    %c0_i32_0 = arith.constant 0 : i32
    %c0_i32_1 = arith.constant 0 : i32
    return %c0_i32, %arg0, %c0_i32_0 : i32, i32, i32
  }
  func.func @transform_1(%arg0: i32) -> (i32, i32) {
    %c0_i32 = arith.constant 0 : i32
    %c0_i32_0 = arith.constant 0 : i32
    return %arg0, %c0_i32 : i32, i32
  }
  func.func @transform_2(%arg0: i32) -> (i32, i32, i32) {
    %c0_i32 = arith.constant 0 : i32
    %c0_i32_0 = arith.constant 0 : i32
    %c0_i32_1 = arith.constant 0 : i32
    return %arg0, %c0_i32, %c0_i32_0 : i32, i32, i32
  }
  func.func @transform_3(%arg0: i32) -> (i32, i32) {
    %c0_i32 = arith.constant 0 : i32
    %c0_i32_0 = arith.constant 0 : i32
    %c0_i32_1 = arith.constant 0 : i32
    return %c0_i32, %c0_i32_0 : i32, i32
  }
  func.func @transform_4(%arg0: i32) -> (i32, i32) {
    %c0_i32 = arith.constant 0 : i32
    %c0_i32_0 = arith.constant 0 : i32
    %c0_i32_1 = arith.constant 0 : i32
    return %c0_i32, %c0_i32_0 : i32, i32
  }
  func.func @transform_5(%arg0: i32) -> (i32, i32) {
    %c0_i32 = arith.constant 0 : i32
    %c0_i32_0 = arith.constant 0 : i32
    %c0_i32_1 = arith.constant 0 : i32
    return %c0_i32, %c0_i32_0 : i32, i32
  }
  func.func @transform_6(%arg0: i32) -> (i32, i32) {
    %c0_i32 = arith.constant 0 : i32
    %c0_i32_0 = arith.constant 0 : i32
    %c0_i32_1 = arith.constant 0 : i32
    return %c0_i32, %c0_i32_0 : i32, i32
  }
  func.func @transform_7(%arg0: i32) -> (i32, i32) {
    %c0_i32 = arith.constant 0 : i32
    %c0_i32_0 = arith.constant 0 : i32
    %c0_i32_1 = arith.constant 0 : i32
    return %c0_i32, %c0_i32_0 : i32, i32
  }
  func.func @transform_8(%arg0: i32) -> (i32, i32) {
    %c0_i32 = arith.constant 0 : i32
    %c0_i32_0 = arith.constant 0 : i32
    %c0_i32_1 = arith.constant 0 : i32
    return %c0_i32, %c0_i32_0 : i32, i32
  }
  func.func @transform_9(%arg0: i32) -> (i32, i32) {
    %c0_i32 = arith.constant 0 : i32
    %c0_i32_0 = arith.constant 0 : i32
    %c0_i32_1 = arith.constant 0 : i32
    return %c0_i32, %c0_i32_0 : i32, i32
  }
  func.func @transform_10(%arg0: i32) -> (i32, i32) {
    %c0_i32 = arith.constant 0 : i32
    %c0_i32_0 = arith.constant 0 : i32
    %c0_i32_1 = arith.constant 0 : i32
    return %c0_i32, %c0_i32_0 : i32, i32
  }
  func.func @transform_11(%arg0: i32) -> (i32, i32) {
    %c0_i32 = arith.constant 0 : i32
    %c0_i32_0 = arith.constant 0 : i32
    %c0_i32_1 = arith.constant 0 : i32
    return %c0_i32, %c0_i32_0 : i32, i32
  }
  func.func @transform_12(%arg0: i32) -> (i32, i32) {
    %c0_i32 = arith.constant 0 : i32
    %c0_i32_0 = arith.constant 0 : i32
    %c0_i32_1 = arith.constant 0 : i32
    return %c0_i32, %c0_i32_0 : i32, i32
  }
}

</mosaic_0001>

<sc_bundles>
// kernel: kernel.6.cloned.1.call-start
scs
__scs_entry_jumppad:
0x0: {  	(pc) =	sbr.rel $0x88, $3  }
0x1: {  	(tag) =	ssettag $0x0;
	lr =	simm.s32 $0x1  }
0x2: {  	[smem:$0x3F92] =	sst lr;
	_ =	strace $0xD0000000  }
0x3: {  	_ = 	snop  }
0x4: {  	_ = 	snop  }
0x5: {  	_ = 	snop  }
0x6: {  	_ = 	snop  }
0x7: {  	_ = 	snop  }
__scs_overlays_trampoline_lowered:
0x8: {  	[smem:$0x3FA1] =	sst s0  }
0x9: {  	[smem:$0x3FA2] =	sst s1  }
0xa: {  	[smem:$0x3FA3] =	sst s2  }
0xb: {  	[smem:$0x3FA4] =	sst s3  }
0xc: {  	[smem:$0x3FA5] =	sst s4  }
0xd: {  	[smem:$0x3FA6] =	sst s5  }
0xe: {  	[smem:$0x3FA7] =	sst s6  }
0xf: {  	[smem:$0x3FA8] =	sst s7  }
0x10: {  	[smem:$0x3FA9] =	sst s8  }
0x11: {  	[smem:$0x3FAA] =	sst s9;
	s0 =	simm.s32 @!p0 $0x0  }
0x12: {  	s1 =	sld [smem:$0x3F90];
	s0 =	simm.s32 @p0 $0x1  }
0x13: {  	[smem:$0x3FAB] =	sst s0;
	s0 =	simm.s32 @!p1 $0x0  }
0x14: {  	s2 =	sld [smem:$0x3F8F];
	s0 =	simm.s32 @p1 $0x1  }
0x15: {  	[smem:$0x3FAC] =	sst s0;
	s0 =	simm.s32 @!p2 $0x0  }
0x16: {  	s3 =	sld [smem:$0x3FDB];
	s0 =	simm.s32 @p2 $0x1  }
0x17: {  	s4 =	simm.s32 $0x1BF5;
	[smem:$0x3FAE] =	sst s0  }
0x18: {  	s0 =	sld [smem:$0x3F91];
	_ =	swait.ge [sflag:s4], $0x0  }
0x19: {  	s7 =	sld [smem:$0x3F92]  }
0x1a: {  	s8 =	sadd.s32 $0xFFFFE003, lr  }
0x1b: {  	s9 =	sadd.s32 $0xFFFFFEF7, lr;
	s5 =	simm.s32 $0xFFFFFFFF;
	p2 =	slt.u32 s8, $0xFFFFF086  }
0x1c: {  	p1 =	slt.u32 s9, $0xF7A;
	s5 =	simm.s32 @!p2 $0x0  }
0x1d: {  	s5 =	simm.s32 @p1 $0x1;
	p0 =	seq.s32 s7, s2  }
0x1e: {  	s7 =	smul.u32 @!p0 $0xF7A, s2;
	p2 =	seq.s32 @!p0 s5, $0x0  }
0x1f: {  	s9 =	smul.u32 $0xF7A, s1;
	s8 =	simm.s32 @!p0 $0x1BF5;
	p2 =	por !p2, p0  }
0x20: {  	[sflag:s8] =	ssyncset.s32 @!p0 $0xFFFFF086;
	s6 =	sadd.s32 @!p0 s3, s7;
	s7 =	simm.s32 @!p0 $0x108  }
0x21: {  	s3 =	sadd.s32 s3, s9;
	s6 =	sadd.s32 @!p0 $0x88, s6;
	s7 =	simm.s32 @p2 $0x1082  }
0x22: {  	[simem:s7], [sflag:s8] =	dma.local @!p0 [hbm:s6], $0xF7A  }
0x23: {  	s9 =	sor.u32 $0xD0000000, s2;
	s6 =	simm.s32 $0x108;
	_ =	swait.ge @!p0 [sflag:s8], $0x0  }
0x24: {  	s3 =	sadd.s32 $0x88, s3;
	s6 =	simm.s32 @!p1 $0x1082;
	[sflag:s4] =	ssyncset.s32 $0xFFFFF086  }
0x25: {  	[simem:s6], [sflag:s4] =	dma.local [hbm:s3], $0xF7A  }
0x26: {  	[smem:$0x3F92] =	sst s1;
	(tag) =	ssettag s2;
	_ =	strace s9  }
0x27: {  	s1 =	sld [smem:$0x3FA2]  }
0x28: {  	s2 =	sld [smem:$0x3FA3]  }
0x29: {  	s4 =	sld [smem:$0x3FA5]  }
0x2a: {  	p0 =	seq.s32 s5, $0x0;
	s5 =	sld [smem:$0x3FA6]  }
0x2b: {  	s6 =	sld [smem:$0x3FA7]  }
0x2c: {  	s7 =	sld [smem:$0x3FA8]  }
0x2d: {  	s3 =	simm.s32 $0x108;
	s8 =	sld [smem:$0x3FA9]  }
0x2e: {  	s3 =	simm.s32 @!p0 $0x1082;
	s9 =	sld [smem:$0x3FAA]  }
0x2f: {  	lr =	sadd.s32 s0, s3;
	s0 =	sld [smem:$0x3FA1]  }
0x30: {  	s3 =	sld [smem:$0x3FA4]  }
0x31: {  	[smem:$0x3FAD] =	sst s10  }
0x32: {  	s10 =	sld [smem:$0x3FAB];
	_ =	sdelay $0x3  }
0x33: {  	p0 =	seq.s32 s10, $0x1;
	s10 =	sld [smem:$0x3FAD];
	_ =	sdelay $0x3  }
0x34: {  	[smem:$0x3FAD] =	sst s10  }
0x35: {  	s10 =	sld [smem:$0x3FAC];
	_ =	sdelay $0x3  }
0x36: {  	p1 =	seq.s32 s10, $0x1;
	s10 =	sld [smem:$0x3FAD];
	_ =	sdelay $0x3  }
0x37: {  	[smem:$0x3FAD] =	sst s10  }
0x38: {  	s10 =	sld [smem:$0x3FAE]  }
0x39: {  	_ = 	snop;
	(pc) =	sbr.ind lr, $3  }
0x3a: {  	_ = 	snop  }
0x3b: {  	_ = 	snop  }
0x3c: {  	p2 =	seq.s32 s10, $0x1;
	s10 =	sld [smem:$0x3FAD]  }
0x3d: {  	_ =	shalt  }
0x3e: {  	_ =	shalt  }
0x3f: {  	_ =	shalt  }
0x40: {  	_ =	shalt  }
0x41: {  	_ =	shalt  }
0x42: {  	_ =	shalt  }
0x43: {  	_ =	shalt  }
0x44: {  	_ =	shalt  }
0x45: {  	_ =	shalt  }
0x46: {  	_ =	shalt  }
0x47: {  	_ =	shalt  }
0x48: {  	_ =	shalt  }
0x49: {  	_ =	shalt  }
0x4a: {  	_ =	shalt  }
0x4b: {  	_ =	shalt  }
0x4c: {  	_ =	shalt  }
0x4d: {  	_ =	shalt  }
0x4e: {  	_ =	shalt  }
0x4f: {  	_ =	shalt  }
0x50: {  	_ =	shalt  }
0x51: {  	_ =	shalt  }
0x52: {  	_ =	shalt  }
0x53: {  	_ =	shalt  }
0x54: {  	_ =	shalt  }
0x55: {  	_ =	shalt  }
0x56: {  	_ =	shalt  }
0x57: {  	_ =	shalt  }
0x58: {  	_ =	shalt  }
0x59: {  	_ =	shalt  }
0x5a: {  	_ =	shalt  }
0x5b: {  	_ =	shalt  }
0x5c: {  	_ =	shalt  }
0x5d: {  	_ =	shalt  }
0x5e: {  	_ =	shalt  }
0x5f: {  	_ =	shalt  }
0x60: {  	_ =	shalt  }
0x61: {  	_ =	shalt  }
0x62: {  	_ =	shalt  }
0x63: {  	_ =	shalt  }
0x64: {  	_ =	shalt  }
0x65: {  	_ =	shalt  }
0x66: {  	_ =	shalt  }
0x67: {  	_ =	shalt  }
0x68: {  	_ =	shalt  }
0x69: {  	_ =	shalt  }
0x6a: {  	_ =	shalt  }
0x6b: {  	_ =	shalt  }
0x6c: {  	_ =	shalt  }
0x6d: {  	_ =	shalt  }
0x6e: {  	_ =	shalt  }
0x6f: {  	_ =	shalt  }
0x70: {  	_ =	shalt  }
0x71: {  	_ =	shalt  }
0x72: {  	_ =	shalt  }
0x73: {  	_ =	shalt  }
0x74: {  	_ =	shalt  }
0x75: {  	_ =	shalt  }
0x76: {  	_ =	shalt  }
0x77: {  	_ =	shalt  }
0x78: {  	_ =	shalt  }
0x79: {  	_ =	shalt  }
0x7a: {  	_ =	shalt  }
0x7b: {  	_ =	shalt  }
0x7c: {  	_ =	shalt  }
0x7d: {  	_ =	shalt  }
0x7e: {  	_ =	shalt  }
0x7f: {  	_ =	shalt  }
0x80: {  	_ =	shalt  }
0x81: {  	_ =	shalt  }
0x82: {  	_ =	shalt  }
0x83: {  	_ =	shalt  }
0x84: {  	_ =	shalt  }
0x85: {  	_ =	shalt  }
0x86: {  	_ =	shalt  }
0x87: {  	_ =	shalt  }
.Lfunc_end0:
.L_simem_size_0:
called_computation_lowered:
.L_overlay_start_0:
0x88: {  	s2 =	sld [smem:$0x3FD9]  }
0x89: {  	s3 =	sld [smem:$0x3FFE];
	_ =	sdelay $0x1  }
0x8a: {  	s1 =	srdreg.scid  }
0x8b: {  	s0 =	sand.u32 $0x1, s1  }
0x8c: {  	s16 =	sshll.u32 s0, $0xA;
	s2 =	sadd.s32 s3, s2  }
0x8d: {  	s2 =	sadd.s32 s2, s16  }
0x8e: {  	[smem:$0x3FB9] =	sst s2  }
0x8f: {  	_ = 	snop  }
0x90: {  	(tm) =	ssettm $0x1  }
0x91: {  	s17 =	sld [smem:$0x3FFB];
	_ =	sdelay $0x3  }
0x92: {  	_ =	strace s17  }
0x93: {  	s2 =	sld [smem:$0x3FFC];
	_ =	sdelay $0x3  }
0x94: {  	_ =	strace s2  }
0x95: {  	s2 =	sld [smem:$0x3FFD];
	_ =	sdelay $0x3  }
0x96: {  	_ =	strace s2  }
0x97: {  	_ =	strace $0x8FFFFFFF  }
0x98: {  	s18 =	sld [smem:$0x3FDB];
	_ =	sdelay $0x1  }
0x99: {  	s19 =	simm.s32 $_scs_section_size  }
0x9a: {  	s4 =	simm.s32 $_size__tile_overlayer_lowered;
	s5 =	simm.s32 $_tile_overlayer_lowered  }
0x9b: {  	s22 =	simm.s32 $0x1BFF;
	s21 =	sshll.u32 s5, $0x1;
	s2 =	sadd.s32 s19, s18  }
0x9c: {  	s6 =	simm.s32 $0x0;
	s20 =	sshll.u32 s4, $0x1;
	s4 =	sadd.s32 s21, s2  }
0x9d: {  	[timem:s6], [sflag:s22] =	dma.local [hbm:s4], s20  }
0x9e: {  	_ =	swait.ge [sflag:s22], s20  }
0x9f: {  	s3 =	ssub.s32 $0x0, s20;
	[sflag:s22] =	ssyncset.done $0x0  }
0xa0: {  	[sflag:s22] =	ssyncadd.s32 s3;
	_ =	sdelay $0x1  }
0xa1: {  	s23 =	simm.s32 $0x1B8B  }
0xa2: {  	_ =	swait.ge [sflag:s23], $0x1  }
0xa3: {  	[sflag:s23] =	ssyncset.done $0x0  }
0xa4: {  	s25 =	simm.s32 $0x1B8E;
	s24 =	sld [smem:$0x3FFE];
	[sflag:s23] =	ssyncadd.s32 $0xFFFFFFFF  }
0xa5: {  	s26 =	simm.s32 $execute0_lowered;
	[smem:$0x3FD2] =	sst s25  }
0xa6: {  	s4 =	sshll.u32 s26, $0x1;
	_ =	strace $0x80000046;
	[dreg:$0x1] =	wrdreg $0xFFFFFFFF  }
0xa7: {  	s28 =	simm.s32 $_size_execute0_lowered;
	s2 =	sadd.s32 s2, s4;
	[dreg:$0x0] =	wrdreg $0x0  }
0xa8: {  	s4 =	sshll.u32 s28, $0x1;
	[dreg:$0x2] =	wrdreg s2  }
0xa9: {  	[dreg:$0x3] =	wrdreg s4  }
0xaa: {  	[dreg:$0x4] =	wrdreg $0xC0  }
0xab: {  	_ =	task [dreg:s6], $0x5FFFF  }
0xac: {  	[dreg:$0x1] =	wrdreg $0xFFFFFFFF  }
0xad: {  	[dreg:$0x0] =	wrdreg $0x60  }
0xae: {  	[dreg:$0x2] =	wrdreg s24  }
0xaf: {  	[dreg:$0x3] =	wrdreg $0xA8000  }
0xb0: {  	[dreg:$0x4] =	wrdreg $0x9  }
0xb1: {  	_ =	task.clear_ibuf [dreg:s6], $0x5FFFF;
	_ =	strace $0x90000046  }
0xb2: {  	s29 =	simm.s32 $0x9;
	_ =	strace $0x80000048  }
0xb3: {  	_ =	swait.ge [sflag:s29], $0x1  }
0xb4: {  	[sflag:s29] =	ssyncadd.s32 $0xFFFFFFFF  }
0xb5: {  	_ =	strace $0x90000048  }
0xb6: {  	_ =	sfence  }
0xb7: {  	s30 =	sld [smem:$0x0];
	_ =	sdelay $0x2  }
0xb8: {  	s31 =	sshll.u32 s1, $0xD;
	s1 =	sshrl.u32 s1, $0x2  }
0xb9: {  	s3 =	sand.u32 $0x4000, s31;
	s1 =	sadd.s32 s1, s30  }
0xba: {  	s0 =	sor.u32 s3, s0;
	s1 =	sshll.u32 s1, $0x11  }
0xbb: {  	s0 =	sor.u32 s1, s0  }
0xbc: {  	s0 =	sadd.s32 $0x8F2B, s0  }
0xbd: {  	[sflag:s0] =	ssyncadd.remote.s32 $0x1  }
0xbe: {  	_ =	sfence.sel $0xFFFF  }
0xbf: {  	[dreg:$0x0] =	wrdreg $0xFFFFFFFF;
	(pc) =	sbr.abs _section_cstart, $3  }
0xc0: {  	[dreg:$0x1] =	wrdreg $0xFFFFFFFF  }
0xc1: {  	_ =	task.clear_ibuf [dreg:s6], $0x2FFFF;
	_ =	strace $0x9FFFFFFF  }
0xc2: {  	(tm) =	ssettm $0x7FFFFFFF  }
0xc3: {  	_ =	shalt  }
tec
execute0_lowered:
.L_overlay_start_1:
0x0: {  	(tag) =	ssettag $0x1  }
0x1: {  	s0 =	rddreg [dreg:$0x0]  }
0x2: {  	s1 =	rddreg [dreg:$0x1];
	s2 =	srdreg.scid;
	s3 =	simm.s32 $0x0  }
0x3: {  	s21 =	simm.s32 $0x3;
	s22 =	simm.s32 $0x2;
	s10 =	sand.u32 $0x1, s2  }
0x4: {  	s23 =	simm.s32 $0x2780;
	s2 =	stileid.u32;
	s5 =	smul.u32 $0x140000, s10  }
0x5: {  	s24 =	simm.s32 $0x6800;
	s26 =	simm.s32 $0x0;
	s6 =	smul.u32 $0x14000, s2  }
0x6: {  	[smem:$0x7FF] =	sst s3;
	s4 =	sadd.s32 $0x2E00, s0;
	s28 =	smul.u32 $0x50000, s2  }
0x7: {  	s16 =	sadd.s32 $0x2AE00, s0;
	s17 =	sadd.s32 $0x34E00, s0;
	s11 =	smul.u32 $0x2800, s2  }
0x8: {  	_ =	strace $0x80000047;
	s7 =	ssub.s32 $0x2, s10;
	s12 =	smul.u32 $0x500, s2  }
0x9: {  	p0 =	seq.s32 s10, $0x1;
	s29 =	sshrl.u32 s7, $0x1;
	s5 =	sadd.s32 s6, s5  }
0xa: {  	s6 =	sshrl.u32 s28, $0x2;
	s19 =	ssub.s32 s7, s29;
	s30 =	sadd.s32 s16, s12  }
0xb: {  	s15 =	sshrl.u32 s11, $0x3;
	s31 =	sadd.s32 s17, s12;
	[dreg:$0x3] =	wrdreg s30  }
0xc: {  	s5 =	sshrl.u32 s5, $0x3;
	s13 =	sadd.s32 $0x280, s15;
	[dreg:$0x4] =	wrdreg s31  }
0xd: {  	s18 =	sadd.s32 $0x5000, s15;
	s20 =	sadd.s32 $0x5280, s15;
	s19 =	smax.u32 s19, $0x1  }
.Ltmp0:
0xe: {  	s0 =	sadd.s32 s5, s0;
	s5 =	sadd.s32 s6, s1;
	(pc) =	sbr.rel .LBB2_1-.Ltmp0, $4  }
0xf: {  	s12 =	sadd.s32 s16, s13;
	s13 =	sadd.s32 s17, s13;
	s14 =	sadd.s32 s16, s18  }
0x10: {  	s15 =	sadd.s32 s17, s18;
	s16 =	sadd.s32 s16, s20;
	s17 =	sadd.s32 s17, s20  }
0x11: {  	s20 =	simm.s32 $0x2800;
	s6 =	sadd.s32 $0x4000, s5;
	s7 =	sadd.s32 $0x8000, s5  }
0x12: {  	v0 =	vimm.f32 $0.0e+00;
	s8 =	sadd.s32 $0xC000, s5;
	s9 =	sadd.s32 $0x10000, s5;
	s18 =	sadd.s32 $0x3EE00, s0  }
.LBB2_8:
0x13: {  	p1 =	seq.s32 s0, $0x1;
	[sflag:s31] =	ssyncadd.s32 $0xFFFFC000  }
0x14: {  	s0 =	simm.s32 @p1 $0x80;
	s10 =	simm.s32 @p1 $0x2800;
	s11 =	simm.s32 @p1 $0x2  }
0x15: {  	[tilespmem:s10], [sflag:$0x1] =	stream.indirect.gather @p1 [hbm4b:s4+s0], $0x80, s29, s0, $0xb8;
	[tilespmem:$0x1E800] =	vst v63  }
0x16: {  	_ =	swait.ge @p1 [sflag:s11], $0x4000  }
0x17: {  	[sflag:s11] =	ssyncset.done @p1 $0x0  }
0x18: {  	s10 =	simm.s32 @p1 $0x6800;
	[sflag:s11] =	ssyncadd.s32 @p1 $0xFFFFC000  }
0x19: {  	[spmem:s1] =	stream.indirect.scatter.add.f32 @p1 [tilespmem:s10], [sflag:$0x3], $0x80, s28, s0, $0xb8;
	[tilespmem:$0x1E800] =	vst v63  }
0x1a: {  	s11 =	simm.s32 @!p1 $0x1;
	s0 =	simm.s32 @!p1 $0x80;
	s10 =	simm.s32 @!p1 $0x6800  }
0x1b: {  	[tilespmem:s10], [sflag:$0x2] =	stream.indirect.gather @!p1 [hbm4b:s4+s0], $0x80, s29, s0, $0xb8;
	[tilespmem:$0x1E800] =	vst v63  }
0x1c: {  	_ =	swait.ge @!p1 [sflag:s11], $0x4000  }
0x1d: {  	s10 =	simm.s32 @!p1 $0x4;
	[sflag:s11] =	ssyncset.done @!p1 $0x0  }
0x1e: {  	s10 =	simm.s32 @p1 $0x3;
	[sflag:s11] =	ssyncadd.s32 @!p1 $0xFFFFC000;
	s11 =	simm.s32 @!p1 $0x2800  }
0x1f: {  	[spmem:s1] =	stream.indirect.scatter.add.f32 @!p1 [tilespmem:s11], [sflag:$0x4], $0x80, s28, s0, $0xb8;
	[tilespmem:$0x1E800] =	vst v63  }
0x20: {  	_ =	swait.ge [sflag:s10], $0x4000  }
0x21: {  	[sflag:s10] =	ssyncset.done $0x0  }
0x22: {  	[sflag:s10] =	ssyncadd.s32 $0xFFFFC000  }
.LBB2_14:
0x23: {  	_ =	swait.ge [sflag:s22], $0x4000  }
0x24: {  	[sflag:s22] =	ssyncset.done $0x0  }
0x25: {  	s0 =	simm.s32 $0x80;
	[sflag:s22] =	ssyncadd.s32 $0xFFFFC000  }
0x26: {  	[spmem:s1] =	stream.indirect.scatter.add.f32 [tilespmem:s24], [sflag:$0x3], $0x80, s23, s0, $0xb8;
	[tilespmem:$0x1E800] =	vst v63  }
0x27: {  	_ =	swait.ge [sflag:s21], $0x4000  }
0x28: {  	s31 =	sshll.u32 s2, $0x6;
	s26 =	sadd.s32 $0x1, s26;
	[sflag:s21] =	ssyncset.done $0x0  }
0x29: {  	s10 =	sshrl.u32 s5, $0x3;
	p1 =	sne.s32 s26, s19;
	[sflag:s21] =	ssyncadd.s32 $0xFFFFC000  }
.Ltmp1:
0x2a: {  	s0 =	sor.u32 $0x1C03, s31;
	[bflag:$0x0] =	sbarrier.arrive $0xFFFF;
	(pc) =	sbr.rel @!p1 .LBB2_15-.Ltmp1, $4  }
0x2b: {  	[hbm:s18], [sflag:s0] =	dma.local [spmem:s10], $0x2800  }
0x2c: {  	_ =	swait.ge [sflag:s21], $0x2800  }
0x2d: {  	[sflag:s21] =	ssyncset.done $0x0  }
0x2e: {  	[sflag:s21] =	ssyncadd.s32 $0xFFFFD800  }
.LBB2_1:
0x2f: {  	s0 =	sand.u32 $0xFE00, s3  }
0x30: {  	s29 =	sand.u32 $0x70, s3;
	s0 =	sshrl.u32 s0, $0x2  }
0x31: {  	s28 =	simm.s32 $0x40;
	s0 =	sor.u32 s29, s0;
	s29 =	simm.s32 $0x0  }
.LBB2_2:
0x32: {  	p1 =	sne.s32 s28, $0xFFC0  }
0x33: {  	[tilespmem:s0+$0x2800] =	vst v0;
	s29 =	sadd.s32 $0x10, s29;
	s0 =	smov.u32 s28;
	s28 =	sadd.s32 $0x40, s28  }
.Ltmp2:
0x34: {  	(pc) =	sbr.rel @p1 .LBB2_2-.Ltmp2, $4  }
0x35: {  	_ = 	snop  }
0x36: {  	s0 =	sand.u32 $0xFE00, s0  }
0x37: {  	s30 =	sand.u32 $0x70, s29;
	s0 =	sshrl.u32 s0, $0x2  }
0x38: {  	s0 =	sor.u32 s30, s0  }
0x39: {  	[tilespmem:s0+$0x2800] =	vst v0  }
0x3a: {  	[spmem:s5] =	stream.linear.scatter [tilespmem:s20], [sflag:$0x3], $0x4000, $0x38;
	[tilespmem:$0x1E800] =	vst v63  }
0x3b: {  	_ =	swait.ge [sflag:s21], $0x4000  }
0x3c: {  	[sflag:s21] =	ssyncset.done $0x0  }
0x3d: {  	[sflag:s21] =	ssyncadd.s32 $0xFFFFC000  }
0x3e: {  	[spmem:s6] =	stream.linear.scatter [tilespmem:s20], [sflag:$0x3], $0x4000, $0x38;
	[tilespmem:$0x1E800] =	vst v63  }
0x3f: {  	_ =	swait.ge [sflag:s21], $0x4000  }
0x40: {  	[sflag:s21] =	ssyncset.done $0x0  }
0x41: {  	[sflag:s21] =	ssyncadd.s32 $0xFFFFC000  }
0x42: {  	[spmem:s7] =	stream.linear.scatter [tilespmem:s20], [sflag:$0x3], $0x4000, $0x38;
	[tilespmem:$0x1E800] =	vst v63  }
0x43: {  	_ =	swait.ge [sflag:s21], $0x4000  }
0x44: {  	[sflag:s21] =	ssyncset.done $0x0  }
0x45: {  	[sflag:s21] =	ssyncadd.s32 $0xFFFFC000  }
0x46: {  	[spmem:s8] =	stream.linear.scatter [tilespmem:s20], [sflag:$0x3], $0x4000, $0x38;
	[tilespmem:$0x1E800] =	vst v63  }
0x47: {  	_ =	swait.ge [sflag:s21], $0x4000  }
0x48: {  	[sflag:s21] =	ssyncset.done $0x0  }
0x49: {  	[sflag:s21] =	ssyncadd.s32 $0xFFFFC000  }
0x4a: {  	[spmem:s9] =	stream.linear.scatter [tilespmem:s20], [sflag:$0x3], $0x4000, $0x38;
	[tilespmem:$0x1E800] =	vst v63  }
.Ltmp3:
0x4b: {  	_ =	swait.ge [sflag:s21], $0x4000;
	(pc) =	sbr.rel @!p0 .LBB2_4-.Ltmp3, $4  }
0x4c: {  	[sflag:s21] =	ssyncset.done $0x0  }
0x4d: {  	[sflag:s21] =	ssyncadd.s32 $0xFFFFC000  }
0x4e: {  	[bflag:$0x0] =	sbarrier.arrive $0xFFFF  }
0x4f: {  	s0 =	simm.s32 $0x0  }
0x50: {  	[tilespmem:s0], [sflag:$0x3] =	stream.linear.gather [hbm4b:s14+s0], $0x1400, $0x38;
	[tilespmem:$0x1E800] =	vst v63  }
0x51: {  	_ =	swait.ge [sflag:s21], $0x1400  }
0x52: {  	[sflag:s21] =	ssyncset.done $0x0  }
0x53: {  	s10 =	simm.s32 $0x1400;
	[sflag:s21] =	ssyncadd.s32 $0xFFFFEC00  }
0x54: {  	[tilespmem:s10], [sflag:$0x3] =	stream.linear.gather [hbm4b:s15+s0], $0x1400, $0x38;
	[tilespmem:$0x1E800] =	vst v63  }
0x55: {  	_ =	swait.ge [sflag:s21], $0x1400  }
0x56: {  	s25 =	sand.u32 $0x1, s0;
	[sflag:s21] =	ssyncset.done $0x0  }
0x57: {  	s11 =	simm.s32 $0x80;
	p1 =	seq.s32 s25, $0x1;
	[sflag:s21] =	ssyncadd.s32 $0xFFFFEC00  }
0x58: {  	[tilespmem:s20], [sflag:$0x1] =	stream.indirect.gather [hbm4b:s4+s11], $0x80, s0, s11, $0xb8;
	[tilespmem:$0x1E800] =	vst v63  }
0x59: {  	s25 =	simm.s32 @p1 $0x2800;
	s28 =	simm.s32 @p1 $0x2;
	s0 =	simm.s32 @p1 $0x80  }
0x5a: {  	[tilespmem:s25], [sflag:$0x1] =	stream.indirect.gather @p1 [hbm4b:s4+s0], $0x80, s11, s0, $0xb8;
	[tilespmem:$0x1E800] =	vst v63  }
0x5b: {  	_ =	swait.ge @p1 [sflag:s28], $0x4000  }
0x5c: {  	[sflag:s28] =	ssyncset.done @p1 $0x0  }
0x5d: {  	s25 =	simm.s32 @p1 $0x6800;
	[sflag:s28] =	ssyncadd.s32 @p1 $0xFFFFC000  }
0x5e: {  	[spmem:s1] =	stream.indirect.scatter.add.f32 @p1 [tilespmem:s25], [sflag:$0x3], $0x80, s10, s0, $0xb8;
	[tilespmem:$0x1E800] =	vst v63  }
0x5f: {  	s28 =	simm.s32 @!p1 $0x1;
	s0 =	simm.s32 @!p1 $0x80;
	s25 =	simm.s32 @!p1 $0x6800  }
0x60: {  	[tilespmem:s25], [sflag:$0x2] =	stream.indirect.gather @!p1 [hbm4b:s4+s0], $0x80, s11, s0, $0xb8;
	[tilespmem:$0x1E800] =	vst v63  }
0x61: {  	_ =	swait.ge @!p1 [sflag:s28], $0x4000  }
0x62: {  	s30 =	simm.s32 $0x2;
	s31 =	simm.s32 @!p1 $0x4;
	[sflag:s28] =	ssyncset.done @!p1 $0x0  }
0x63: {  	s31 =	simm.s32 @p1 $0x3;
	s25 =	simm.s32 @!p1 $0x2800;
	[sflag:s28] =	ssyncadd.s32 @!p1 $0xFFFFC000  }
0x64: {  	[spmem:s1] =	stream.indirect.scatter.add.f32 @!p1 [tilespmem:s25], [sflag:$0x4], $0x80, s10, s0, $0xb8;
	[tilespmem:$0x1E800] =	vst v63  }
0x65: {  	s29 =	simm.s32 $0x100;
	s11 =	simm.s32 $0x1;
	_ =	swait.ge [sflag:s31], $0x4000  }
0x66: {  	s28 =	simm.s32 $0x1480;
	s0 =	sand.u32 $0x1, s11;
	[sflag:s31] =	ssyncset.done $0x0  }
.LBB2_10:
0x67: {  	p1 =	seq.s32 s0, $0x1  }
0x68: {  	[sflag:s31] =	ssyncadd.s32 $0xFFFFC000;
	s0 =	smov.u32 s30;
	s30 =	sadd.s32 $0x1, s30  }
0x69: {  	s10 =	simm.s32 @p1 $0x80;
	s11 =	simm.s32 @p1 $0x2800;
	s25 =	simm.s32 @p1 $0x2  }
0x6a: {  	[tilespmem:s11], [sflag:$0x1] =	stream.indirect.gather @p1 [hbm4b:s4+s10], $0x80, s29, s10, $0xb8;
	[tilespmem:$0x1E800] =	vst v63  }
0x6b: {  	p2 =	sne.s32 s30, $0x27;
	s31 =	simm.s32 @!p1 $0x4;
	_ =	swait.ge @p1 [sflag:s25], $0x4000  }
0x6c: {  	[sflag:s25] =	ssyncset.done @p1 $0x0  }
0x6d: {  	s11 =	simm.s32 @p1 $0x6800;
	[sflag:s25] =	ssyncadd.s32 @p1 $0xFFFFC000  }
0x6e: {  	[spmem:s1] =	stream.indirect.scatter.add.f32 @p1 [tilespmem:s11], [sflag:$0x3], $0x80, s28, s10, $0xb8;
	[tilespmem:$0x1E800] =	vst v63  }
0x6f: {  	s25 =	simm.s32 @!p1 $0x1;
	s10 =	simm.s32 @!p1 $0x80;
	s11 =	simm.s32 @!p1 $0x6800  }
0x70: {  	[tilespmem:s11], [sflag:$0x2] =	stream.indirect.gather @!p1 [hbm4b:s4+s10], $0x80, s29, s10, $0xb8;
	[tilespmem:$0x1E800] =	vst v63  }
0x71: {  	_ =	swait.ge @!p1 [sflag:s25], $0x4000  }
.Ltmp4:
0x72: {  	[sflag:s25] =	ssyncset.done @!p1 $0x0;
	(pc) =	sbr.rel @p2 .LBB2_10-.Ltmp4, $4  }
0x73: {  	s31 =	simm.s32 @p1 $0x3;
	s11 =	simm.s32 @!p1 $0x2800;
	[sflag:s25] =	ssyncadd.s32 @!p1 $0xFFFFC000  }
0x74: {  	[spmem:s1] =	stream.indirect.scatter.add.f32 @!p1 [tilespmem:s11], [sflag:$0x4], $0x80, s28, s10, $0xb8;
	[tilespmem:$0x1E800] =	vst v63  }
0x75: {  	s29 =	sadd.s32 $0x80, s29;
	_ =	swait.ge [sflag:s31], $0x4000  }
0x76: {  	s0 =	sand.u32 $0x1, s0;
	s28 =	sadd.s32 $0x80, s28;
	[sflag:s31] =	ssyncset.done $0x0  }
0x77: {  	p1 =	seq.s32 s0, $0x1;
	[sflag:s31] =	ssyncadd.s32 $0xFFFFC000  }
0x78: {  	s0 =	simm.s32 @p1 $0x80;
	s10 =	simm.s32 @p1 $0x2800;
	s11 =	simm.s32 @p1 $0x2  }
0x79: {  	[tilespmem:s10], [sflag:$0x1] =	stream.indirect.gather @p1 [hbm4b:s4+s0], $0x80, s29, s0, $0xb8;
	[tilespmem:$0x1E800] =	vst v63  }
0x7a: {  	_ =	swait.ge @p1 [sflag:s11], $0x4000  }
0x7b: {  	[sflag:s11] =	ssyncset.done @p1 $0x0  }
0x7c: {  	s10 =	simm.s32 @p1 $0x6800;
	[sflag:s11] =	ssyncadd.s32 @p1 $0xFFFFC000  }
0x7d: {  	[spmem:s1] =	stream.indirect.scatter.add.f32 @p1 [tilespmem:s10], [sflag:$0x3], $0x80, s28, s0, $0xb8;
	[tilespmem:$0x1E800] =	vst v63  }
0x7e: {  	s11 =	simm.s32 @!p1 $0x1;
	s0 =	simm.s32 @!p1 $0x80;
	s10 =	simm.s32 @!p1 $0x6800  }
0x7f: {  	[tilespmem:s10], [sflag:$0x2] =	stream.indirect.gather @!p1 [hbm4b:s4+s0], $0x80, s29, s0, $0xb8;
	[tilespmem:$0x1E800] =	vst v63  }
0x80: {  	_ =	swait.ge @!p1 [sflag:s11], $0x4000  }
0x81: {  	s10 =	simm.s32 @!p1 $0x4;
	[sflag:s11] =	ssyncset.done @!p1 $0x0  }
0x82: {  	s10 =	simm.s32 @p1 $0x3;
	[sflag:s11] =	ssyncadd.s32 @!p1 $0xFFFFC000;
	s11 =	simm.s32 @!p1 $0x2800  }
0x83: {  	[spmem:s1] =	stream.indirect.scatter.add.f32 @!p1 [tilespmem:s11], [sflag:$0x4], $0x80, s28, s0, $0xb8;
	[tilespmem:$0x1E800] =	vst v63  }
0x84: {  	_ =	swait.ge [sflag:s10], $0x4000  }
0x85: {  	[sflag:s10] =	ssyncset.done $0x0  }
0x86: {  	[sflag:s10] =	ssyncadd.s32 $0xFFFFC000  }
0x87: {  	_ =	swait.ge [sflag:s22], $0x4000  }
0x88: {  	[sflag:s22] =	ssyncset.done $0x0  }
0x89: {  	s0 =	simm.s32 $0x80;
	[sflag:s22] =	ssyncadd.s32 $0xFFFFC000  }
0x8a: {  	[spmem:s1] =	stream.indirect.scatter.add.f32 [tilespmem:s24], [sflag:$0x3], $0x80, s23, s0, $0xb8;
	[tilespmem:$0x1E800] =	vst v63  }
0x8b: {  	_ =	swait.ge [sflag:s21], $0x4000  }
0x8c: {  	[sflag:s21] =	ssyncset.done $0x0  }
0x8d: {  	s25 =	simm.s32 $0x0;
	[sflag:s21] =	ssyncadd.s32 $0xFFFFC000  }
0x8e: {  	[tilespmem:s25], [sflag:$0x3] =	stream.linear.gather [hbm4b:s16+s25], $0x1400, $0x38;
	[tilespmem:$0x1E800] =	vst v63  }
0x8f: {  	_ =	swait.ge [sflag:s21], $0x1400  }
0x90: {  	[sflag:s21] =	ssyncset.done $0x0  }
0x91: {  	s11 =	simm.s32 $0x1400;
	[sflag:s21] =	ssyncadd.s32 $0xFFFFEC00  }
0x92: {  	[tilespmem:s11], [sflag:$0x3] =	stream.linear.gather [hbm4b:s17+s25], $0x1400, $0x38;
	[tilespmem:$0x1E800] =	vst v63  }
0x93: {  	_ =	swait.ge [sflag:s21], $0x1400  }
0x94: {  	s10 =	sand.u32 $0x1, s25;
	[sflag:s21] =	ssyncset.done $0x0  }
0x95: {  	p1 =	seq.s32 s10, $0x1;
	[sflag:s21] =	ssyncadd.s32 $0xFFFFEC00  }
0x96: {  	[tilespmem:s20], [sflag:$0x1] =	stream.indirect.gather [hbm4b:s4+s0], $0x80, s25, s0, $0xb8;
	[tilespmem:$0x1E800] =	vst v63  }
0x97: {  	s10 =	simm.s32 @p1 $0x80;
	s28 =	simm.s32 @p1 $0x2;
	s25 =	simm.s32 @p1 $0x2800  }
0x98: {  	[tilespmem:s25], [sflag:$0x1] =	stream.indirect.gather @p1 [hbm4b:s4+s10], $0x80, s0, s10, $0xb8;
	[tilespmem:$0x1E800] =	vst v63  }
0x99: {  	_ =	swait.ge @p1 [sflag:s28], $0x4000  }
0x9a: {  	[sflag:s28] =	ssyncset.done @p1 $0x0  }
0x9b: {  	s25 =	simm.s32 @p1 $0x6800;
	[sflag:s28] =	ssyncadd.s32 @p1 $0xFFFFC000  }
0x9c: {  	[spmem:s1] =	stream.indirect.scatter.add.f32 @p1 [tilespmem:s25], [sflag:$0x3], $0x80, s11, s10, $0xb8;
	[tilespmem:$0x1E800] =	vst v63  }
0x9d: {  	s28 =	simm.s32 @!p1 $0x1;
	s10 =	simm.s32 @!p1 $0x80;
	s25 =	simm.s32 @!p1 $0x6800  }
0x9e: {  	[tilespmem:s25], [sflag:$0x2] =	stream.indirect.gather @!p1 [hbm4b:s4+s10], $0x80, s0, s10, $0xb8;
	[tilespmem:$0x1E800] =	vst v63  }
0x9f: {  	_ =	swait.ge @!p1 [sflag:s28], $0x4000  }
0xa0: {  	s30 =	simm.s32 $0x2;
	s31 =	simm.s32 @!p1 $0x4;
	[sflag:s28] =	ssyncset.done @!p1 $0x0  }
0xa1: {  	s31 =	simm.s32 @p1 $0x3;
	s25 =	simm.s32 @!p1 $0x2800;
	[sflag:s28] =	ssyncadd.s32 @!p1 $0xFFFFC000  }
0xa2: {  	[spmem:s1] =	stream.indirect.scatter.add.f32 @!p1 [tilespmem:s25], [sflag:$0x4], $0x80, s11, s10, $0xb8;
	[tilespmem:$0x1E800] =	vst v63  }
0xa3: {  	s29 =	simm.s32 $0x100;
	s0 =	simm.s32 $0x1;
	_ =	swait.ge [sflag:s31], $0x4000  }
0xa4: {  	s0 =	sand.u32 $0x1, s0;
	s28 =	simm.s32 $0x1480;
	[sflag:s31] =	ssyncset.done $0x0  }
.LBB2_12:
0xa5: {  	p1 =	seq.s32 s0, $0x1  }
0xa6: {  	[sflag:s31] =	ssyncadd.s32 $0xFFFFC000;
	s0 =	smov.u32 s30;
	s30 =	sadd.s32 $0x1, s30  }
0xa7: {  	s10 =	simm.s32 @p1 $0x80;
	s11 =	simm.s32 @p1 $0x2800;
	s25 =	simm.s32 @p1 $0x2  }
0xa8: {  	[tilespmem:s11], [sflag:$0x1] =	stream.indirect.gather @p1 [hbm4b:s4+s10], $0x80, s29, s10, $0xb8;
	[tilespmem:$0x1E800] =	vst v63  }
0xa9: {  	p2 =	sne.s32 s30, $0x27;
	s31 =	simm.s32 @!p1 $0x4;
	_ =	swait.ge @p1 [sflag:s25], $0x4000  }
0xaa: {  	[sflag:s25] =	ssyncset.done @p1 $0x0  }
0xab: {  	s11 =	simm.s32 @p1 $0x6800;
	[sflag:s25] =	ssyncadd.s32 @p1 $0xFFFFC000  }
0xac: {  	[spmem:s1] =	stream.indirect.scatter.add.f32 @p1 [tilespmem:s11], [sflag:$0x3], $0x80, s28, s10, $0xb8;
	[tilespmem:$0x1E800] =	vst v63  }
0xad: {  	s25 =	simm.s32 @!p1 $0x1;
	s10 =	simm.s32 @!p1 $0x80;
	s11 =	simm.s32 @!p1 $0x6800  }
0xae: {  	[tilespmem:s11], [sflag:$0x2] =	stream.indirect.gather @!p1 [hbm4b:s4+s10], $0x80, s29, s10, $0xb8;
	[tilespmem:$0x1E800] =	vst v63  }
0xaf: {  	_ =	swait.ge @!p1 [sflag:s25], $0x4000  }
.Ltmp5:
0xb0: {  	[sflag:s25] =	ssyncset.done @!p1 $0x0;
	(pc) =	sbr.rel @p2 .LBB2_12-.Ltmp5, $4  }
0xb1: {  	s31 =	simm.s32 @p1 $0x3;
	s11 =	simm.s32 @!p1 $0x2800;
	[sflag:s25] =	ssyncadd.s32 @!p1 $0xFFFFC000  }
0xb2: {  	[spmem:s1] =	stream.indirect.scatter.add.f32 @!p1 [tilespmem:s11], [sflag:$0x4], $0x80, s28, s10, $0xb8;
	[tilespmem:$0x1E800] =	vst v63  }
0xb3: {  	s29 =	sadd.s32 $0x80, s29;
	_ =	swait.ge [sflag:s31], $0x4000  }
0xb4: {  	s0 =	sand.u32 $0x1, s0;
	s28 =	sadd.s32 $0x80, s28;
	[sflag:s31] =	ssyncset.done $0x0  }
0xb5: {  	p1 =	seq.s32 s0, $0x1;
	[sflag:s31] =	ssyncadd.s32 $0xFFFFC000  }
0xb6: {  	s0 =	simm.s32 @p1 $0x80;
	s10 =	simm.s32 @p1 $0x2800;
	s11 =	simm.s32 @p1 $0x2  }
0xb7: {  	[tilespmem:s10], [sflag:$0x1] =	stream.indirect.gather @p1 [hbm4b:s4+s0], $0x80, s29, s0, $0xb8;
	[tilespmem:$0x1E800] =	vst v63  }
0xb8: {  	_ =	swait.ge @p1 [sflag:s11], $0x4000  }
0xb9: {  	[sflag:s11] =	ssyncset.done @p1 $0x0  }
0xba: {  	s10 =	simm.s32 @p1 $0x6800;
	[sflag:s11] =	ssyncadd.s32 @p1 $0xFFFFC000  }
0xbb: {  	[spmem:s1] =	stream.indirect.scatter.add.f32 @p1 [tilespmem:s10], [sflag:$0x3], $0x80, s28, s0, $0xb8;
	[tilespmem:$0x1E800] =	vst v63  }
0xbc: {  	s11 =	simm.s32 @!p1 $0x1;
	s0 =	simm.s32 @!p1 $0x80;
	s10 =	simm.s32 @!p1 $0x6800  }
0xbd: {  	[tilespmem:s10], [sflag:$0x2] =	stream.indirect.gather @!p1 [hbm4b:s4+s0], $0x80, s29, s0, $0xb8;
	[tilespmem:$0x1E800] =	vst v63  }
0xbe: {  	s10 =	simm.s32 @!p1 $0x4;
	_ =	swait.ge @!p1 [sflag:s11], $0x4000  }
0xbf: {  	s10 =	simm.s32 @p1 $0x3;
	[sflag:s11] =	ssyncset.done @!p1 $0x0  }
.Ltmp6:
0xc0: {  	[sflag:s11] =	ssyncadd.s32 @!p1 $0xFFFFC000;
	s11 =	simm.s32 @!p1 $0x2800;
	(pc) =	sbr.rel .LBB2_14-.Ltmp6, $4  }
0xc1: {  	[spmem:s1] =	stream.indirect.scatter.add.f32 @!p1 [tilespmem:s11], [sflag:$0x4], $0x80, s28, s0, $0xb8;
	[tilespmem:$0x1E800] =	vst v63  }
0xc2: {  	_ =	swait.ge [sflag:s10], $0x4000  }
0xc3: {  	[sflag:s10] =	ssyncset.done $0x0  }
0xc4: {  	[sflag:s10] =	ssyncadd.s32 $0xFFFFC000  }
.LBB2_4:
0xc5: {  	s10 =	rddreg [dreg:$0x3]  }
0xc6: {  	[tilespmem:s0], [sflag:$0x3] =	stream.linear.gather [hbm4b:s10+s0], $0x1400, $0x38;
	[tilespmem:$0x1E800] =	vst v63  }
0xc7: {  	_ =	swait.ge [sflag:s21], $0x1400  }
0xc8: {  	[sflag:s21] =	ssyncset.done $0x0  }
0xc9: {  	s28 =	simm.s32 $0x1400;
	s11 =	rddreg [dreg:$0x4];
	[sflag:s21] =	ssyncadd.s32 $0xFFFFEC00  }
0xca: {  	[tilespmem:s28], [sflag:$0x3] =	stream.linear.gather [hbm4b:s11+s0], $0x1400, $0x38;
	[tilespmem:$0x1E800] =	vst v63  }
0xcb: {  	_ =	swait.ge [sflag:s21], $0x1400  }
0xcc: {  	s25 =	sand.u32 $0x1, s0;
	[sflag:s21] =	ssyncset.done $0x0  }
0xcd: {  	s29 =	simm.s32 $0x80;
	p1 =	seq.s32 s25, $0x1;
	[sflag:s21] =	ssyncadd.s32 $0xFFFFEC00  }
0xce: {  	[tilespmem:s20], [sflag:$0x1] =	stream.indirect.gather [hbm4b:s4+s29], $0x80, s0, s29, $0xb8;
	[tilespmem:$0x1E800] =	vst v63  }
0xcf: {  	s30 =	simm.s32 @p1 $0x2800;
	s31 =	simm.s32 @p1 $0x2;
	s0 =	simm.s32 @p1 $0x80  }
0xd0: {  	[tilespmem:s30], [sflag:$0x1] =	stream.indirect.gather @p1 [hbm4b:s4+s0], $0x80, s29, s0, $0xb8;
	[tilespmem:$0x1E800] =	vst v63  }
0xd1: {  	_ =	swait.ge @p1 [sflag:s31], $0x4000  }
0xd2: {  	[sflag:s31] =	ssyncset.done @p1 $0x0  }
0xd3: {  	s30 =	simm.s32 @p1 $0x6800;
	[sflag:s31] =	ssyncadd.s32 @p1 $0xFFFFC000  }
0xd4: {  	[spmem:s1] =	stream.indirect.scatter.add.f32 @p1 [tilespmem:s30], [sflag:$0x3], $0x80, s28, s0, $0xb8;
	[tilespmem:$0x1E800] =	vst v63  }
0xd5: {  	s10 =	simm.s32 @!p1 $0x1;
	s0 =	simm.s32 @!p1 $0x80;
	s30 =	simm.s32 @!p1 $0x6800  }
0xd6: {  	[tilespmem:s30], [sflag:$0x2] =	stream.indirect.gather @!p1 [hbm4b:s4+s0], $0x80, s29, s0, $0xb8;
	[tilespmem:$0x1E800] =	vst v63  }
0xd7: {  	_ =	swait.ge @!p1 [sflag:s10], $0x4000  }
0xd8: {  	s25 =	simm.s32 $0x1;
	s31 =	simm.s32 @!p1 $0x4;
	[sflag:s10] =	ssyncset.done @!p1 $0x0  }
0xd9: {  	s31 =	simm.s32 @p1 $0x3;
	[sflag:s10] =	ssyncadd.s32 @!p1 $0xFFFFC000;
	s10 =	simm.s32 @!p1 $0x2800  }
0xda: {  	[spmem:s1] =	stream.indirect.scatter.add.f32 @!p1 [tilespmem:s10], [sflag:$0x4], $0x80, s28, s0, $0xb8;
	[tilespmem:$0x1E800] =	vst v63  }
0xdb: {  	s30 =	simm.s32 $0x2;
	s29 =	simm.s32 $0x100;
	_ =	swait.ge [sflag:s31], $0x4000  }
0xdc: {  	s0 =	sand.u32 $0x1, s25;
	s28 =	simm.s32 $0x1480;
	[sflag:s31] =	ssyncset.done $0x0  }
.LBB2_5:
0xdd: {  	p1 =	seq.s32 s0, $0x1  }
0xde: {  	[sflag:s31] =	ssyncadd.s32 $0xFFFFC000;
	s0 =	smov.u32 s30;
	s30 =	sadd.s32 $0x1, s30  }
0xdf: {  	s10 =	simm.s32 @p1 $0x80;
	s25 =	simm.s32 @p1 $0x2800;
	s11 =	simm.s32 @p1 $0x2  }
0xe0: {  	[tilespmem:s25], [sflag:$0x1] =	stream.indirect.gather @p1 [hbm4b:s4+s10], $0x80, s29, s10, $0xb8;
	[tilespmem:$0x1E800] =	vst v63  }
0xe1: {  	p2 =	sne.s32 s30, $0x27;
	s31 =	simm.s32 @!p1 $0x4;
	_ =	swait.ge @p1 [sflag:s11], $0x4000  }
0xe2: {  	[sflag:s11] =	ssyncset.done @p1 $0x0  }
0xe3: {  	[sflag:s11] =	ssyncadd.s32 @p1 $0xFFFFC000;
	s11 =	simm.s32 @p1 $0x6800  }
0xe4: {  	[spmem:s1] =	stream.indirect.scatter.add.f32 @p1 [tilespmem:s11], [sflag:$0x3], $0x80, s28, s10, $0xb8;
	[tilespmem:$0x1E800] =	vst v63  }
0xe5: {  	s25 =	simm.s32 @!p1 $0x1;
	s10 =	simm.s32 @!p1 $0x80;
	s11 =	simm.s32 @!p1 $0x6800  }
0xe6: {  	[tilespmem:s11], [sflag:$0x2] =	stream.indirect.gather @!p1 [hbm4b:s4+s10], $0x80, s29, s10, $0xb8;
	[tilespmem:$0x1E800] =	vst v63  }
0xe7: {  	_ =	swait.ge @!p1 [sflag:s25], $0x4000  }
.Ltmp7:
0xe8: {  	[sflag:s25] =	ssyncset.done @!p1 $0x0;
	(pc) =	sbr.rel @p2 .LBB2_5-.Ltmp7, $4  }
0xe9: {  	s31 =	simm.s32 @p1 $0x3;
	s11 =	simm.s32 @!p1 $0x2800;
	[sflag:s25] =	ssyncadd.s32 @!p1 $0xFFFFC000  }
0xea: {  	[spmem:s1] =	stream.indirect.scatter.add.f32 @!p1 [tilespmem:s11], [sflag:$0x4], $0x80, s28, s10, $0xb8;
	[tilespmem:$0x1E800] =	vst v63  }
0xeb: {  	s29 =	sadd.s32 $0x80, s29;
	_ =	swait.ge [sflag:s31], $0x4000  }
0xec: {  	s0 =	sand.u32 $0x1, s0;
	s28 =	sadd.s32 $0x80, s28;
	[sflag:s31] =	ssyncset.done $0x0  }
0xed: {  	p1 =	seq.s32 s0, $0x1;
	[sflag:s31] =	ssyncadd.s32 $0xFFFFC000  }
0xee: {  	s0 =	simm.s32 @p1 $0x80;
	s10 =	simm.s32 @p1 $0x2800;
	s11 =	simm.s32 @p1 $0x2  }
0xef: {  	[tilespmem:s10], [sflag:$0x1] =	stream.indirect.gather @p1 [hbm4b:s4+s0], $0x80, s29, s0, $0xb8;
	[tilespmem:$0x1E800] =	vst v63  }
0xf0: {  	_ =	swait.ge @p1 [sflag:s11], $0x4000  }
0xf1: {  	[sflag:s11] =	ssyncset.done @p1 $0x0  }
0xf2: {  	s10 =	simm.s32 @p1 $0x6800;
	[sflag:s11] =	ssyncadd.s32 @p1 $0xFFFFC000  }
0xf3: {  	[spmem:s1] =	stream.indirect.scatter.add.f32 @p1 [tilespmem:s10], [sflag:$0x3], $0x80, s28, s0, $0xb8;
	[tilespmem:$0x1E800] =	vst v63  }
0xf4: {  	s11 =	simm.s32 @!p1 $0x1;
	s0 =	simm.s32 @!p1 $0x80;
	s10 =	simm.s32 @!p1 $0x6800  }
0xf5: {  	[tilespmem:s10], [sflag:$0x2] =	stream.indirect.gather @!p1 [hbm4b:s4+s0], $0x80, s29, s0, $0xb8;
	[tilespmem:$0x1E800] =	vst v63  }
0xf6: {  	_ =	swait.ge @!p1 [sflag:s11], $0x4000  }
0xf7: {  	s10 =	simm.s32 @!p1 $0x4;
	[sflag:s11] =	ssyncset.done @!p1 $0x0  }
0xf8: {  	s10 =	simm.s32 @p1 $0x3;
	[sflag:s11] =	ssyncadd.s32 @!p1 $0xFFFFC000;
	s11 =	simm.s32 @!p1 $0x2800  }
0xf9: {  	[spmem:s1] =	stream.indirect.scatter.add.f32 @!p1 [tilespmem:s11], [sflag:$0x4], $0x80, s28, s0, $0xb8;
	[tilespmem:$0x1E800] =	vst v63  }
0xfa: {  	_ =	swait.ge [sflag:s10], $0x4000  }
0xfb: {  	[sflag:s10] =	ssyncset.done $0x0  }
0xfc: {  	[sflag:s10] =	ssyncadd.s32 $0xFFFFC000  }
0xfd: {  	_ =	swait.ge [sflag:s22], $0x4000  }
0xfe: {  	[sflag:s22] =	ssyncset.done $0x0  }
0xff: {  	s0 =	simm.s32 $0x80;
	[sflag:s22] =	ssyncadd.s32 $0xFFFFC000  }
0x100: {  	[spmem:s1] =	stream.indirect.scatter.add.f32 [tilespmem:s24], [sflag:$0x3], $0x80, s23, s0, $0xb8;
	[tilespmem:$0x1E800] =	vst v63  }
0x101: {  	_ =	swait.ge [sflag:s21], $0x4000  }
0x102: {  	[sflag:s21] =	ssyncset.done $0x0  }
0x103: {  	s25 =	simm.s32 $0x0;
	[sflag:s21] =	ssyncadd.s32 $0xFFFFC000  }
0x104: {  	[tilespmem:s25], [sflag:$0x3] =	stream.linear.gather [hbm4b:s12+s25], $0x1400, $0x38;
	[tilespmem:$0x1E800] =	vst v63  }
0x105: {  	_ =	swait.ge [sflag:s21], $0x1400  }
0x106: {  	[sflag:s21] =	ssyncset.done $0x0  }
0x107: {  	s11 =	simm.s32 $0x1400;
	[sflag:s21] =	ssyncadd.s32 $0xFFFFEC00  }
0x108: {  	[tilespmem:s11], [sflag:$0x3] =	stream.linear.gather [hbm4b:s13+s25], $0x1400, $0x38;
	[tilespmem:$0x1E800] =	vst v63  }
0x109: {  	_ =	swait.ge [sflag:s21], $0x1400  }
0x10a: {  	s10 =	sand.u32 $0x1, s25;
	[sflag:s21] =	ssyncset.done $0x0  }
0x10b: {  	p1 =	seq.s32 s10, $0x1;
	[sflag:s21] =	ssyncadd.s32 $0xFFFFEC00  }
0x10c: {  	[tilespmem:s20], [sflag:$0x1] =	stream.indirect.gather [hbm4b:s4+s0], $0x80, s25, s0, $0xb8;
	[tilespmem:$0x1E800] =	vst v63  }
0x10d: {  	s10 =	simm.s32 @p1 $0x80;
	s28 =	simm.s32 @p1 $0x2;
	s25 =	simm.s32 @p1 $0x2800  }
0x10e: {  	[tilespmem:s25], [sflag:$0x1] =	stream.indirect.gather @p1 [hbm4b:s4+s10], $0x80, s0, s10, $0xb8;
	[tilespmem:$0x1E800] =	vst v63  }
0x10f: {  	_ =	swait.ge @p1 [sflag:s28], $0x4000  }
0x110: {  	[sflag:s28] =	ssyncset.done @p1 $0x0  }
0x111: {  	s25 =	simm.s32 @p1 $0x6800;
	[sflag:s28] =	ssyncadd.s32 @p1 $0xFFFFC000  }
0x112: {  	[spmem:s1] =	stream.indirect.scatter.add.f32 @p1 [tilespmem:s25], [sflag:$0x3], $0x80, s11, s10, $0xb8;
	[tilespmem:$0x1E800] =	vst v63  }
0x113: {  	s28 =	simm.s32 @!p1 $0x1;
	s10 =	simm.s32 @!p1 $0x80;
	s25 =	simm.s32 @!p1 $0x6800  }
0x114: {  	[tilespmem:s25], [sflag:$0x2] =	stream.indirect.gather @!p1 [hbm4b:s4+s10], $0x80, s0, s10, $0xb8;
	[tilespmem:$0x1E800] =	vst v63  }
0x115: {  	_ =	swait.ge @!p1 [sflag:s28], $0x4000  }
0x116: {  	s30 =	simm.s32 $0x2;
	s31 =	simm.s32 @!p1 $0x4;
	[sflag:s28] =	ssyncset.done @!p1 $0x0  }
0x117: {  	s31 =	simm.s32 @p1 $0x3;
	s25 =	simm.s32 @!p1 $0x2800;
	[sflag:s28] =	ssyncadd.s32 @!p1 $0xFFFFC000  }
0x118: {  	[spmem:s1] =	stream.indirect.scatter.add.f32 @!p1 [tilespmem:s25], [sflag:$0x4], $0x80, s11, s10, $0xb8;
	[tilespmem:$0x1E800] =	vst v63  }
0x119: {  	s29 =	simm.s32 $0x100;
	s0 =	simm.s32 $0x1;
	_ =	swait.ge [sflag:s31], $0x4000  }
0x11a: {  	s0 =	sand.u32 $0x1, s0;
	s28 =	simm.s32 $0x1480;
	[sflag:s31] =	ssyncset.done $0x0  }
.LBB2_7:
0x11b: {  	p1 =	seq.s32 s0, $0x1  }
0x11c: {  	[sflag:s31] =	ssyncadd.s32 $0xFFFFC000;
	s0 =	smov.u32 s30;
	s30 =	sadd.s32 $0x1, s30  }
0x11d: {  	s10 =	simm.s32 @p1 $0x80;
	s11 =	simm.s32 @p1 $0x2800;
	s25 =	simm.s32 @p1 $0x2  }
0x11e: {  	[tilespmem:s11], [sflag:$0x1] =	stream.indirect.gather @p1 [hbm4b:s4+s10], $0x80, s29, s10, $0xb8;
	[tilespmem:$0x1E800] =	vst v63  }
0x11f: {  	p2 =	seq.s32 s30, $0x27;
	s31 =	simm.s32 @!p1 $0x4;
	_ =	swait.ge @p1 [sflag:s25], $0x4000  }
0x120: {  	[sflag:s25] =	ssyncset.done @p1 $0x0  }
0x121: {  	s11 =	simm.s32 @p1 $0x6800;
	[sflag:s25] =	ssyncadd.s32 @p1 $0xFFFFC000  }
0x122: {  	[spmem:s1] =	stream.indirect.scatter.add.f32 @p1 [tilespmem:s11], [sflag:$0x3], $0x80, s28, s10, $0xb8;
	[tilespmem:$0x1E800] =	vst v63  }
0x123: {  	s25 =	simm.s32 @!p1 $0x1;
	s10 =	simm.s32 @!p1 $0x80;
	s11 =	simm.s32 @!p1 $0x6800  }
0x124: {  	[tilespmem:s11], [sflag:$0x2] =	stream.indirect.gather @!p1 [hbm4b:s4+s10], $0x80, s29, s10, $0xb8;
	[tilespmem:$0x1E800] =	vst v63  }
0x125: {  	_ =	swait.ge @!p1 [sflag:s25], $0x4000  }
.Ltmp8:
0x126: {  	[sflag:s25] =	ssyncset.done @!p1 $0x0;
	(pc) =	sbr.rel @!p2 .LBB2_7-.Ltmp8, $4  }
0x127: {  	s31 =	simm.s32 @p1 $0x3;
	s11 =	simm.s32 @!p1 $0x2800;
	[sflag:s25] =	ssyncadd.s32 @!p1 $0xFFFFC000  }
0x128: {  	[spmem:s1] =	stream.indirect.scatter.add.f32 @!p1 [tilespmem:s11], [sflag:$0x4], $0x80, s28, s10, $0xb8;
	[tilespmem:$0x1E800] =	vst v63  }
0x129: {  	s29 =	sadd.s32 $0x80, s29;
	_ =	swait.ge [sflag:s31], $0x4000  }
0x12a: {  	s0 =	sand.u32 $0x1, s0;
	s28 =	sadd.s32 $0x80, s28;
	[sflag:s31] =	ssyncset.done $0x0  }
.Ltmp9:
0x12b: {  	_ = 	snop;
	(pc) =	sbr.rel .LBB2_8-.Ltmp9, $1  }
0x12c: {  	_ =	sdelay $0x3  }
.LBB2_15:
0x12d: {  	_ =	sfence.sel $0x180000  }
0x12e: {  	[bflag:$0x0] =	sbarrier.arrive $0xFFFF  }
0x12f: {  	_ =	strace $0x90000047  }
0x130: {  	[bflag:$0x2] =	sbarrier.arrive $0xFFFF  }
0x131: {  	p0 =	sne.s32 s2, $0x0;
	s0 =	rddreg [dreg:$0x2]  }
0x132: {  	s0 =	sadd.s32 @!p0 $0x100000, s0  }
0x133: {  	[sflag:s0] =	ssyncadd.tile.s32 @!p0 $0x1;
	_ =	shalt  }
.Lfunc_end2:
_tile_overlayer_lowered:
.L_overlay_start_2:
0x134: {  	(tag) =	ssettag $0x2  }
0x135: {  	s0 =	rddreg [dreg:$0x0];
	s2 =	stileid.u32  }
0x136: {  	s1 =	rddreg [dreg:$0x1];
	p0 =	sne.s32 s2, $0x0  }
0x137: {  	s3 =	rddreg [dreg:$0x2];
	[bflag:$0x3] =	sbarrier.arrive $0xFFFF;
	s2 =	simm.s32 @!p0 $0x1C03  }
0x138: {  	[timem:s3], [sflag:s2] =	dma.local @!p0 [hbm:s0], s1  }
0x139: {  	s0 =	simm.s32 @!p0 $0x3  }
0x13a: {  	_ =	swait.ge @!p0 [sflag:s0], s1  }
0x13b: {  	s1 =	ssub.s32 @!p0 $0x0, s1;
	[sflag:s0] =	ssyncset.done @!p0 $0x0  }
0x13c: {  	[sflag:s0] =	ssyncadd.s32 @!p0 s1  }
0x13d: {  	[bflag:$0x3] =	sbarrier.arrive $0xFFFF  }
0x13e: {  	_ =	shalt  }

// kernel: kernel.9.cloned.1.call-start
scs
__scs_entry_jumppad:
0x0: {  	(pc) =	sbr.rel $0x88, $3  }
0x1: {  	(tag) =	ssettag $0x0;
	lr =	simm.s32 $0x1  }
0x2: {  	[smem:$0x3F92] =	sst lr;
	_ =	strace $0xD0000000  }
0x3: {  	_ = 	snop  }
0x4: {  	_ = 	snop  }
0x5: {  	_ = 	snop  }
0x6: {  	_ = 	snop  }
0x7: {  	_ = 	snop  }
__scs_overlays_trampoline_lowered:
0x8: {  	[smem:$0x3FA1] =	sst s0  }
0x9: {  	[smem:$0x3FA2] =	sst s1  }
0xa: {  	[smem:$0x3FA3] =	sst s2  }
0xb: {  	[smem:$0x3FA4] =	sst s3  }
0xc: {  	[smem:$0x3FA5] =	sst s4  }
0xd: {  	[smem:$0x3FA6] =	sst s5  }
0xe: {  	[smem:$0x3FA7] =	sst s6  }
0xf: {  	[smem:$0x3FA8] =	sst s7  }
0x10: {  	[smem:$0x3FA9] =	sst s8  }
0x11: {  	[smem:$0x3FAA] =	sst s9;
	s0 =	simm.s32 @!p0 $0x0  }
0x12: {  	s1 =	sld [smem:$0x3F90];
	s0 =	simm.s32 @p0 $0x1  }
0x13: {  	[smem:$0x3FAB] =	sst s0;
	s0 =	simm.s32 @!p1 $0x0  }
0x14: {  	s2 =	sld [smem:$0x3F8F];
	s0 =	simm.s32 @p1 $0x1  }
0x15: {  	[smem:$0x3FAC] =	sst s0;
	s0 =	simm.s32 @!p2 $0x0  }
0x16: {  	s3 =	sld [smem:$0x3FDB];
	s0 =	simm.s32 @p2 $0x1  }
0x17: {  	s4 =	simm.s32 $0x1BF5;
	[smem:$0x3FAE] =	sst s0  }
0x18: {  	s0 =	sld [smem:$0x3F91];
	_ =	swait.ge [sflag:s4], $0x0  }
0x19: {  	s7 =	sld [smem:$0x3F92]  }
0x1a: {  	s8 =	sadd.s32 $0xFFFFE003, lr  }
0x1b: {  	s9 =	sadd.s32 $0xFFFFFEF7, lr;
	s5 =	simm.s32 $0xFFFFFFFF;
	p2 =	slt.u32 s8, $0xFFFFF086  }
0x1c: {  	p1 =	slt.u32 s9, $0xF7A;
	s5 =	simm.s32 @!p2 $0x0  }
0x1d: {  	s5 =	simm.s32 @p1 $0x1;
	p0 =	seq.s32 s7, s2  }
0x1e: {  	s7 =	smul.u32 @!p0 $0xF7A, s2;
	p2 =	seq.s32 @!p0 s5, $0x0  }
0x1f: {  	s9 =	smul.u32 $0xF7A, s1;
	s8 =	simm.s32 @!p0 $0x1BF5;
	p2 =	por !p2, p0  }
0x20: {  	[sflag:s8] =	ssyncset.s32 @!p0 $0xFFFFF086;
	s6 =	sadd.s32 @!p0 s3, s7;
	s7 =	simm.s32 @!p0 $0x108  }
0x21: {  	s3 =	sadd.s32 s3, s9;
	s6 =	sadd.s32 @!p0 $0x88, s6;
	s7 =	simm.s32 @p2 $0x1082  }
0x22: {  	[simem:s7], [sflag:s8] =	dma.local @!p0 [hbm:s6], $0xF7A  }
0x23: {  	s9 =	sor.u32 $0xD0000000, s2;
	s6 =	simm.s32 $0x108;
	_ =	swait.ge @!p0 [sflag:s8], $0x0  }
0x24: {  	s3 =	sadd.s32 $0x88, s3;
	s6 =	simm.s32 @!p1 $0x1082;
	[sflag:s4] =	ssyncset.s32 $0xFFFFF086  }
0x25: {  	[simem:s6], [sflag:s4] =	dma.local [hbm:s3], $0xF7A  }
0x26: {  	[smem:$0x3F92] =	sst s1;
	(tag) =	ssettag s2;
	_ =	strace s9  }
0x27: {  	s1 =	sld [smem:$0x3FA2]  }
0x28: {  	s2 =	sld [smem:$0x3FA3]  }
0x29: {  	s4 =	sld [smem:$0x3FA5]  }
0x2a: {  	p0 =	seq.s32 s5, $0x0;
	s5 =	sld [smem:$0x3FA6]  }
0x2b: {  	s6 =	sld [smem:$0x3FA7]  }
0x2c: {  	s7 =	sld [smem:$0x3FA8]  }
0x2d: {  	s3 =	simm.s32 $0x108;
	s8 =	sld [smem:$0x3FA9]  }
0x2e: {  	s3 =	simm.s32 @!p0 $0x1082;
	s9 =	sld [smem:$0x3FAA]  }
0x2f: {  	lr =	sadd.s32 s0, s3;
	s0 =	sld [smem:$0x3FA1]  }
0x30: {  	s3 =	sld [smem:$0x3FA4]  }
0x31: {  	[smem:$0x3FAD] =	sst s10  }
0x32: {  	s10 =	sld [smem:$0x3FAB];
	_ =	sdelay $0x3  }
0x33: {  	p0 =	seq.s32 s10, $0x1;
	s10 =	sld [smem:$0x3FAD];
	_ =	sdelay $0x3  }
0x34: {  	[smem:$0x3FAD] =	sst s10  }
0x35: {  	s10 =	sld [smem:$0x3FAC];
	_ =	sdelay $0x3  }
0x36: {  	p1 =	seq.s32 s10, $0x1;
	s10 =	sld [smem:$0x3FAD];
	_ =	sdelay $0x3  }
0x37: {  	[smem:$0x3FAD] =	sst s10  }
0x38: {  	s10 =	sld [smem:$0x3FAE]  }
0x39: {  	_ = 	snop;
	(pc) =	sbr.ind lr, $3  }
0x3a: {  	_ = 	snop  }
0x3b: {  	_ = 	snop  }
0x3c: {  	p2 =	seq.s32 s10, $0x1;
	s10 =	sld [smem:$0x3FAD]  }
0x3d: {  	_ =	shalt  }
0x3e: {  	_ =	shalt  }
0x3f: {  	_ =	shalt  }
0x40: {  	_ =	shalt  }
0x41: {  	_ =	shalt  }
0x42: {  	_ =	shalt  }
0x43: {  	_ =	shalt  }
0x44: {  	_ =	shalt  }
0x45: {  	_ =	shalt  }
0x46: {  	_ =	shalt  }
0x47: {  	_ =	shalt  }
0x48: {  	_ =	shalt  }
0x49: {  	_ =	shalt  }
0x4a: {  	_ =	shalt  }
0x4b: {  	_ =	shalt  }
0x4c: {  	_ =	shalt  }
0x4d: {  	_ =	shalt  }
0x4e: {  	_ =	shalt  }
0x4f: {  	_ =	shalt  }
0x50: {  	_ =	shalt  }
0x51: {  	_ =	shalt  }
0x52: {  	_ =	shalt  }
0x53: {  	_ =	shalt  }
0x54: {  	_ =	shalt  }
0x55: {  	_ =	shalt  }
0x56: {  	_ =	shalt  }
0x57: {  	_ =	shalt  }
0x58: {  	_ =	shalt  }
0x59: {  	_ =	shalt  }
0x5a: {  	_ =	shalt  }
0x5b: {  	_ =	shalt  }
0x5c: {  	_ =	shalt  }
0x5d: {  	_ =	shalt  }
0x5e: {  	_ =	shalt  }
0x5f: {  	_ =	shalt  }
0x60: {  	_ =	shalt  }
0x61: {  	_ =	shalt  }
0x62: {  	_ =	shalt  }
0x63: {  	_ =	shalt  }
0x64: {  	_ =	shalt  }
0x65: {  	_ =	shalt  }
0x66: {  	_ =	shalt  }
0x67: {  	_ =	shalt  }
0x68: {  	_ =	shalt  }
0x69: {  	_ =	shalt  }
0x6a: {  	_ =	shalt  }
0x6b: {  	_ =	shalt  }
0x6c: {  	_ =	shalt  }
0x6d: {  	_ =	shalt  }
0x6e: {  	_ =	shalt  }
0x6f: {  	_ =	shalt  }
0x70: {  	_ =	shalt  }
0x71: {  	_ =	shalt  }
0x72: {  	_ =	shalt  }
0x73: {  	_ =	shalt  }
0x74: {  	_ =	shalt  }
0x75: {  	_ =	shalt  }
0x76: {  	_ =	shalt  }
0x77: {  	_ =	shalt  }
0x78: {  	_ =	shalt  }
0x79: {  	_ =	shalt  }
0x7a: {  	_ =	shalt  }
0x7b: {  	_ =	shalt  }
0x7c: {  	_ =	shalt  }
0x7d: {  	_ =	shalt  }
0x7e: {  	_ =	shalt  }
0x7f: {  	_ =	shalt  }
0x80: {  	_ =	shalt  }
0x81: {  	_ =	shalt  }
0x82: {  	_ =	shalt  }
0x83: {  	_ =	shalt  }
0x84: {  	_ =	shalt  }
0x85: {  	_ =	shalt  }
0x86: {  	_ =	shalt  }
0x87: {  	_ =	shalt  }
.Lfunc_end0:
.L_simem_size_0:
called_computation.1_lowered:
.L_overlay_start_0:
0x88: {  	s2 =	sld [smem:$0x3FD9]  }
0x89: {  	s3 =	sld [smem:$0x3FFE];
	_ =	sdelay $0x1  }
0x8a: {  	s1 =	srdreg.scid  }
0x8b: {  	s0 =	sand.u32 $0x1, s1  }
0x8c: {  	s16 =	sshll.u32 s0, $0xA;
	s2 =	sadd.s32 s3, s2  }
0x8d: {  	s2 =	sadd.s32 s2, s16  }
0x8e: {  	[smem:$0x3FB9] =	sst s2  }
0x8f: {  	_ = 	snop  }
0x90: {  	(tm) =	ssettm $0x1  }
0x91: {  	s17 =	sld [smem:$0x3FFB];
	_ =	sdelay $0x3  }
0x92: {  	_ =	strace s17  }
0x93: {  	s2 =	sld [smem:$0x3FFC];
	_ =	sdelay $0x3  }
0x94: {  	_ =	strace s2  }
0x95: {  	s2 =	sld [smem:$0x3FFD];
	_ =	sdelay $0x3  }
0x96: {  	_ =	strace s2  }
0x97: {  	_ =	strace $0x8FFFFFFF  }
0x98: {  	s18 =	sld [smem:$0x3FDB];
	_ =	sdelay $0x1  }
0x99: {  	s19 =	simm.s32 $_scs_section_size  }
0x9a: {  	s4 =	simm.s32 $_size__tile_overlayer_lowered;
	s5 =	simm.s32 $_tile_overlayer_lowered  }
0x9b: {  	s22 =	simm.s32 $0x1BFF;
	s21 =	sshll.u32 s5, $0x1;
	s2 =	sadd.s32 s19, s18  }
0x9c: {  	s6 =	simm.s32 $0x0;
	s20 =	sshll.u32 s4, $0x1;
	s4 =	sadd.s32 s21, s2  }
0x9d: {  	[timem:s6], [sflag:s22] =	dma.local [hbm:s4], s20  }
0x9e: {  	_ =	swait.ge [sflag:s22], s20  }
0x9f: {  	s3 =	ssub.s32 $0x0, s20;
	[sflag:s22] =	ssyncset.done $0x0  }
0xa0: {  	[sflag:s22] =	ssyncadd.s32 s3;
	_ =	sdelay $0x1  }
0xa1: {  	s23 =	simm.s32 $0x1B8B  }
0xa2: {  	_ =	swait.ge [sflag:s23], $0x1  }
0xa3: {  	[sflag:s23] =	ssyncset.done $0x0  }
0xa4: {  	s25 =	simm.s32 $0x1B8E;
	s24 =	sld [smem:$0x3FFE];
	[sflag:s23] =	ssyncadd.s32 $0xFFFFFFFF  }
0xa5: {  	s26 =	simm.s32 $execute0_lowered;
	[smem:$0x3FD2] =	sst s25  }
0xa6: {  	s4 =	sshll.u32 s26, $0x1;
	_ =	strace $0x80000049;
	[dreg:$0x1] =	wrdreg $0xFFFFFFFF  }
0xa7: {  	s28 =	simm.s32 $_size_execute0_lowered;
	s2 =	sadd.s32 s2, s4;
	[dreg:$0x0] =	wrdreg $0x0  }
0xa8: {  	s4 =	sshll.u32 s28, $0x1;
	[dreg:$0x2] =	wrdreg s2  }
0xa9: {  	[dreg:$0x3] =	wrdreg s4  }
0xaa: {  	[dreg:$0x4] =	wrdreg $0xC0  }
0xab: {  	_ =	task [dreg:s6], $0x5FFFF  }
0xac: {  	[dreg:$0x1] =	wrdreg $0xFFFFFFFF  }
0xad: {  	[dreg:$0x0] =	wrdreg $0x60  }
0xae: {  	[dreg:$0x2] =	wrdreg s24  }
0xaf: {  	[dreg:$0x3] =	wrdreg $0xA8000  }
0xb0: {  	[dreg:$0x4] =	wrdreg $0x9  }
0xb1: {  	_ =	task.clear_ibuf [dreg:s6], $0x5FFFF;
	_ =	strace $0x90000049  }
0xb2: {  	s29 =	simm.s32 $0x9;
	_ =	strace $0x8000004B  }
0xb3: {  	_ =	swait.ge [sflag:s29], $0x1  }
0xb4: {  	[sflag:s29] =	ssyncadd.s32 $0xFFFFFFFF  }
0xb5: {  	_ =	strace $0x9000004B  }
0xb6: {  	_ =	sfence  }
0xb7: {  	s30 =	sld [smem:$0x0];
	_ =	sdelay $0x2  }
0xb8: {  	s31 =	sshll.u32 s1, $0xD;
	s1 =	sshrl.u32 s1, $0x2  }
0xb9: {  	s3 =	sand.u32 $0x4000, s31;
	s1 =	sadd.s32 s1, s30  }
0xba: {  	s0 =	sor.u32 s3, s0;
	s1 =	sshll.u32 s1, $0x11  }
0xbb: {  	s0 =	sor.u32 s1, s0  }
0xbc: {  	s0 =	sadd.s32 $0x8F2B, s0  }
0xbd: {  	[sflag:s0] =	ssyncadd.remote.s32 $0x1  }
0xbe: {  	_ =	sfence.sel $0xFFFF  }
0xbf: {  	[dreg:$0x0] =	wrdreg $0xFFFFFFFF;
	(pc) =	sbr.abs _section_cstart, $3  }
0xc0: {  	[dreg:$0x1] =	wrdreg $0xFFFFFFFF  }
0xc1: {  	_ =	task.clear_ibuf [dreg:s6], $0x2FFFF;
	_ =	strace $0x9FFFFFFF  }
0xc2: {  	(tm) =	ssettm $0x7FFFFFFF  }
0xc3: {  	_ =	shalt  }
tec
execute0_lowered:
.L_overlay_start_1:
0x0: {  	(tag) =	ssettag $0x1  }
0x1: {  	s0 =	rddreg [dreg:$0x0]  }
0x2: {  	s1 =	rddreg [dreg:$0x1];
	s2 =	srdreg.scid;
	s3 =	simm.s32 $0x0  }
0x3: {  	s21 =	simm.s32 $0x3;
	s22 =	simm.s32 $0x2;
	s10 =	sand.u32 $0x1, s2  }
0x4: {  	s23 =	simm.s32 $0x2780;
	s2 =	stileid.u32;
	s5 =	smul.u32 $0x140000, s10  }
0x5: {  	s24 =	simm.s32 $0x6800;
	s26 =	simm.s32 $0x0;
	s6 =	smul.u32 $0x14000, s2  }
0x6: {  	[smem:$0x7FF] =	sst s3;
	s4 =	sadd.s32 $0x2E00, s0;
	s28 =	smul.u32 $0x50000, s2  }
0x7: {  	s16 =	sadd.s32 $0x2AE00, s0;
	s17 =	sadd.s32 $0x34E00, s0;
	s11 =	smul.u32 $0x2800, s2  }
0x8: {  	_ =	strace $0x8000004A;
	s7 =	ssub.s32 $0x2, s10;
	s12 =	smul.u32 $0x500, s2  }
0x9: {  	p0 =	seq.s32 s10, $0x1;
	s29 =	sshrl.u32 s7, $0x1;
	s5 =	sadd.s32 s6, s5  }
0xa: {  	s6 =	sshrl.u32 s28, $0x2;
	s19 =	ssub.s32 s7, s29;
	s30 =	sadd.s32 s16, s12  }
0xb: {  	s15 =	sshrl.u32 s11, $0x3;
	s31 =	sadd.s32 s17, s12;
	[dreg:$0x3] =	wrdreg s30  }
0xc: {  	s5 =	sshrl.u32 s5, $0x3;
	s13 =	sadd.s32 $0x280, s15;
	[dreg:$0x4] =	wrdreg s31  }
0xd: {  	s18 =	sadd.s32 $0x5000, s15;
	s20 =	sadd.s32 $0x5280, s15;
	s19 =	smax.u32 s19, $0x1  }
.Ltmp0:
0xe: {  	s0 =	sadd.s32 s5, s0;
	s5 =	sadd.s32 s6, s1;
	(pc) =	sbr.rel .LBB2_1-.Ltmp0, $4  }
0xf: {  	s12 =	sadd.s32 s16, s13;
	s13 =	sadd.s32 s17, s13;
	s14 =	sadd.s32 s16, s18  }
0x10: {  	s15 =	sadd.s32 s17, s18;
	s16 =	sadd.s32 s16, s20;
	s17 =	sadd.s32 s17, s20  }
0x11: {  	s20 =	simm.s32 $0x2800;
	s6 =	sadd.s32 $0x4000, s5;
	s7 =	sadd.s32 $0x8000, s5  }
0x12: {  	v0 =	vimm.f32 $0.0e+00;
	s8 =	sadd.s32 $0xC000, s5;
	s9 =	sadd.s32 $0x10000, s5;
	s18 =	sadd.s32 $0x3EE00, s0  }
.LBB2_8:
0x13: {  	p1 =	seq.s32 s0, $0x1;
	[sflag:s31] =	ssyncadd.s32 $0xFFFFC000  }
0x14: {  	s0 =	simm.s32 @p1 $0x80;
	s10 =	simm.s32 @p1 $0x2800;
	s11 =	simm.s32 @p1 $0x2  }
0x15: {  	[tilespmem:s10], [sflag:$0x1] =	stream.indirect.gather @p1 [hbm4b:s4+s0], $0x80, s29, s0, $0xb8;
	[tilespmem:$0x1E800] =	vst v63  }
0x16: {  	_ =	swait.ge @p1 [sflag:s11], $0x4000  }
0x17: {  	[sflag:s11] =	ssyncset.done @p1 $0x0  }
0x18: {  	s10 =	simm.s32 @p1 $0x6800;
	[sflag:s11] =	ssyncadd.s32 @p1 $0xFFFFC000  }
0x19: {  	[spmem:s1] =	stream.indirect.scatter.add.f32 @p1 [tilespmem:s10], [sflag:$0x3], $0x80, s28, s0, $0xb8;
	[tilespmem:$0x1E800] =	vst v63  }
0x1a: {  	s11 =	simm.s32 @!p1 $0x1;
	s0 =	simm.s32 @!p1 $0x80;
	s10 =	simm.s32 @!p1 $0x6800  }
0x1b: {  	[tilespmem:s10], [sflag:$0x2] =	stream.indirect.gather @!p1 [hbm4b:s4+s0], $0x80, s29, s0, $0xb8;
	[tilespmem:$0x1E800] =	vst v63  }
0x1c: {  	_ =	swait.ge @!p1 [sflag:s11], $0x4000  }
0x1d: {  	s10 =	simm.s32 @!p1 $0x4;
	[sflag:s11] =	ssyncset.done @!p1 $0x0  }
0x1e: {  	s10 =	simm.s32 @p1 $0x3;
	[sflag:s11] =	ssyncadd.s32 @!p1 $0xFFFFC000;
	s11 =	simm.s32 @!p1 $0x2800  }
0x1f: {  	[spmem:s1] =	stream.indirect.scatter.add.f32 @!p1 [tilespmem:s11], [sflag:$0x4], $0x80, s28, s0, $0xb8;
	[tilespmem:$0x1E800] =	vst v63  }
0x20: {  	_ =	swait.ge [sflag:s10], $0x4000  }
0x21: {  	[sflag:s10] =	ssyncset.done $0x0  }
0x22: {  	[sflag:s10] =	ssyncadd.s32 $0xFFFFC000  }
.LBB2_14:
0x23: {  	_ =	swait.ge [sflag:s22], $0x4000  }
0x24: {  	[sflag:s22] =	ssyncset.done $0x0  }
0x25: {  	s0 =	simm.s32 $0x80;
	[sflag:s22] =	ssyncadd.s32 $0xFFFFC000  }
0x26: {  	[spmem:s1] =	stream.indirect.scatter.add.f32 [tilespmem:s24], [sflag:$0x3], $0x80, s23, s0, $0xb8;
	[tilespmem:$0x1E800] =	vst v63  }
0x27: {  	_ =	swait.ge [sflag:s21], $0x4000  }
0x28: {  	s31 =	sshll.u32 s2, $0x6;
	s26 =	sadd.s32 $0x1, s26;
	[sflag:s21] =	ssyncset.done $0x0  }
0x29: {  	s10 =	sshrl.u32 s5, $0x3;
	p1 =	sne.s32 s26, s19;
	[sflag:s21] =	ssyncadd.s32 $0xFFFFC000  }
.Ltmp1:
0x2a: {  	s0 =	sor.u32 $0x1C03, s31;
	[bflag:$0x0] =	sbarrier.arrive $0xFFFF;
	(pc) =	sbr.rel @!p1 .LBB2_15-.Ltmp1, $4  }
0x2b: {  	[hbm:s18], [sflag:s0] =	dma.local [spmem:s10], $0x2800  }
0x2c: {  	_ =	swait.ge [sflag:s21], $0x2800  }
0x2d: {  	[sflag:s21] =	ssyncset.done $0x0  }
0x2e: {  	[sflag:s21] =	ssyncadd.s32 $0xFFFFD800  }
.LBB2_1:
0x2f: {  	s0 =	sand.u32 $0xFE00, s3  }
0x30: {  	s29 =	sand.u32 $0x70, s3;
	s0 =	sshrl.u32 s0, $0x2  }
0x31: {  	s28 =	simm.s32 $0x40;
	s0 =	sor.u32 s29, s0;
	s29 =	simm.s32 $0x0  }
.LBB2_2:
0x32: {  	p1 =	sne.s32 s28, $0xFFC0  }
0x33: {  	[tilespmem:s0+$0x2800] =	vst v0;
	s29 =	sadd.s32 $0x10, s29;
	s0 =	smov.u32 s28;
	s28 =	sadd.s32 $0x40, s28  }
.Ltmp2:
0x34: {  	(pc) =	sbr.rel @p1 .LBB2_2-.Ltmp2, $4  }
0x35: {  	_ = 	snop  }
0x36: {  	s0 =	sand.u32 $0xFE00, s0  }
0x37: {  	s30 =	sand.u32 $0x70, s29;
	s0 =	sshrl.u32 s0, $0x2  }
0x38: {  	s0 =	sor.u32 s30, s0  }
0x39: {  	[tilespmem:s0+$0x2800] =	vst v0  }
0x3a: {  	[spmem:s5] =	stream.linear.scatter [tilespmem:s20], [sflag:$0x3], $0x4000, $0x38;
	[tilespmem:$0x1E800] =	vst v63  }
0x3b: {  	_ =	swait.ge [sflag:s21], $0x4000  }
0x3c: {  	[sflag:s21] =	ssyncset.done $0x0  }
0x3d: {  	[sflag:s21] =	ssyncadd.s32 $0xFFFFC000  }
0x3e: {  	[spmem:s6] =	stream.linear.scatter [tilespmem:s20], [sflag:$0x3], $0x4000, $0x38;
	[tilespmem:$0x1E800] =	vst v63  }
0x3f: {  	_ =	swait.ge [sflag:s21], $0x4000  }
0x40: {  	[sflag:s21] =	ssyncset.done $0x0  }
0x41: {  	[sflag:s21] =	ssyncadd.s32 $0xFFFFC000  }
0x42: {  	[spmem:s7] =	stream.linear.scatter [tilespmem:s20], [sflag:$0x3], $0x4000, $0x38;
	[tilespmem:$0x1E800] =	vst v63  }
0x43: {  	_ =	swait.ge [sflag:s21], $0x4000  }
0x44: {  	[sflag:s21] =	ssyncset.done $0x0  }
0x45: {  	[sflag:s21] =	ssyncadd.s32 $0xFFFFC000  }
0x46: {  	[spmem:s8] =	stream.linear.scatter [tilespmem:s20], [sflag:$0x3], $0x4000, $0x38;
	[tilespmem:$0x1E800] =	vst v63  }
0x47: {  	_ =	swait.ge [sflag:s21], $0x4000  }
0x48: {  	[sflag:s21] =	ssyncset.done $0x0  }
0x49: {  	[sflag:s21] =	ssyncadd.s32 $0xFFFFC000  }
0x4a: {  	[spmem:s9] =	stream.linear.scatter [tilespmem:s20], [sflag:$0x3], $0x4000, $0x38;
	[tilespmem:$0x1E800] =	vst v63  }
.Ltmp3:
0x4b: {  	_ =	swait.ge [sflag:s21], $0x4000;
	(pc) =	sbr.rel @!p0 .LBB2_4-.Ltmp3, $4  }
0x4c: {  	[sflag:s21] =	ssyncset.done $0x0  }
0x4d: {  	[sflag:s21] =	ssyncadd.s32 $0xFFFFC000  }
0x4e: {  	[bflag:$0x0] =	sbarrier.arrive $0xFFFF  }
0x4f: {  	s0 =	simm.s32 $0x0  }
0x50: {  	[tilespmem:s0], [sflag:$0x3] =	stream.linear.gather [hbm4b:s14+s0], $0x1400, $0x38;
	[tilespmem:$0x1E800] =	vst v63  }
0x51: {  	_ =	swait.ge [sflag:s21], $0x1400  }
0x52: {  	[sflag:s21] =	ssyncset.done $0x0  }
0x53: {  	s10 =	simm.s32 $0x1400;
	[sflag:s21] =	ssyncadd.s32 $0xFFFFEC00  }
0x54: {  	[tilespmem:s10], [sflag:$0x3] =	stream.linear.gather [hbm4b:s15+s0], $0x1400, $0x38;
	[tilespmem:$0x1E800] =	vst v63  }
0x55: {  	_ =	swait.ge [sflag:s21], $0x1400  }
0x56: {  	s25 =	sand.u32 $0x1, s0;
	[sflag:s21] =	ssyncset.done $0x0  }
0x57: {  	s11 =	simm.s32 $0x80;
	p1 =	seq.s32 s25, $0x1;
	[sflag:s21] =	ssyncadd.s32 $0xFFFFEC00  }
0x58: {  	[tilespmem:s20], [sflag:$0x1] =	stream.indirect.gather [hbm4b:s4+s11], $0x80, s0, s11, $0xb8;
	[tilespmem:$0x1E800] =	vst v63  }
0x59: {  	s25 =	simm.s32 @p1 $0x2800;
	s28 =	simm.s32 @p1 $0x2;
	s0 =	simm.s32 @p1 $0x80  }
0x5a: {  	[tilespmem:s25], [sflag:$0x1] =	stream.indirect.gather @p1 [hbm4b:s4+s0], $0x80, s11, s0, $0xb8;
	[tilespmem:$0x1E800] =	vst v63  }
0x5b: {  	_ =	swait.ge @p1 [sflag:s28], $0x4000  }
0x5c: {  	[sflag:s28] =	ssyncset.done @p1 $0x0  }
0x5d: {  	s25 =	simm.s32 @p1 $0x6800;
	[sflag:s28] =	ssyncadd.s32 @p1 $0xFFFFC000  }
0x5e: {  	[spmem:s1] =	stream.indirect.scatter.add.f32 @p1 [tilespmem:s25], [sflag:$0x3], $0x80, s10, s0, $0xb8;
	[tilespmem:$0x1E800] =	vst v63  }
0x5f: {  	s28 =	simm.s32 @!p1 $0x1;
	s0 =	simm.s32 @!p1 $0x80;
	s25 =	simm.s32 @!p1 $0x6800  }
0x60: {  	[tilespmem:s25], [sflag:$0x2] =	stream.indirect.gather @!p1 [hbm4b:s4+s0], $0x80, s11, s0, $0xb8;
	[tilespmem:$0x1E800] =	vst v63  }
0x61: {  	_ =	swait.ge @!p1 [sflag:s28], $0x4000  }
0x62: {  	s30 =	simm.s32 $0x2;
	s31 =	simm.s32 @!p1 $0x4;
	[sflag:s28] =	ssyncset.done @!p1 $0x0  }
0x63: {  	s31 =	simm.s32 @p1 $0x3;
	s25 =	simm.s32 @!p1 $0x2800;
	[sflag:s28] =	ssyncadd.s32 @!p1 $0xFFFFC000  }
0x64: {  	[spmem:s1] =	stream.indirect.scatter.add.f32 @!p1 [tilespmem:s25], [sflag:$0x4], $0x80, s10, s0, $0xb8;
	[tilespmem:$0x1E800] =	vst v63  }
0x65: {  	s29 =	simm.s32 $0x100;
	s11 =	simm.s32 $0x1;
	_ =	swait.ge [sflag:s31], $0x4000  }
0x66: {  	s28 =	simm.s32 $0x1480;
	s0 =	sand.u32 $0x1, s11;
	[sflag:s31] =	ssyncset.done $0x0  }
.LBB2_10:
0x67: {  	p1 =	seq.s32 s0, $0x1  }
0x68: {  	[sflag:s31] =	ssyncadd.s32 $0xFFFFC000;
	s0 =	smov.u32 s30;
	s30 =	sadd.s32 $0x1, s30  }
0x69: {  	s10 =	simm.s32 @p1 $0x80;
	s11 =	simm.s32 @p1 $0x2800;
	s25 =	simm.s32 @p1 $0x2  }
0x6a: {  	[tilespmem:s11], [sflag:$0x1] =	stream.indirect.gather @p1 [hbm4b:s4+s10], $0x80, s29, s10, $0xb8;
	[tilespmem:$0x1E800] =	vst v63  }
0x6b: {  	p2 =	sne.s32 s30, $0x27;
	s31 =	simm.s32 @!p1 $0x4;
	_ =	swait.ge @p1 [sflag:s25], $0x4000  }
0x6c: {  	[sflag:s25] =	ssyncset.done @p1 $0x0  }
0x6d: {  	s11 =	simm.s32 @p1 $0x6800;
	[sflag:s25] =	ssyncadd.s32 @p1 $0xFFFFC000  }
0x6e: {  	[spmem:s1] =	stream.indirect.scatter.add.f32 @p1 [tilespmem:s11], [sflag:$0x3], $0x80, s28, s10, $0xb8;
	[tilespmem:$0x1E800] =	vst v63  }
0x6f: {  	s25 =	simm.s32 @!p1 $0x1;
	s10 =	simm.s32 @!p1 $0x80;
	s11 =	simm.s32 @!p1 $0x6800  }
0x70: {  	[tilespmem:s11], [sflag:$0x2] =	stream.indirect.gather @!p1 [hbm4b:s4+s10], $0x80, s29, s10, $0xb8;
	[tilespmem:$0x1E800] =	vst v63  }
0x71: {  	_ =	swait.ge @!p1 [sflag:s25], $0x4000  }
.Ltmp4:
0x72: {  	[sflag:s25] =	ssyncset.done @!p1 $0x0;
	(pc) =	sbr.rel @p2 .LBB2_10-.Ltmp4, $4  }
0x73: {  	s31 =	simm.s32 @p1 $0x3;
	s11 =	simm.s32 @!p1 $0x2800;
	[sflag:s25] =	ssyncadd.s32 @!p1 $0xFFFFC000  }
0x74: {  	[spmem:s1] =	stream.indirect.scatter.add.f32 @!p1 [tilespmem:s11], [sflag:$0x4], $0x80, s28, s10, $0xb8;
	[tilespmem:$0x1E800] =	vst v63  }
0x75: {  	s29 =	sadd.s32 $0x80, s29;
	_ =	swait.ge [sflag:s31], $0x4000  }
0x76: {  	s0 =	sand.u32 $0x1, s0;
	s28 =	sadd.s32 $0x80, s28;
	[sflag:s31] =	ssyncset.done $0x0  }
0x77: {  	p1 =	seq.s32 s0, $0x1;
	[sflag:s31] =	ssyncadd.s32 $0xFFFFC000  }
0x78: {  	s0 =	simm.s32 @p1 $0x80;
	s10 =	simm.s32 @p1 $0x2800;
	s11 =	simm.s32 @p1 $0x2  }
0x79: {  	[tilespmem:s10], [sflag:$0x1] =	stream.indirect.gather @p1 [hbm4b:s4+s0], $0x80, s29, s0, $0xb8;
	[tilespmem:$0x1E800] =	vst v63  }
0x7a: {  	_ =	swait.ge @p1 [sflag:s11], $0x4000  }
0x7b: {  	[sflag:s11] =	ssyncset.done @p1 $0x0  }
0x7c: {  	s10 =	simm.s32 @p1 $0x6800;
	[sflag:s11] =	ssyncadd.s32 @p1 $0xFFFFC000  }
0x7d: {  	[spmem:s1] =	stream.indirect.scatter.add.f32 @p1 [tilespmem:s10], [sflag:$0x3], $0x80, s28, s0, $0xb8;
	[tilespmem:$0x1E800] =	vst v63  }
0x7e: {  	s11 =	simm.s32 @!p1 $0x1;
	s0 =	simm.s32 @!p1 $0x80;
	s10 =	simm.s32 @!p1 $0x6800  }
0x7f: {  	[tilespmem:s10], [sflag:$0x2] =	stream.indirect.gather @!p1 [hbm4b:s4+s0], $0x80, s29, s0, $0xb8;
	[tilespmem:$0x1E800] =	vst v63  }
0x80: {  	_ =	swait.ge @!p1 [sflag:s11], $0x4000  }
0x81: {  	s10 =	simm.s32 @!p1 $0x4;
	[sflag:s11] =	ssyncset.done @!p1 $0x0  }
0x82: {  	s10 =	simm.s32 @p1 $0x3;
	[sflag:s11] =	ssyncadd.s32 @!p1 $0xFFFFC000;
	s11 =	simm.s32 @!p1 $0x2800  }
0x83: {  	[spmem:s1] =	stream.indirect.scatter.add.f32 @!p1 [tilespmem:s11], [sflag:$0x4], $0x80, s28, s0, $0xb8;
	[tilespmem:$0x1E800] =	vst v63  }
0x84: {  	_ =	swait.ge [sflag:s10], $0x4000  }
0x85: {  	[sflag:s10] =	ssyncset.done $0x0  }
0x86: {  	[sflag:s10] =	ssyncadd.s32 $0xFFFFC000  }
0x87: {  	_ =	swait.ge [sflag:s22], $0x4000  }
0x88: {  	[sflag:s22] =	ssyncset.done $0x0  }
0x89: {  	s0 =	simm.s32 $0x80;
	[sflag:s22] =	ssyncadd.s32 $0xFFFFC000  }
0x8a: {  	[spmem:s1] =	stream.indirect.scatter.add.f32 [tilespmem:s24], [sflag:$0x3], $0x80, s23, s0, $0xb8;
	[tilespmem:$0x1E800] =	vst v63  }
0x8b: {  	_ =	swait.ge [sflag:s21], $0x4000  }
0x8c: {  	[sflag:s21] =	ssyncset.done $0x0  }
0x8d: {  	s25 =	simm.s32 $0x0;
	[sflag:s21] =	ssyncadd.s32 $0xFFFFC000  }
0x8e: {  	[tilespmem:s25], [sflag:$0x3] =	stream.linear.gather [hbm4b:s16+s25], $0x1400, $0x38;
	[tilespmem:$0x1E800] =	vst v63  }
0x8f: {  	_ =	swait.ge [sflag:s21], $0x1400  }
0x90: {  	[sflag:s21] =	ssyncset.done $0x0  }
0x91: {  	s11 =	simm.s32 $0x1400;
	[sflag:s21] =	ssyncadd.s32 $0xFFFFEC00  }
0x92: {  	[tilespmem:s11], [sflag:$0x3] =	stream.linear.gather [hbm4b:s17+s25], $0x1400, $0x38;
	[tilespmem:$0x1E800] =	vst v63  }
0x93: {  	_ =	swait.ge [sflag:s21], $0x1400  }
0x94: {  	s10 =	sand.u32 $0x1, s25;
	[sflag:s21] =	ssyncset.done $0x0  }
0x95: {  	p1 =	seq.s32 s10, $0x1;
	[sflag:s21] =	ssyncadd.s32 $0xFFFFEC00  }
0x96: {  	[tilespmem:s20], [sflag:$0x1] =	stream.indirect.gather [hbm4b:s4+s0], $0x80, s25, s0, $0xb8;
	[tilespmem:$0x1E800] =	vst v63  }
0x97: {  	s10 =	simm.s32 @p1 $0x80;
	s28 =	simm.s32 @p1 $0x2;
	s25 =	simm.s32 @p1 $0x2800  }
0x98: {  	[tilespmem:s25], [sflag:$0x1] =	stream.indirect.gather @p1 [hbm4b:s4+s10], $0x80, s0, s10, $0xb8;
	[tilespmem:$0x1E800] =	vst v63  }
0x99: {  	_ =	swait.ge @p1 [sflag:s28], $0x4000  }
0x9a: {  	[sflag:s28] =	ssyncset.done @p1 $0x0  }
0x9b: {  	s25 =	simm.s32 @p1 $0x6800;
	[sflag:s28] =	ssyncadd.s32 @p1 $0xFFFFC000  }
0x9c: {  	[spmem:s1] =	stream.indirect.scatter.add.f32 @p1 [tilespmem:s25], [sflag:$0x3], $0x80, s11, s10, $0xb8;
	[tilespmem:$0x1E800] =	vst v63  }
0x9d: {  	s28 =	simm.s32 @!p1 $0x1;
	s10 =	simm.s32 @!p1 $0x80;
	s25 =	simm.s32 @!p1 $0x6800  }
0x9e: {  	[tilespmem:s25], [sflag:$0x2] =	stream.indirect.gather @!p1 [hbm4b:s4+s10], $0x80, s0, s10, $0xb8;
	[tilespmem:$0x1E800] =	vst v63  }
0x9f: {  	_ =	swait.ge @!p1 [sflag:s28], $0x4000  }
0xa0: {  	s30 =	simm.s32 $0x2;
	s31 =	simm.s32 @!p1 $0x4;
	[sflag:s28] =	ssyncset.done @!p1 $0x0  }
0xa1: {  	s31 =	simm.s32 @p1 $0x3;
	s25 =	simm.s32 @!p1 $0x2800;
	[sflag:s28] =	ssyncadd.s32 @!p1 $0xFFFFC000  }
0xa2: {  	[spmem:s1] =	stream.indirect.scatter.add.f32 @!p1 [tilespmem:s25], [sflag:$0x4], $0x80, s11, s10, $0xb8;
	[tilespmem:$0x1E800] =	vst v63  }
0xa3: {  	s29 =	simm.s32 $0x100;
	s0 =	simm.s32 $0x1;
	_ =	swait.ge [sflag:s31], $0x4000  }
0xa4: {  	s0 =	sand.u32 $0x1, s0;
	s28 =	simm.s32 $0x1480;
	[sflag:s31] =	ssyncset.done $0x0  }
.LBB2_12:
0xa5: {  	p1 =	seq.s32 s0, $0x1  }
0xa6: {  	[sflag:s31] =	ssyncadd.s32 $0xFFFFC000;
	s0 =	smov.u32 s30;
	s30 =	sadd.s32 $0x1, s30  }
0xa7: {  	s10 =	simm.s32 @p1 $0x80;
	s11 =	simm.s32 @p1 $0x2800;
	s25 =	simm.s32 @p1 $0x2  }
0xa8: {  	[tilespmem:s11], [sflag:$0x1] =	stream.indirect.gather @p1 [hbm4b:s4+s10], $0x80, s29, s10, $0xb8;
	[tilespmem:$0x1E800] =	vst v63  }
0xa9: {  	p2 =	sne.s32 s30, $0x27;
	s31 =	simm.s32 @!p1 $0x4;
	_ =	swait.ge @p1 [sflag:s25], $0x4000  }
0xaa: {  	[sflag:s25] =	ssyncset.done @p1 $0x0  }
0xab: {  	s11 =	simm.s32 @p1 $0x6800;
	[sflag:s25] =	ssyncadd.s32 @p1 $0xFFFFC000  }
0xac: {  	[spmem:s1] =	stream.indirect.scatter.add.f32 @p1 [tilespmem:s11], [sflag:$0x3], $0x80, s28, s10, $0xb8;
	[tilespmem:$0x1E800] =	vst v63  }
0xad: {  	s25 =	simm.s32 @!p1 $0x1;
	s10 =	simm.s32 @!p1 $0x80;
	s11 =	simm.s32 @!p1 $0x6800  }
0xae: {  	[tilespmem:s11], [sflag:$0x2] =	stream.indirect.gather @!p1 [hbm4b:s4+s10], $0x80, s29, s10, $0xb8;
	[tilespmem:$0x1E800] =	vst v63  }
0xaf: {  	_ =	swait.ge @!p1 [sflag:s25], $0x4000  }
.Ltmp5:
0xb0: {  	[sflag:s25] =	ssyncset.done @!p1 $0x0;
	(pc) =	sbr.rel @p2 .LBB2_12-.Ltmp5, $4  }
0xb1: {  	s31 =	simm.s32 @p1 $0x3;
	s11 =	simm.s32 @!p1 $0x2800;
	[sflag:s25] =	ssyncadd.s32 @!p1 $0xFFFFC000  }
0xb2: {  	[spmem:s1] =	stream.indirect.scatter.add.f32 @!p1 [tilespmem:s11], [sflag:$0x4], $0x80, s28, s10, $0xb8;
	[tilespmem:$0x1E800] =	vst v63  }
0xb3: {  	s29 =	sadd.s32 $0x80, s29;
	_ =	swait.ge [sflag:s31], $0x4000  }
0xb4: {  	s0 =	sand.u32 $0x1, s0;
	s28 =	sadd.s32 $0x80, s28;
	[sflag:s31] =	ssyncset.done $0x0  }
0xb5: {  	p1 =	seq.s32 s0, $0x1;
	[sflag:s31] =	ssyncadd.s32 $0xFFFFC000  }
0xb6: {  	s0 =	simm.s32 @p1 $0x80;
	s10 =	simm.s32 @p1 $0x2800;
	s11 =	simm.s32 @p1 $0x2  }
0xb7: {  	[tilespmem:s10], [sflag:$0x1] =	stream.indirect.gather @p1 [hbm4b:s4+s0], $0x80, s29, s0, $0xb8;
	[tilespmem:$0x1E800] =	vst v63  }
0xb8: {  	_ =	swait.ge @p1 [sflag:s11], $0x4000  }
0xb9: {  	[sflag:s11] =	ssyncset.done @p1 $0x0  }
0xba: {  	s10 =	simm.s32 @p1 $0x6800;
	[sflag:s11] =	ssyncadd.s32 @p1 $0xFFFFC000  }
0xbb: {  	[spmem:s1] =	stream.indirect.scatter.add.f32 @p1 [tilespmem:s10], [sflag:$0x3], $0x80, s28, s0, $0xb8;
	[tilespmem:$0x1E800] =	vst v63  }
0xbc: {  	s11 =	simm.s32 @!p1 $0x1;
	s0 =	simm.s32 @!p1 $0x80;
	s10 =	simm.s32 @!p1 $0x6800  }
0xbd: {  	[tilespmem:s10], [sflag:$0x2] =	stream.indirect.gather @!p1 [hbm4b:s4+s0], $0x80, s29, s0, $0xb8;
	[tilespmem:$0x1E800] =	vst v63  }
0xbe: {  	s10 =	simm.s32 @!p1 $0x4;
	_ =	swait.ge @!p1 [sflag:s11], $0x4000  }
0xbf: {  	s10 =	simm.s32 @p1 $0x3;
	[sflag:s11] =	ssyncset.done @!p1 $0x0  }
.Ltmp6:
0xc0: {  	[sflag:s11] =	ssyncadd.s32 @!p1 $0xFFFFC000;
	s11 =	simm.s32 @!p1 $0x2800;
	(pc) =	sbr.rel .LBB2_14-.Ltmp6, $4  }
0xc1: {  	[spmem:s1] =	stream.indirect.scatter.add.f32 @!p1 [tilespmem:s11], [sflag:$0x4], $0x80, s28, s0, $0xb8;
	[tilespmem:$0x1E800] =	vst v63  }
0xc2: {  	_ =	swait.ge [sflag:s10], $0x4000  }
0xc3: {  	[sflag:s10] =	ssyncset.done $0x0  }
0xc4: {  	[sflag:s10] =	ssyncadd.s32 $0xFFFFC000  }
.LBB2_4:
0xc5: {  	s10 =	rddreg [dreg:$0x3]  }
0xc6: {  	[tilespmem:s0], [sflag:$0x3] =	stream.linear.gather [hbm4b:s10+s0], $0x1400, $0x38;
	[tilespmem:$0x1E800] =	vst v63  }
0xc7: {  	_ =	swait.ge [sflag:s21], $0x1400  }
0xc8: {  	[sflag:s21] =	ssyncset.done $0x0  }
0xc9: {  	s28 =	simm.s32 $0x1400;
	s11 =	rddreg [dreg:$0x4];
	[sflag:s21] =	ssyncadd.s32 $0xFFFFEC00  }
0xca: {  	[tilespmem:s28], [sflag:$0x3] =	stream.linear.gather [hbm4b:s11+s0], $0x1400, $0x38;
	[tilespmem:$0x1E800] =	vst v63  }
0xcb: {  	_ =	swait.ge [sflag:s21], $0x1400  }
0xcc: {  	s25 =	sand.u32 $0x1, s0;
	[sflag:s21] =	ssyncset.done $0x0  }
0xcd: {  	s29 =	simm.s32 $0x80;
	p1 =	seq.s32 s25, $0x1;
	[sflag:s21] =	ssyncadd.s32 $0xFFFFEC00  }
0xce: {  	[tilespmem:s20], [sflag:$0x1] =	stream.indirect.gather [hbm4b:s4+s29], $0x80, s0, s29, $0xb8;
	[tilespmem:$0x1E800] =	vst v63  }
0xcf: {  	s30 =	simm.s32 @p1 $0x2800;
	s31 =	simm.s32 @p1 $0x2;
	s0 =	simm.s32 @p1 $0x80  }
0xd0: {  	[tilespmem:s30], [sflag:$0x1] =	stream.indirect.gather @p1 [hbm4b:s4+s0], $0x80, s29, s0, $0xb8;
	[tilespmem:$0x1E800] =	vst v63  }
0xd1: {  	_ =	swait.ge @p1 [sflag:s31], $0x4000  }
0xd2: {  	[sflag:s31] =	ssyncset.done @p1 $0x0  }
0xd3: {  	s30 =	simm.s32 @p1 $0x6800;
	[sflag:s31] =	ssyncadd.s32 @p1 $0xFFFFC000  }
0xd4: {  	[spmem:s1] =	stream.indirect.scatter.add.f32 @p1 [tilespmem:s30], [sflag:$0x3], $0x80, s28, s0, $0xb8;
	[tilespmem:$0x1E800] =	vst v63  }
0xd5: {  	s10 =	simm.s32 @!p1 $0x1;
	s0 =	simm.s32 @!p1 $0x80;
	s30 =	simm.s32 @!p1 $0x6800  }
0xd6: {  	[tilespmem:s30], [sflag:$0x2] =	stream.indirect.gather @!p1 [hbm4b:s4+s0], $0x80, s29, s0, $0xb8;
	[tilespmem:$0x1E800] =	vst v63  }
0xd7: {  	_ =	swait.ge @!p1 [sflag:s10], $0x4000  }
0xd8: {  	s25 =	simm.s32 $0x1;
	s31 =	simm.s32 @!p1 $0x4;
	[sflag:s10] =	ssyncset.done @!p1 $0x0  }
0xd9: {  	s31 =	simm.s32 @p1 $0x3;
	[sflag:s10] =	ssyncadd.s32 @!p1 $0xFFFFC000;
	s10 =	simm.s32 @!p1 $0x2800  }
0xda: {  	[spmem:s1] =	stream.indirect.scatter.add.f32 @!p1 [tilespmem:s10], [sflag:$0x4], $0x80, s28, s0, $0xb8;
	[tilespmem:$0x1E800] =	vst v63  }
0xdb: {  	s30 =	simm.s32 $0x2;
	s29 =	simm.s32 $0x100;
	_ =	swait.ge [sflag:s31], $0x4000  }
0xdc: {  	s0 =	sand.u32 $0x1, s25;
	s28 =	simm.s32 $0x1480;
	[sflag:s31] =	ssyncset.done $0x0  }
.LBB2_5:
0xdd: {  	p1 =	seq.s32 s0, $0x1  }
0xde: {  	[sflag:s31] =	ssyncadd.s32 $0xFFFFC000;
	s0 =	smov.u32 s30;
	s30 =	sadd.s32 $0x1, s30  }
0xdf: {  	s10 =	simm.s32 @p1 $0x80;
	s25 =	simm.s32 @p1 $0x2800;
	s11 =	simm.s32 @p1 $0x2  }
0xe0: {  	[tilespmem:s25], [sflag:$0x1] =	stream.indirect.gather @p1 [hbm4b:s4+s10], $0x80, s29, s10, $0xb8;
	[tilespmem:$0x1E800] =	vst v63  }
0xe1: {  	p2 =	sne.s32 s30, $0x27;
	s31 =	simm.s32 @!p1 $0x4;
	_ =	swait.ge @p1 [sflag:s11], $0x4000  }
0xe2: {  	[sflag:s11] =	ssyncset.done @p1 $0x0  }
0xe3: {  	[sflag:s11] =	ssyncadd.s32 @p1 $0xFFFFC000;
	s11 =	simm.s32 @p1 $0x6800  }
0xe4: {  	[spmem:s1] =	stream.indirect.scatter.add.f32 @p1 [tilespmem:s11], [sflag:$0x3], $0x80, s28, s10, $0xb8;
	[tilespmem:$0x1E800] =	vst v63  }
0xe5: {  	s25 =	simm.s32 @!p1 $0x1;
	s10 =	simm.s32 @!p1 $0x80;
	s11 =	simm.s32 @!p1 $0x6800  }
0xe6: {  	[tilespmem:s11], [sflag:$0x2] =	stream.indirect.gather @!p1 [hbm4b:s4+s10], $0x80, s29, s10, $0xb8;
	[tilespmem:$0x1E800] =	vst v63  }
0xe7: {  	_ =	swait.ge @!p1 [sflag:s25], $0x4000  }
.Ltmp7:
0xe8: {  	[sflag:s25] =	ssyncset.done @!p1 $0x0;
	(pc) =	sbr.rel @p2 .LBB2_5-.Ltmp7, $4  }
0xe9: {  	s31 =	simm.s32 @p1 $0x3;
	s11 =	simm.s32 @!p1 $0x2800;
	[sflag:s25] =	ssyncadd.s32 @!p1 $0xFFFFC000  }
0xea: {  	[spmem:s1] =	stream.indirect.scatter.add.f32 @!p1 [tilespmem:s11], [sflag:$0x4], $0x80, s28, s10, $0xb8;
	[tilespmem:$0x1E800] =	vst v63  }
0xeb: {  	s29 =	sadd.s32 $0x80, s29;
	_ =	swait.ge [sflag:s31], $0x4000  }
0xec: {  	s0 =	sand.u32 $0x1, s0;
	s28 =	sadd.s32 $0x80, s28;
	[sflag:s31] =	ssyncset.done $0x0  }
0xed: {  	p1 =	seq.s32 s0, $0x1;
	[sflag:s31] =	ssyncadd.s32 $0xFFFFC000  }
0xee: {  	s0 =	simm.s32 @p1 $0x80;
	s10 =	simm.s32 @p1 $0x2800;
	s11 =	simm.s32 @p1 $0x2  }
0xef: {  	[tilespmem:s10], [sflag:$0x1] =	stream.indirect.gather @p1 [hbm4b:s4+s0], $0x80, s29, s0, $0xb8;
	[tilespmem:$0x1E800] =	vst v63  }
0xf0: {  	_ =	swait.ge @p1 [sflag:s11], $0x4000  }
0xf1: {  	[sflag:s11] =	ssyncset.done @p1 $0x0  }
0xf2: {  	s10 =	simm.s32 @p1 $0x6800;
	[sflag:s11] =	ssyncadd.s32 @p1 $0xFFFFC000  }
0xf3: {  	[spmem:s1] =	stream.indirect.scatter.add.f32 @p1 [tilespmem:s10], [sflag:$0x3], $0x80, s28, s0, $0xb8;
	[tilespmem:$0x1E800] =	vst v63  }
0xf4: {  	s11 =	simm.s32 @!p1 $0x1;
	s0 =	simm.s32 @!p1 $0x80;
	s10 =	simm.s32 @!p1 $0x6800  }
0xf5: {  	[tilespmem:s10], [sflag:$0x2] =	stream.indirect.gather @!p1 [hbm4b:s4+s0], $0x80, s29, s0, $0xb8;
	[tilespmem:$0x1E800] =	vst v63  }
0xf6: {  	_ =	swait.ge @!p1 [sflag:s11], $0x4000  }
0xf7: {  	s10 =	simm.s32 @!p1 $0x4;
	[sflag:s11] =	ssyncset.done @!p1 $0x0  }
0xf8: {  	s10 =	simm.s32 @p1 $0x3;
	[sflag:s11] =	ssyncadd.s32 @!p1 $0xFFFFC000;
	s11 =	simm.s32 @!p1 $0x2800  }
0xf9: {  	[spmem:s1] =	stream.indirect.scatter.add.f32 @!p1 [tilespmem:s11], [sflag:$0x4], $0x80, s28, s0, $0xb8;
	[tilespmem:$0x1E800] =	vst v63  }
0xfa: {  	_ =	swait.ge [sflag:s10], $0x4000  }
0xfb: {  	[sflag:s10] =	ssyncset.done $0x0  }
0xfc: {  	[sflag:s10] =	ssyncadd.s32 $0xFFFFC000  }
0xfd: {  	_ =	swait.ge [sflag:s22], $0x4000  }
0xfe: {  	[sflag:s22] =	ssyncset.done $0x0  }
0xff: {  	s0 =	simm.s32 $0x80;
	[sflag:s22] =	ssyncadd.s32 $0xFFFFC000  }
0x100: {  	[spmem:s1] =	stream.indirect.scatter.add.f32 [tilespmem:s24], [sflag:$0x3], $0x80, s23, s0, $0xb8;
	[tilespmem:$0x1E800] =	vst v63  }
0x101: {  	_ =	swait.ge [sflag:s21], $0x4000  }
0x102: {  	[sflag:s21] =	ssyncset.done $0x0  }
0x103: {  	s25 =	simm.s32 $0x0;
	[sflag:s21] =	ssyncadd.s32 $0xFFFFC000  }
0x104: {  	[tilespmem:s25], [sflag:$0x3] =	stream.linear.gather [hbm4b:s12+s25], $0x1400, $0x38;
	[tilespmem:$0x1E800] =	vst v63  }
0x105: {  	_ =	swait.ge [sflag:s21], $0x1400  }
0x106: {  	[sflag:s21] =	ssyncset.done $0x0  }
0x107: {  	s11 =	simm.s32 $0x1400;
	[sflag:s21] =	ssyncadd.s32 $0xFFFFEC00  }
0x108: {  	[tilespmem:s11], [sflag:$0x3] =	stream.linear.gather [hbm4b:s13+s25], $0x1400, $0x38;
	[tilespmem:$0x1E800] =	vst v63  }
0x109: {  	_ =	swait.ge [sflag:s21], $0x1400  }
0x10a: {  	s10 =	sand.u32 $0x1, s25;
	[sflag:s21] =	ssyncset.done $0x0  }
0x10b: {  	p1 =	seq.s32 s10, $0x1;
	[sflag:s21] =	ssyncadd.s32 $0xFFFFEC00  }
0x10c: {  	[tilespmem:s20], [sflag:$0x1] =	stream.indirect.gather [hbm4b:s4+s0], $0x80, s25, s0, $0xb8;
	[tilespmem:$0x1E800] =	vst v63  }
0x10d: {  	s10 =	simm.s32 @p1 $0x80;
	s28 =	simm.s32 @p1 $0x2;
	s25 =	simm.s32 @p1 $0x2800  }
0x10e: {  	[tilespmem:s25], [sflag:$0x1] =	stream.indirect.gather @p1 [hbm4b:s4+s10], $0x80, s0, s10, $0xb8;
	[tilespmem:$0x1E800] =	vst v63  }
0x10f: {  	_ =	swait.ge @p1 [sflag:s28], $0x4000  }
0x110: {  	[sflag:s28] =	ssyncset.done @p1 $0x0  }
0x111: {  	s25 =	simm.s32 @p1 $0x6800;
	[sflag:s28] =	ssyncadd.s32 @p1 $0xFFFFC000  }
0x112: {  	[spmem:s1] =	stream.indirect.scatter.add.f32 @p1 [tilespmem:s25], [sflag:$0x3], $0x80, s11, s10, $0xb8;
	[tilespmem:$0x1E800] =	vst v63  }
0x113: {  	s28 =	simm.s32 @!p1 $0x1;
	s10 =	simm.s32 @!p1 $0x80;
	s25 =	simm.s32 @!p1 $0x6800  }
0x114: {  	[tilespmem:s25], [sflag:$0x2] =	stream.indirect.gather @!p1 [hbm4b:s4+s10], $0x80, s0, s10, $0xb8;
	[tilespmem:$0x1E800] =	vst v63  }
0x115: {  	_ =	swait.ge @!p1 [sflag:s28], $0x4000  }
0x116: {  	s30 =	simm.s32 $0x2;
	s31 =	simm.s32 @!p1 $0x4;
	[sflag:s28] =	ssyncset.done @!p1 $0x0  }
0x117: {  	s31 =	simm.s32 @p1 $0x3;
	s25 =	simm.s32 @!p1 $0x2800;
	[sflag:s28] =	ssyncadd.s32 @!p1 $0xFFFFC000  }
0x118: {  	[spmem:s1] =	stream.indirect.scatter.add.f32 @!p1 [tilespmem:s25], [sflag:$0x4], $0x80, s11, s10, $0xb8;
	[tilespmem:$0x1E800] =	vst v63  }
0x119: {  	s29 =	simm.s32 $0x100;
	s0 =	simm.s32 $0x1;
	_ =	swait.ge [sflag:s31], $0x4000  }
0x11a: {  	s0 =	sand.u32 $0x1, s0;
	s28 =	simm.s32 $0x1480;
	[sflag:s31] =	ssyncset.done $0x0  }
.LBB2_7:
0x11b: {  	p1 =	seq.s32 s0, $0x1  }
0x11c: {  	[sflag:s31] =	ssyncadd.s32 $0xFFFFC000;
	s0 =	smov.u32 s30;
	s30 =	sadd.s32 $0x1, s30  }
0x11d: {  	s10 =	simm.s32 @p1 $0x80;
	s11 =	simm.s32 @p1 $0x2800;
	s25 =	simm.s32 @p1 $0x2  }
0x11e: {  	[tilespmem:s11], [sflag:$0x1] =	stream.indirect.gather @p1 [hbm4b:s4+s10], $0x80, s29, s10, $0xb8;
	[tilespmem:$0x1E800] =	vst v63  }
0x11f: {  	p2 =	seq.s32 s30, $0x27;
	s31 =	simm.s32 @!p1 $0x4;
	_ =	swait.ge @p1 [sflag:s25], $0x4000  }
0x120: {  	[sflag:s25] =	ssyncset.done @p1 $0x0  }
0x121: {  	s11 =	simm.s32 @p1 $0x6800;
	[sflag:s25] =	ssyncadd.s32 @p1 $0xFFFFC000  }
0x122: {  	[spmem:s1] =	stream.indirect.scatter.add.f32 @p1 [tilespmem:s11], [sflag:$0x3], $0x80, s28, s10, $0xb8;
	[tilespmem:$0x1E800] =	vst v63  }
0x123: {  	s25 =	simm.s32 @!p1 $0x1;
	s10 =	simm.s32 @!p1 $0x80;
	s11 =	simm.s32 @!p1 $0x6800  }
0x124: {  	[tilespmem:s11], [sflag:$0x2] =	stream.indirect.gather @!p1 [hbm4b:s4+s10], $0x80, s29, s10, $0xb8;
	[tilespmem:$0x1E800] =	vst v63  }
0x125: {  	_ =	swait.ge @!p1 [sflag:s25], $0x4000  }
.Ltmp8:
0x126: {  	[sflag:s25] =	ssyncset.done @!p1 $0x0;
	(pc) =	sbr.rel @!p2 .LBB2_7-.Ltmp8, $4  }
0x127: {  	s31 =	simm.s32 @p1 $0x3;
	s11 =	simm.s32 @!p1 $0x2800;
	[sflag:s25] =	ssyncadd.s32 @!p1 $0xFFFFC000  }
0x128: {  	[spmem:s1] =	stream.indirect.scatter.add.f32 @!p1 [tilespmem:s11], [sflag:$0x4], $0x80, s28, s10, $0xb8;
	[tilespmem:$0x1E800] =	vst v63  }
0x129: {  	s29 =	sadd.s32 $0x80, s29;
	_ =	swait.ge [sflag:s31], $0x4000  }
0x12a: {  	s0 =	sand.u32 $0x1, s0;
	s28 =	sadd.s32 $0x80, s28;
	[sflag:s31] =	ssyncset.done $0x0  }
.Ltmp9:
0x12b: {  	_ = 	snop;
	(pc) =	sbr.rel .LBB2_8-.Ltmp9, $1  }
0x12c: {  	_ =	sdelay $0x3  }
.LBB2_15:
0x12d: {  	_ =	sfence.sel $0x180000  }
0x12e: {  	[bflag:$0x0] =	sbarrier.arrive $0xFFFF  }
0x12f: {  	_ =	strace $0x9000004A  }
0x130: {  	[bflag:$0x2] =	sbarrier.arrive $0xFFFF  }
0x131: {  	p0 =	sne.s32 s2, $0x0;
	s0 =	rddreg [dreg:$0x2]  }
0x132: {  	s0 =	sadd.s32 @!p0 $0x100000, s0  }
0x133: {  	[sflag:s0] =	ssyncadd.tile.s32 @!p0 $0x1;
	_ =	shalt  }
.Lfunc_end2:
_tile_overlayer_lowered:
.L_overlay_start_2:
0x134: {  	(tag) =	ssettag $0x2  }
0x135: {  	s0 =	rddreg [dreg:$0x0];
	s2 =	stileid.u32  }
0x136: {  	s1 =	rddreg [dreg:$0x1];
	p0 =	sne.s32 s2, $0x0  }
0x137: {  	s3 =	rddreg [dreg:$0x2];
	[bflag:$0x3] =	sbarrier.arrive $0xFFFF;
	s2 =	simm.s32 @!p0 $0x1C03  }
0x138: {  	[timem:s3], [sflag:s2] =	dma.local @!p0 [hbm:s0], s1  }
0x139: {  	s0 =	simm.s32 @!p0 $0x3  }
0x13a: {  	_ =	swait.ge @!p0 [sflag:s0], s1  }
0x13b: {  	s1 =	ssub.s32 @!p0 $0x0, s1;
	[sflag:s0] =	ssyncset.done @!p0 $0x0  }
0x13c: {  	[sflag:s0] =	ssyncadd.s32 @!p0 s1  }
0x13d: {  	[bflag:$0x3] =	sbarrier.arrive $0xFFFF  }
0x13e: {  	_ =	shalt  }

</sc_bundles>
